<compile_context>
chip_gen: v7x
topology: tpu7x:2x2x1
jax: 0.10.2.dev20260603
libtpu: 0.0.44.dev20260713+nightly
codegen_flags: <defaults>
</compile_context>

<pallas_src>
import functools

import jax
import jax.numpy as jnp
from jax import lax
from jax.experimental import pallas as pl
from jax.experimental.pallas import tpu as pltpu
from jax.experimental.pallas import tpu_sc as plsc

_N = 10000
_E = 320000
_D = 128
_NC = 2
_NS = 16
_CH = 125
_EPT = _E // (_NC * _NS)
_NCHUNK = _EPT // _CH
_CCH = 128
_NCCH = _EPT // _CCH
_CREM = _EPT - _NCCH * _CCH
_RPT = 632
_BN = 2000


def _sc_body(with_count, *refs):
    if with_count:
        (h_hbm, epk_hbm, dst_hbm, zrow_hbm, zcnt_hbm, ones_hbm,
         aggp_hbm, cnt0_hbm, cnt1_hbm,
         ei_a, ei_b, rows_a, rows_b,
         isa, isb, gsa, gsb, agg_sh, ones_v, cnt_sh, ci_a, ci_b, cr_v,
         cz_v) = refs
    else:
        (h_hbm, epk_hbm, dst_hbm, zrow_hbm, aggp_hbm,
         ei_a, ei_b, rows_a, rows_b,
         isa, isb, gsa, gsb, agg_sh) = refs

    c = lax.axis_index("c")
    s = lax.axis_index("s")
    wid = c * _NS + s
    ebase = wid * _EPT
    cbase = wid * _NCHUNK
    rbase = lax.min(s * _RPT, _N - _RPT)

    pltpu.sync_copy(zrow_hbm, agg_sh.at[pl.ds(rbase, _RPT)])
    if with_count:
        pltpu.sync_copy(zcnt_hbm, cz_v)
        pltpu.sync_copy(cz_v, cnt_sh.at[pl.ds(rbase, _RPT)])
        pltpu.sync_copy(ones_hbm, ones_v)
    plsc.subcore_barrier()

    if with_count:
        def ds_cidx(j):
            return pl.ds(ebase + j * _CCH, _CCH)

        pltpu.async_copy(dst_hbm.at[ds_cidx(0)], ci_a, isa)
        pltpu.async_copy(dst_hbm.at[ds_cidx(1)], ci_b, isb)

        @pl.loop(0, _NCCH // 2)
        def cpair(p):
            j0 = 2 * p
            pltpu.make_async_copy(dst_hbm.at[ds_cidx(j0)], ci_a, isa).wait()
            pltpu.sync_copy(ones_v, cnt_sh.at[ci_a], add=True)

            @pl.when(j0 + 2 < _NCCH)
            def _():
                pltpu.async_copy(dst_hbm.at[ds_cidx(j0 + 2)], ci_a, isa)

            pltpu.make_async_copy(dst_hbm.at[ds_cidx(j0)], ci_b, isb).wait()
            pltpu.sync_copy(ones_v, cnt_sh.at[ci_b], add=True)

            @pl.when(j0 + 3 < _NCCH)
            def _():
                pltpu.async_copy(dst_hbm.at[ds_cidx(j0 + 3)], ci_b, isb)

        pltpu.sync_copy(dst_hbm.at[pl.ds(ebase + _NCCH * _CCH, _CREM)], cr_v)
        pltpu.sync_copy(ones_v.at[pl.ds(0, _CREM)], cnt_sh.at[cr_v], add=True)

        plsc.subcore_barrier()

        pltpu.sync_copy(cnt_sh.at[pl.ds(rbase, _RPT)], cz_v)

        @pl.when(c == 0)
        def _():
            pltpu.sync_copy(cz_v, cnt0_hbm.at[pl.ds(rbase, _RPT)])

        @pl.when(c == 1)
        def _():
            pltpu.sync_copy(cz_v, cnt1_hbm.at[pl.ds(rbase, _RPT)])

        plsc.subcore_barrier()

    def fetch_eidx(j, buf, sem):
        pltpu.async_copy(epk_hbm.at[cbase + j], buf, sem)

    def wait_eidx(buf, sem):
        pltpu.make_async_copy(epk_hbm.at[cbase], buf, sem).wait()

    fetch_eidx(0, ei_a, isa)
    fetch_eidx(1, ei_b, isb)
    wait_eidx(ei_a, isa)
    pltpu.async_copy(h_hbm.at[ei_a.at[0]], rows_a, gsa)

    @pl.loop(0, _NCHUNK // 2 - 1)
    def pair(p):
        j0 = 2 * p
        wait_eidx(ei_b, isb)
        pltpu.async_copy(h_hbm.at[ei_b.at[0]], rows_b, gsb)
        pltpu.make_async_copy(h_hbm.at[ei_a.at[0]], rows_a, gsa).wait()
        pltpu.sync_copy(rows_a, agg_sh.at[ei_a.at[1]], add=True)
        fetch_eidx(j0 + 2, ei_a, isa)
        wait_eidx(ei_a, isa)
        pltpu.async_copy(h_hbm.at[ei_a.at[0]], rows_a, gsa)
        pltpu.make_async_copy(h_hbm.at[ei_b.at[0]], rows_b, gsb).wait()
        pltpu.sync_copy(rows_b, agg_sh.at[ei_b.at[1]], add=True)

        @pl.when(j0 + 3 < _NCHUNK)
        def _():
            fetch_eidx(j0 + 3, ei_b, isb)

    wait_eidx(ei_b, isb)
    pltpu.async_copy(h_hbm.at[ei_b.at[0]], rows_b, gsb)
    pltpu.make_async_copy(h_hbm.at[ei_a.at[0]], rows_a, gsa).wait()
    pltpu.sync_copy(rows_a, agg_sh.at[ei_a.at[1]], add=True)
    pltpu.make_async_copy(h_hbm.at[ei_b.at[0]], rows_b, gsb).wait()
    pltpu.sync_copy(rows_b, agg_sh.at[ei_b.at[1]], add=True)

    plsc.subcore_barrier()
    pltpu.sync_copy(agg_sh.at[pl.ds(rbase, _RPT)],
                    aggp_hbm.at[c, pl.ds(rbase, _RPT)])


def _make_sc_agg(with_count):
    mesh = plsc.VectorSubcoreMesh(core_axis_name="c", subcore_axis_name="s",
                                  num_cores=_NC, num_subcores=_NS)
    out_type = jax.ShapeDtypeStruct((_NC, _N, _D), jnp.float32)
    scratch = (
        [pltpu.VMEM((2, _CH), jnp.int32)] * 2
        + [pltpu.VMEM((_CH, _D), jnp.float32)] * 2
        + [pltpu.SemaphoreType.DMA] * 4
        + [pltpu.VMEM_SHARED((_N, _D), jnp.float32)]
    )
    if with_count:
        out_type = (out_type,
                    jax.ShapeDtypeStruct((_N,), jnp.float32),
                    jax.ShapeDtypeStruct((_N,), jnp.float32))
        scratch += [
            pltpu.VMEM((_CCH,), jnp.float32),
            pltpu.VMEM_SHARED((_N,), jnp.float32),
            pltpu.VMEM((_CCH,), jnp.int32),
            pltpu.VMEM((_CCH,), jnp.int32),
            pltpu.VMEM((_CREM,), jnp.int32),
            pltpu.VMEM((_RPT,), jnp.float32),
        ]
    return pl.kernel(functools.partial(_sc_body, with_count),
                     out_type=out_type, mesh=mesh, scratch_types=scratch)


def _tc_body(first, aggp_ref, cnt0_ref, cnt1_ref, h_ref, wl_ref, wr_ref,
             bl_ref, g_ref, b_ref, out_ref):
    agg = aggp_ref[0] + aggp_ref[1]
    cnt = cnt0_ref[...] + cnt1_ref[...]
    mean = agg / jnp.maximum(cnt, 1.0)
    lin = (jnp.dot(mean, wl_ref[...], preferred_element_type=jnp.float32)
           + jnp.dot(h_ref[...], wr_ref[...], preferred_element_type=jnp.float32)
           + bl_ref[...])
    mu = jnp.mean(lin, axis=-1, keepdims=True)
    var = jnp.mean(jnp.square(lin - mu), axis=-1, keepdims=True)
    ln = (lin - mu) / jnp.sqrt(var + 1e-5) * g_ref[...] + b_ref[...]
    hn = jnp.maximum(ln, 0.0)
    out_ref[...] = hn if first else h_ref[...] + hn


def _tc_layer(first, aggp, cnt0, cnt1, h, wl, wr, bl2, g2, b2):
    return pl.pallas_call(
        functools.partial(_tc_body, first),
        grid=(_N // _BN,),
        in_specs=[
            pl.BlockSpec((_NC, _BN, _D), lambda i: (0, i, 0)),
            pl.BlockSpec((_BN, 1), lambda i: (i, 0)),
            pl.BlockSpec((_BN, 1), lambda i: (i, 0)),
            pl.BlockSpec((_BN, _D), lambda i: (i, 0)),
            pl.BlockSpec((_D, _D), lambda i: (0, 0)),
            pl.BlockSpec((_D, _D), lambda i: (0, 0)),
            pl.BlockSpec((1, _D), lambda i: (0, 0)),
            pl.BlockSpec((1, _D), lambda i: (0, 0)),
            pl.BlockSpec((1, _D), lambda i: (0, 0)),
        ],
        out_specs=pl.BlockSpec((_BN, _D), lambda i: (i, 0)),
        out_shape=jax.ShapeDtypeStruct((_N, _D), jnp.float32),
    )(aggp, cnt0, cnt1, h, wl, wr, bl2, g2, b2)


def kernel(x, Wl, bl, Wr, ln_g, ln_b, edge_index):
    epk = edge_index.reshape(2, _NC * _NS * _NCHUNK, _CH).transpose(1, 0, 2)
    dst = edge_index[1]
    zrow = jnp.zeros((_RPT, _D), jnp.float32)
    zcnt = jnp.zeros((_RPT,), jnp.float32)
    ones = jnp.ones((_CCH,), jnp.float32)
    num_layers = Wl.shape[0]

    sc_agg_cnt = _make_sc_agg(True)
    sc_agg = _make_sc_agg(False)

    h = x
    cnt0 = cnt1 = None
    for i in range(num_layers):
        if i == 0:
            aggp, cnt0, cnt1 = sc_agg_cnt(h, epk, dst, zrow, zcnt, ones)
            cnt0 = cnt0.reshape(_N, 1)
            cnt1 = cnt1.reshape(_N, 1)
        else:
            aggp = sc_agg(h, epk, dst, zrow)
        h = _tc_layer(i == 0, aggp, cnt0, cnt1, h, Wl[i], Wr[i],
                      bl[i][None, :], ln_g[i][None, :], ln_b[i][None, :])
    return h

# --- scband reference (transcript-rebuilt; emitter-appended) ---
"""Pipeline reference for scband-patch-gnn-90082644066753 (READ-ONLY COPY).

The authoritative reference and input builder live on the scoring server;
editing this copy changes nothing except your own understanding.
"""

import jax, jax.numpy as jnp
import numpy as np

N = 10000
E = 320000
D = 128
L = 4

def setup_inputs(seed: int = 0) -> dict:
    key = jax.random.key(seed)
    ks = jax.random.split(key, 6)
    x = jax.random.normal(ks[0], (N, D), dtype=jnp.float32)
    edge_index = jax.random.randint(ks[1], (2, E), 0, N, dtype=jnp.int32)
    scale = 1.0 / np.sqrt(D)
    Wl = jax.random.normal(ks[2], (L, D, D), dtype=jnp.float32) * scale
    bl = jnp.zeros((L, D), dtype=jnp.float32)
    Wr = jax.random.normal(ks[3], (L, D, D), dtype=jnp.float32) * scale
    ln_g = jnp.ones((L, D), dtype=jnp.float32)
    ln_b = jnp.zeros((L, D), dtype=jnp.float32)
    return {"x": x, "Wl": Wl, "bl": bl, "Wr": Wr, "ln_g": ln_g, "ln_b": ln_b, "edge_index": edge_index}


def reference(x, Wl, bl, Wr, ln_g, ln_b, edge_index):
    # PatchGNN: 4 x (GraphSAGE(num_layers=1) -> LayerNorm -> ReLU -> Dropout(eval=identity))
    # with residual connection for i > 0 when shapes match.
    src = edge_index[0]
    dst = edge_index[1]
    ones = jnp.ones((E,), dtype=jnp.float32)
    cnt = jax.ops.segment_sum(ones, dst, num_segments=N)
    denom = jnp.maximum(cnt, 1.0)[:, None]
    h = x
    for i in range(L):
        # SAGEConv: lin_l(mean_aggr(x_src over dst)) + lin_r(x)
        msgs = h[src]  # gather: [E, D]
        agg = jax.ops.segment_sum(msgs, dst, num_segments=N)  # scatter-add
        mean = agg / denom
        lin = mean @ Wl[i] + bl[i] + h @ Wr[i]
        # LayerNorm
        mu = jnp.mean(lin, axis=-1, keepdims=True)
        var = jnp.var(lin, axis=-1, keepdims=True)
        ln = (lin - mu) / jnp.sqrt(var + 1e-5) * ln_g[i] + ln_b[i]
        h_new = jax.nn.relu(ln)
        if i > 0:
            h = h + h_new
        else:
            h = h_new
    return h

if __name__ == "__main__":
    import jax
    _d = setup_inputs()
    print(jax.jit(kernel)(*tuple(_d.values())))

</pallas_src>

<mosaic_0001>
#map = affine_map<(d0, d1) -> (0, 0)>
#map1 = affine_map<(d0, d1) -> (0, 0, 0)>
#map2 = affine_map<(d0, d1) -> (0)>
module attributes {stable_mosaic.version = 14 : i64} {
  func.func @_sc_body(%arg0: i32, %arg1: i32, %arg2: memref<10000x128xf32, #tpu.memory_space<hbm>>, %arg3: memref<2560x2x125xi32, #tpu.memory_space<hbm>>, %arg4: memref<320000xi32, #tpu.memory_space<hbm>>, %arg5: memref<632x128xf32, #tpu.memory_space<hbm>>, %arg6: memref<2x10000x128xf32, #tpu.memory_space<hbm>>, %arg7: memref<2x125xi32, #tpu.memory_space<vmem>>, %arg8: memref<2x125xi32, #tpu.memory_space<vmem>>, %arg9: memref<125x128xf32, #tpu.memory_space<vmem>>, %arg10: memref<125x128xf32, #tpu.memory_space<vmem>>, %arg11: memref<!tpu.dma_semaphore, #tpu.memory_space<semaphore_mem>>, %arg12: memref<!tpu.dma_semaphore, #tpu.memory_space<semaphore_mem>>, %arg13: memref<!tpu.dma_semaphore, #tpu.memory_space<semaphore_mem>>, %arg14: memref<!tpu.dma_semaphore, #tpu.memory_space<semaphore_mem>>, %arg15: memref<10000x128xf32, #tpu.memory_space<vmem_shared>>) attributes {dimension_semantics = [#tpu.dimension_semantics<core_parallel>, #tpu.dimension_semantics<subcore_parallel>], iteration_bounds = array<i64: 2, 16>, scalar_prefetch = 0 : i64, scratch_operands = 9 : i64, tpu.core_type = #tpu.core_type<sc_vector_subcore>, window_params = [{transform_indices = #map}, {transform_indices = #map1}, {transform_indices = #map2}, {transform_indices = #map}, {transform_indices = #map1}]} {
    %mul3A = arith.constant 16 : i32
    %mul3A_0 = arith.muli %arg0, %mul3A : i32
    %add3A = arith.addi %mul3A_0, %arg1 : i32
    %mul3A_1 = arith.constant 10000 : i32
    %mul3A_2 = arith.muli %add3A, %mul3A_1 : i32
    %mul3A_3 = arith.constant 80 : i32
    %mul3A_4 = arith.muli %add3A, %mul3A_3 : i32
    %mul3A_5 = arith.constant 632 : i32
    %mul3A_6 = arith.muli %arg1, %mul3A_5 : i32
    %min3A = arith.constant 9368 : i32
    %min3A_7 = arith.minsi %mul3A_6, %min3A : i32
    "tpu.region"() ({
      %run_scoped3A_76 = tpu.sem_alloc : memref<!tpu.dma_semaphore, #tpu.memory_space<semaphore_mem>>
      %dma_start3A_77 = arith.constant 0 : i32
      %dma_start3A_78 = tpu.memref_slice %arg15[%min3A_7, %dma_start3A_77] : memref<10000x128xf32, #tpu.memory_space<vmem_shared>> -> memref<632x128xf32, #tpu.memory_space<vmem_shared>>
      tpu.enqueue_dma source(%arg5 : memref<632x128xf32, #tpu.memory_space<hbm>>) target(%dma_start3A_78 : memref<632x128xf32, #tpu.memory_space<vmem_shared>>) target_semaphore(%run_scoped3A_76 : memref<!tpu.dma_semaphore, #tpu.memory_space<semaphore_mem>>)
      %dma_wait3A_79 = arith.constant 0 : i32
      %dma_wait3A_80 = tpu.memref_slice %arg15[%min3A_7, %dma_wait3A_79] : memref<10000x128xf32, #tpu.memory_space<vmem_shared>> -> memref<632x128xf32, #tpu.memory_space<vmem_shared>>
      tpu.wait_dma2 semaphore(%run_scoped3A_76 : memref<!tpu.dma_semaphore, #tpu.memory_space<semaphore_mem>>) src(%arg5 : memref<632x128xf32, #tpu.memory_space<hbm>>) dst(%dma_wait3A_80 : memref<632x128xf32, #tpu.memory_space<vmem_shared>>)
      tpu.yield
    }) : () -> ()
    %barrier3A = arith.constant 0 : index
    tpu.barrier barrier_id(%barrier3A)
    %add3A_8 = arith.constant 0 : i32
    %add3A_9 = arith.addi %mul3A_4, %add3A_8 : i32
    %dma_start3A = arith.constant 0 : i32
    %dma_start3A_10 = arith.constant 0 : i32
    %dma_start3A_11 = tpu.memref_slice %arg3[%add3A_9, %dma_start3A, %dma_start3A_10] : memref<2560x2x125xi32, #tpu.memory_space<hbm>> -> memref<1x2x125xi32, #tpu.memory_space<hbm>>
    %dma_start3A_12 = tpu.memref_squeeze %dma_start3A_11 : memref<1x2x125xi32, #tpu.memory_space<hbm>> -> memref<2x125xi32, #tpu.memory_space<hbm>>
    %dma_start3A_13 = arith.constant 0 : i32
    %dma_start3A_14 = arith.constant 0 : i32
    %dma_start3A_15 = tpu.memref_slice %arg3[%add3A_9, %dma_start3A_13, %dma_start3A_14] : memref<2560x2x125xi32, #tpu.memory_space<hbm>> -> memref<1x2x125xi32, #tpu.memory_space<hbm>>
    %dma_start3A_16 = tpu.memref_squeeze %dma_start3A_15 : memref<1x2x125xi32, #tpu.memory_space<hbm>> -> memref<2x125xi32, #tpu.memory_space<hbm>>
    tpu.enqueue_dma source(%dma_start3A_16 : memref<2x125xi32, #tpu.memory_space<hbm>>) target(%arg7 : memref<2x125xi32, #tpu.memory_space<vmem>>) target_semaphore(%arg11 : memref<!tpu.dma_semaphore, #tpu.memory_space<semaphore_mem>>)
    %add3A_17 = arith.constant 1 : i32
    %add3A_18 = arith.addi %mul3A_4, %add3A_17 : i32
    %dma_start3A_19 = arith.constant 0 : i32
    %dma_start3A_20 = arith.constant 0 : i32
    %dma_start3A_21 = tpu.memref_slice %arg3[%add3A_18, %dma_start3A_19, %dma_start3A_20] : memref<2560x2x125xi32, #tpu.memory_space<hbm>> -> memref<1x2x125xi32, #tpu.memory_space<hbm>>
    %dma_start3A_22 = tpu.memref_squeeze %dma_start3A_21 : memref<1x2x125xi32, #tpu.memory_space<hbm>> -> memref<2x125xi32, #tpu.memory_space<hbm>>
    %dma_start3A_23 = arith.constant 0 : i32
    %dma_start3A_24 = arith.constant 0 : i32
    %dma_start3A_25 = tpu.memref_slice %arg3[%add3A_18, %dma_start3A_23, %dma_start3A_24] : memref<2560x2x125xi32, #tpu.memory_space<hbm>> -> memref<1x2x125xi32, #tpu.memory_space<hbm>>
    %dma_start3A_26 = tpu.memref_squeeze %dma_start3A_25 : memref<1x2x125xi32, #tpu.memory_space<hbm>> -> memref<2x125xi32, #tpu.memory_space<hbm>>
    tpu.enqueue_dma source(%dma_start3A_26 : memref<2x125xi32, #tpu.memory_space<hbm>>) target(%arg8 : memref<2x125xi32, #tpu.memory_space<vmem>>) target_semaphore(%arg12 : memref<!tpu.dma_semaphore, #tpu.memory_space<semaphore_mem>>)
    %dma_wait3A = arith.constant 0 : i32
    %dma_wait3A_27 = arith.constant 0 : i32
    %dma_wait3A_28 = tpu.memref_slice %arg3[%mul3A_4, %dma_wait3A, %dma_wait3A_27] : memref<2560x2x125xi32, #tpu.memory_space<hbm>> -> memref<1x2x125xi32, #tpu.memory_space<hbm>>
    %dma_wait3A_29 = tpu.memref_squeeze %dma_wait3A_28 : memref<1x2x125xi32, #tpu.memory_space<hbm>> -> memref<2x125xi32, #tpu.memory_space<hbm>>
    %dma_wait3A_30 = arith.constant 0 : i32
    %dma_wait3A_31 = arith.constant 0 : i32
    %dma_wait3A_32 = tpu.memref_slice %arg3[%mul3A_4, %dma_wait3A_30, %dma_wait3A_31] : memref<2560x2x125xi32, #tpu.memory_space<hbm>> -> memref<1x2x125xi32, #tpu.memory_space<hbm>>
    %dma_wait3A_33 = tpu.memref_squeeze %dma_wait3A_32 : memref<1x2x125xi32, #tpu.memory_space<hbm>> -> memref<2x125xi32, #tpu.memory_space<hbm>>
    tpu.wait_dma2 semaphore(%arg11 : memref<!tpu.dma_semaphore, #tpu.memory_space<semaphore_mem>>) src(%dma_wait3A_33 : memref<2x125xi32, #tpu.memory_space<hbm>>) dst(%arg7 : memref<2x125xi32, #tpu.memory_space<vmem>>)
    %dma_start3A_34 = arith.constant 0 : i32
    %dma_start3A_35 = arith.constant 0 : i32
    %dma_start3A_36 = tpu.memref_slice %arg7[%dma_start3A_34, %dma_start3A_35] : memref<2x125xi32, #tpu.memory_space<vmem>> -> memref<1x125xi32, #tpu.memory_space<vmem>>
    %dma_start3A_37 = tpu.memref_squeeze %dma_start3A_36 : memref<1x125xi32, #tpu.memory_space<vmem>> -> memref<125xi32, #tpu.memory_space<vmem>>
    %dma_start3A_38 = arith.constant 0 : i32
    %dma_start3A_39 = arith.constant 0 : i32
    %dma_start3A_40 = tpu.memref_slice %arg2[%dma_start3A_38, %dma_start3A_39] : memref<10000x128xf32, #tpu.memory_space<hbm>> -> memref<10000x128xf32, #tpu.memory_space<hbm>>
    tpu.enqueue_indirect_dma source(%dma_start3A_40 : memref<10000x128xf32, #tpu.memory_space<hbm>>) target(%arg9 : memref<125x128xf32, #tpu.memory_space<vmem>>) offsets(%dma_start3A_37 : memref<125xi32, #tpu.memory_space<vmem>>) semaphore(%arg13 : memref<!tpu.dma_semaphore, #tpu.memory_space<semaphore_mem>>)
    %scan3A = arith.constant 0 : i32
    %scan3A_41 = arith.constant 39 : i32
    %scan3A_42 = arith.addi %scan3A, %scan3A_41 : i32
    %scan3A_43 = arith.constant 1 : i32
    scf.for %scan3A_76 = %scan3A to %scan3A_42 step %scan3A_43  : i32 {
      %mul3A_77 = arith.constant 1 : i32
      %mul3A_78 = arith.muli %scan3A_76, %mul3A_77 : i32
      %add3A_79 = arith.constant 0 : i32
      %add3A_80 = arith.addi %add3A_79, %mul3A_78 : i32
      %mul3A_81 = arith.constant 2 : i32
      %mul3A_82 = arith.muli %mul3A_81, %add3A_80 : i32
      %dma_wait3A_83 = arith.constant 0 : i32
      %dma_wait3A_84 = arith.constant 0 : i32
      %dma_wait3A_85 = tpu.memref_slice %arg3[%mul3A_4, %dma_wait3A_83, %dma_wait3A_84] : memref<2560x2x125xi32, #tpu.memory_space<hbm>> -> memref<1x2x125xi32, #tpu.memory_space<hbm>>
      %dma_wait3A_86 = tpu.memref_squeeze %dma_wait3A_85 : memref<1x2x125xi32, #tpu.memory_space<hbm>> -> memref<2x125xi32, #tpu.memory_space<hbm>>
      %dma_wait3A_87 = arith.constant 0 : i32
      %dma_wait3A_88 = arith.constant 0 : i32
      %dma_wait3A_89 = tpu.memref_slice %arg3[%mul3A_4, %dma_wait3A_87, %dma_wait3A_88] : memref<2560x2x125xi32, #tpu.memory_space<hbm>> -> memref<1x2x125xi32, #tpu.memory_space<hbm>>
      %dma_wait3A_90 = tpu.memref_squeeze %dma_wait3A_89 : memref<1x2x125xi32, #tpu.memory_space<hbm>> -> memref<2x125xi32, #tpu.memory_space<hbm>>
      tpu.wait_dma2 semaphore(%arg12 : memref<!tpu.dma_semaphore, #tpu.memory_space<semaphore_mem>>) src(%dma_wait3A_90 : memref<2x125xi32, #tpu.memory_space<hbm>>) dst(%arg8 : memref<2x125xi32, #tpu.memory_space<vmem>>)
      %dma_start3A_91 = arith.constant 0 : i32
      %dma_start3A_92 = arith.constant 0 : i32
      %dma_start3A_93 = tpu.memref_slice %arg8[%dma_start3A_91, %dma_start3A_92] : memref<2x125xi32, #tpu.memory_space<vmem>> -> memref<1x125xi32, #tpu.memory_space<vmem>>
      %dma_start3A_94 = tpu.memref_squeeze %dma_start3A_93 : memref<1x125xi32, #tpu.memory_space<vmem>> -> memref<125xi32, #tpu.memory_space<vmem>>
      %dma_start3A_95 = arith.constant 0 : i32
      %dma_start3A_96 = arith.constant 0 : i32
      %dma_start3A_97 = tpu.memref_slice %arg2[%dma_start3A_95, %dma_start3A_96] : memref<10000x128xf32, #tpu.memory_space<hbm>> -> memref<10000x128xf32, #tpu.memory_space<hbm>>
      tpu.enqueue_indirect_dma source(%dma_start3A_97 : memref<10000x128xf32, #tpu.memory_space<hbm>>) target(%arg10 : memref<125x128xf32, #tpu.memory_space<vmem>>) offsets(%dma_start3A_94 : memref<125xi32, #tpu.memory_space<vmem>>) semaphore(%arg14 : memref<!tpu.dma_semaphore, #tpu.memory_space<semaphore_mem>>)
      %dma_wait3A_98 = arith.constant 0 : i32
      %dma_wait3A_99 = arith.constant 0 : i32
      %dma_wait3A_100 = tpu.memref_slice %arg7[%dma_wait3A_98, %dma_wait3A_99] : memref<2x125xi32, #tpu.memory_space<vmem>> -> memref<1x125xi32, #tpu.memory_space<vmem>>
      %dma_wait3A_101 = tpu.memref_squeeze %dma_wait3A_100 : memref<1x125xi32, #tpu.memory_space<vmem>> -> memref<125xi32, #tpu.memory_space<vmem>>
      %dma_wait3A_102 = arith.constant 0 : i32
      %dma_wait3A_103 = arith.constant 0 : i32
      %dma_wait3A_104 = tpu.memref_slice %arg2[%dma_wait3A_102, %dma_wait3A_103] : memref<10000x128xf32, #tpu.memory_space<hbm>> -> memref<10000x128xf32, #tpu.memory_space<hbm>>
      tpu.wait_indirect_dma semaphore(%arg13 : memref<!tpu.dma_semaphore, #tpu.memory_space<semaphore_mem>>) src(%dma_wait3A_104 : memref<10000x128xf32, #tpu.memory_space<hbm>>) dst(%arg9 : memref<125x128xf32, #tpu.memory_space<vmem>>)
      %run_scoped3A_105 = arith.constant 1 : i32
      "tpu.region"() ({
        %run_scoped3A_144 = tpu.sem_alloc : memref<!tpu.dma_semaphore, #tpu.memory_space<semaphore_mem>>
        %dma_start3A_145 = arith.constant 0 : i32
        %dma_start3A_146 = tpu.memref_slice %arg7[%run_scoped3A_105, %dma_start3A_145] : memref<2x125xi32, #tpu.memory_space<vmem>> -> memref<1x125xi32, #tpu.memory_space<vmem>>
        %dma_start3A_147 = tpu.memref_squeeze %dma_start3A_146 : memref<1x125xi32, #tpu.memory_space<vmem>> -> memref<125xi32, #tpu.memory_space<vmem>>
        %dma_start3A_148 = arith.constant 0 : i32
        %dma_start3A_149 = arith.constant 0 : i32
        %dma_start3A_150 = tpu.memref_slice %arg15[%dma_start3A_148, %dma_start3A_149] : memref<10000x128xf32, #tpu.memory_space<vmem_shared>> -> memref<10000x128xf32, #tpu.memory_space<vmem_shared>>
        tpu.enqueue_indirect_dma source(%arg9 : memref<125x128xf32, #tpu.memory_space<vmem>>) target(%dma_start3A_150 : memref<10000x128xf32, #tpu.memory_space<vmem_shared>>) offsets(%dma_start3A_147 : memref<125xi32, #tpu.memory_space<vmem>>) semaphore(%run_scoped3A_144 : memref<!tpu.dma_semaphore, #tpu.memory_space<semaphore_mem>>) {add = true}
        %dma_wait3A_151 = arith.constant 0 : i32
        %dma_wait3A_152 = tpu.memref_slice %arg7[%run_scoped3A_105, %dma_wait3A_151] : memref<2x125xi32, #tpu.memory_space<vmem>> -> memref<1x125xi32, #tpu.memory_space<vmem>>
        %dma_wait3A_153 = tpu.memref_squeeze %dma_wait3A_152 : memref<1x125xi32, #tpu.memory_space<vmem>> -> memref<125xi32, #tpu.memory_space<vmem>>
        %dma_wait3A_154 = arith.constant 0 : i32
        %dma_wait3A_155 = arith.constant 0 : i32
        %dma_wait3A_156 = tpu.memref_slice %arg15[%dma_wait3A_154, %dma_wait3A_155] : memref<10000x128xf32, #tpu.memory_space<vmem_shared>> -> memref<10000x128xf32, #tpu.memory_space<vmem_shared>>
        tpu.wait_indirect_dma semaphore(%run_scoped3A_144 : memref<!tpu.dma_semaphore, #tpu.memory_space<semaphore_mem>>) src(%arg9 : memref<125x128xf32, #tpu.memory_space<vmem>>) dst(%dma_wait3A_156 : memref<10000x128xf32, #tpu.memory_space<vmem_shared>>)
        tpu.yield
      }) : () -> ()
      %add3A_106 = arith.constant 2 : i32
      %add3A_107 = arith.addi %mul3A_82, %add3A_106 : i32
      %add3A_108 = arith.addi %mul3A_4, %add3A_107 : i32
      %dma_start3A_109 = arith.constant 0 : i32
      %dma_start3A_110 = arith.constant 0 : i32
      %dma_start3A_111 = tpu.memref_slice %arg3[%add3A_108, %dma_start3A_109, %dma_start3A_110] : memref<2560x2x125xi32, #tpu.memory_space<hbm>> -> memref<1x2x125xi32, #tpu.memory_space<hbm>>
      %dma_start3A_112 = tpu.memref_squeeze %dma_start3A_111 : memref<1x2x125xi32, #tpu.memory_space<hbm>> -> memref<2x125xi32, #tpu.memory_space<hbm>>
      %dma_start3A_113 = arith.constant 0 : i32
      %dma_start3A_114 = arith.constant 0 : i32
      %dma_start3A_115 = tpu.memref_slice %arg3[%add3A_108, %dma_start3A_113, %dma_start3A_114] : memref<2560x2x125xi32, #tpu.memory_space<hbm>> -> memref<1x2x125xi32, #tpu.memory_space<hbm>>
      %dma_start3A_116 = tpu.memref_squeeze %dma_start3A_115 : memref<1x2x125xi32, #tpu.memory_space<hbm>> -> memref<2x125xi32, #tpu.memory_space<hbm>>
      tpu.enqueue_dma source(%dma_start3A_116 : memref<2x125xi32, #tpu.memory_space<hbm>>) target(%arg7 : memref<2x125xi32, #tpu.memory_space<vmem>>) target_semaphore(%arg11 : memref<!tpu.dma_semaphore, #tpu.memory_space<semaphore_mem>>)
      %dma_wait3A_117 = arith.constant 0 : i32
      %dma_wait3A_118 = arith.constant 0 : i32
      %dma_wait3A_119 = tpu.memref_slice %arg3[%mul3A_4, %dma_wait3A_117, %dma_wait3A_118] : memref<2560x2x125xi32, #tpu.memory_space<hbm>> -> memref<1x2x125xi32, #tpu.memory_space<hbm>>
      %dma_wait3A_120 = tpu.memref_squeeze %dma_wait3A_119 : memref<1x2x125xi32, #tpu.memory_space<hbm>> -> memref<2x125xi32, #tpu.memory_space<hbm>>
      %dma_wait3A_121 = arith.constant 0 : i32
      %dma_wait3A_122 = arith.constant 0 : i32
      %dma_wait3A_123 = tpu.memref_slice %arg3[%mul3A_4, %dma_wait3A_121, %dma_wait3A_122] : memref<2560x2x125xi32, #tpu.memory_space<hbm>> -> memref<1x2x125xi32, #tpu.memory_space<hbm>>
      %dma_wait3A_124 = tpu.memref_squeeze %dma_wait3A_123 : memref<1x2x125xi32, #tpu.memory_space<hbm>> -> memref<2x125xi32, #tpu.memory_space<hbm>>
      tpu.wait_dma2 semaphore(%arg11 : memref<!tpu.dma_semaphore, #tpu.memory_space<semaphore_mem>>) src(%dma_wait3A_124 : memref<2x125xi32, #tpu.memory_space<hbm>>) dst(%arg7 : memref<2x125xi32, #tpu.memory_space<vmem>>)
      %dma_start3A_125 = arith.constant 0 : i32
      %dma_start3A_126 = arith.constant 0 : i32
      %dma_start3A_127 = tpu.memref_slice %arg7[%dma_start3A_125, %dma_start3A_126] : memref<2x125xi32, #tpu.memory_space<vmem>> -> memref<1x125xi32, #tpu.memory_space<vmem>>
      %dma_start3A_128 = tpu.memref_squeeze %dma_start3A_127 : memref<1x125xi32, #tpu.memory_space<vmem>> -> memref<125xi32, #tpu.memory_space<vmem>>
      %dma_start3A_129 = arith.constant 0 : i32
      %dma_start3A_130 = arith.constant 0 : i32
      %dma_start3A_131 = tpu.memref_slice %arg2[%dma_start3A_129, %dma_start3A_130] : memref<10000x128xf32, #tpu.memory_space<hbm>> -> memref<10000x128xf32, #tpu.memory_space<hbm>>
      tpu.enqueue_indirect_dma source(%dma_start3A_131 : memref<10000x128xf32, #tpu.memory_space<hbm>>) target(%arg9 : memref<125x128xf32, #tpu.memory_space<vmem>>) offsets(%dma_start3A_128 : memref<125xi32, #tpu.memory_space<vmem>>) semaphore(%arg13 : memref<!tpu.dma_semaphore, #tpu.memory_space<semaphore_mem>>)
      %dma_wait3A_132 = arith.constant 0 : i32
      %dma_wait3A_133 = arith.constant 0 : i32
      %dma_wait3A_134 = tpu.memref_slice %arg8[%dma_wait3A_132, %dma_wait3A_133] : memref<2x125xi32, #tpu.memory_space<vmem>> -> memref<1x125xi32, #tpu.memory_space<vmem>>
      %dma_wait3A_135 = tpu.memref_squeeze %dma_wait3A_134 : memref<1x125xi32, #tpu.memory_space<vmem>> -> memref<125xi32, #tpu.memory_space<vmem>>
      %dma_wait3A_136 = arith.constant 0 : i32
      %dma_wait3A_137 = arith.constant 0 : i32
      %dma_wait3A_138 = tpu.memref_slice %arg2[%dma_wait3A_136, %dma_wait3A_137] : memref<10000x128xf32, #tpu.memory_space<hbm>> -> memref<10000x128xf32, #tpu.memory_space<hbm>>
      tpu.wait_indirect_dma semaphore(%arg14 : memref<!tpu.dma_semaphore, #tpu.memory_space<semaphore_mem>>) src(%dma_wait3A_138 : memref<10000x128xf32, #tpu.memory_space<hbm>>) dst(%arg10 : memref<125x128xf32, #tpu.memory_space<vmem>>)
      %run_scoped3A_139 = arith.constant 1 : i32
      "tpu.region"() ({
        %run_scoped3A_144 = tpu.sem_alloc : memref<!tpu.dma_semaphore, #tpu.memory_space<semaphore_mem>>
        %dma_start3A_145 = arith.constant 0 : i32
        %dma_start3A_146 = tpu.memref_slice %arg8[%run_scoped3A_139, %dma_start3A_145] : memref<2x125xi32, #tpu.memory_space<vmem>> -> memref<1x125xi32, #tpu.memory_space<vmem>>
        %dma_start3A_147 = tpu.memref_squeeze %dma_start3A_146 : memref<1x125xi32, #tpu.memory_space<vmem>> -> memref<125xi32, #tpu.memory_space<vmem>>
        %dma_start3A_148 = arith.constant 0 : i32
        %dma_start3A_149 = arith.constant 0 : i32
        %dma_start3A_150 = tpu.memref_slice %arg15[%dma_start3A_148, %dma_start3A_149] : memref<10000x128xf32, #tpu.memory_space<vmem_shared>> -> memref<10000x128xf32, #tpu.memory_space<vmem_shared>>
        tpu.enqueue_indirect_dma source(%arg10 : memref<125x128xf32, #tpu.memory_space<vmem>>) target(%dma_start3A_150 : memref<10000x128xf32, #tpu.memory_space<vmem_shared>>) offsets(%dma_start3A_147 : memref<125xi32, #tpu.memory_space<vmem>>) semaphore(%run_scoped3A_144 : memref<!tpu.dma_semaphore, #tpu.memory_space<semaphore_mem>>) {add = true}
        %dma_wait3A_151 = arith.constant 0 : i32
        %dma_wait3A_152 = tpu.memref_slice %arg8[%run_scoped3A_139, %dma_wait3A_151] : memref<2x125xi32, #tpu.memory_space<vmem>> -> memref<1x125xi32, #tpu.memory_space<vmem>>
        %dma_wait3A_153 = tpu.memref_squeeze %dma_wait3A_152 : memref<1x125xi32, #tpu.memory_space<vmem>> -> memref<125xi32, #tpu.memory_space<vmem>>
        %dma_wait3A_154 = arith.constant 0 : i32
        %dma_wait3A_155 = arith.constant 0 : i32
        %dma_wait3A_156 = tpu.memref_slice %arg15[%dma_wait3A_154, %dma_wait3A_155] : memref<10000x128xf32, #tpu.memory_space<vmem_shared>> -> memref<10000x128xf32, #tpu.memory_space<vmem_shared>>
        tpu.wait_indirect_dma semaphore(%run_scoped3A_144 : memref<!tpu.dma_semaphore, #tpu.memory_space<semaphore_mem>>) src(%arg10 : memref<125x128xf32, #tpu.memory_space<vmem>>) dst(%dma_wait3A_156 : memref<10000x128xf32, #tpu.memory_space<vmem_shared>>)
        tpu.yield
      }) : () -> ()
      %add3A_140 = arith.constant 3 : i32
      %add3A_141 = arith.addi %mul3A_82, %add3A_140 : i32
      %lt3A = arith.constant 80 : i32
      %lt3A_142 = arith.cmpi slt, %add3A_141, %lt3A : i32
      %convert_element_type3A = arith.extui %lt3A_142 : i1 to i32
      %cond3A = arith.constant 0 : i32
      %cond3A_143 = arith.cmpi ne, %convert_element_type3A, %cond3A : i32
      scf.if %cond3A_143 {
        %add3A_144 = arith.constant 3 : i32
        %add3A_145 = arith.addi %mul3A_82, %add3A_144 : i32
        %add3A_146 = arith.addi %mul3A_4, %add3A_145 : i32
        %dma_start3A_147 = arith.constant 0 : i32
        %dma_start3A_148 = arith.constant 0 : i32
        %dma_start3A_149 = tpu.memref_slice %arg3[%add3A_146, %dma_start3A_147, %dma_start3A_148] : memref<2560x2x125xi32, #tpu.memory_space<hbm>> -> memref<1x2x125xi32, #tpu.memory_space<hbm>>
        %dma_start3A_150 = tpu.memref_squeeze %dma_start3A_149 : memref<1x2x125xi32, #tpu.memory_space<hbm>> -> memref<2x125xi32, #tpu.memory_space<hbm>>
        %dma_start3A_151 = arith.constant 0 : i32
        %dma_start3A_152 = arith.constant 0 : i32
        %dma_start3A_153 = tpu.memref_slice %arg3[%add3A_146, %dma_start3A_151, %dma_start3A_152] : memref<2560x2x125xi32, #tpu.memory_space<hbm>> -> memref<1x2x125xi32, #tpu.memory_space<hbm>>
        %dma_start3A_154 = tpu.memref_squeeze %dma_start3A_153 : memref<1x2x125xi32, #tpu.memory_space<hbm>> -> memref<2x125xi32, #tpu.memory_space<hbm>>
        tpu.enqueue_dma source(%dma_start3A_154 : memref<2x125xi32, #tpu.memory_space<hbm>>) target(%arg8 : memref<2x125xi32, #tpu.memory_space<vmem>>) target_semaphore(%arg12 : memref<!tpu.dma_semaphore, #tpu.memory_space<semaphore_mem>>)
      } else {
      }
    }
    %scan3A_44 = arith.constant 39 : i32
    %dma_wait3A_45 = arith.constant 0 : i32
    %dma_wait3A_46 = arith.constant 0 : i32
    %dma_wait3A_47 = tpu.memref_slice %arg3[%mul3A_4, %dma_wait3A_45, %dma_wait3A_46] : memref<2560x2x125xi32, #tpu.memory_space<hbm>> -> memref<1x2x125xi32, #tpu.memory_space<hbm>>
    %dma_wait3A_48 = tpu.memref_squeeze %dma_wait3A_47 : memref<1x2x125xi32, #tpu.memory_space<hbm>> -> memref<2x125xi32, #tpu.memory_space<hbm>>
    %dma_wait3A_49 = arith.constant 0 : i32
    %dma_wait3A_50 = arith.constant 0 : i32
    %dma_wait3A_51 = tpu.memref_slice %arg3[%mul3A_4, %dma_wait3A_49, %dma_wait3A_50] : memref<2560x2x125xi32, #tpu.memory_space<hbm>> -> memref<1x2x125xi32, #tpu.memory_space<hbm>>
    %dma_wait3A_52 = tpu.memref_squeeze %dma_wait3A_51 : memref<1x2x125xi32, #tpu.memory_space<hbm>> -> memref<2x125xi32, #tpu.memory_space<hbm>>
    tpu.wait_dma2 semaphore(%arg12 : memref<!tpu.dma_semaphore, #tpu.memory_space<semaphore_mem>>) src(%dma_wait3A_52 : memref<2x125xi32, #tpu.memory_space<hbm>>) dst(%arg8 : memref<2x125xi32, #tpu.memory_space<vmem>>)
    %dma_start3A_53 = arith.constant 0 : i32
    %dma_start3A_54 = arith.constant 0 : i32
    %dma_start3A_55 = tpu.memref_slice %arg8[%dma_start3A_53, %dma_start3A_54] : memref<2x125xi32, #tpu.memory_space<vmem>> -> memref<1x125xi32, #tpu.memory_space<vmem>>
    %dma_start3A_56 = tpu.memref_squeeze %dma_start3A_55 : memref<1x125xi32, #tpu.memory_space<vmem>> -> memref<125xi32, #tpu.memory_space<vmem>>
    %dma_start3A_57 = arith.constant 0 : i32
    %dma_start3A_58 = arith.constant 0 : i32
    %dma_start3A_59 = tpu.memref_slice %arg2[%dma_start3A_57, %dma_start3A_58] : memref<10000x128xf32, #tpu.memory_space<hbm>> -> memref<10000x128xf32, #tpu.memory_space<hbm>>
    tpu.enqueue_indirect_dma source(%dma_start3A_59 : memref<10000x128xf32, #tpu.memory_space<hbm>>) target(%arg10 : memref<125x128xf32, #tpu.memory_space<vmem>>) offsets(%dma_start3A_56 : memref<125xi32, #tpu.memory_space<vmem>>) semaphore(%arg14 : memref<!tpu.dma_semaphore, #tpu.memory_space<semaphore_mem>>)
    %dma_wait3A_60 = arith.constant 0 : i32
    %dma_wait3A_61 = arith.constant 0 : i32
    %dma_wait3A_62 = tpu.memref_slice %arg7[%dma_wait3A_60, %dma_wait3A_61] : memref<2x125xi32, #tpu.memory_space<vmem>> -> memref<1x125xi32, #tpu.memory_space<vmem>>
    %dma_wait3A_63 = tpu.memref_squeeze %dma_wait3A_62 : memref<1x125xi32, #tpu.memory_space<vmem>> -> memref<125xi32, #tpu.memory_space<vmem>>
    %dma_wait3A_64 = arith.constant 0 : i32
    %dma_wait3A_65 = arith.constant 0 : i32
    %dma_wait3A_66 = tpu.memref_slice %arg2[%dma_wait3A_64, %dma_wait3A_65] : memref<10000x128xf32, #tpu.memory_space<hbm>> -> memref<10000x128xf32, #tpu.memory_space<hbm>>
    tpu.wait_indirect_dma semaphore(%arg13 : memref<!tpu.dma_semaphore, #tpu.memory_space<semaphore_mem>>) src(%dma_wait3A_66 : memref<10000x128xf32, #tpu.memory_space<hbm>>) dst(%arg9 : memref<125x128xf32, #tpu.memory_space<vmem>>)
    %run_scoped3A = arith.constant 1 : i32
    "tpu.region"() ({
      %run_scoped3A_76 = tpu.sem_alloc : memref<!tpu.dma_semaphore, #tpu.memory_space<semaphore_mem>>
      %dma_start3A_77 = arith.constant 0 : i32
      %dma_start3A_78 = tpu.memref_slice %arg7[%run_scoped3A, %dma_start3A_77] : memref<2x125xi32, #tpu.memory_space<vmem>> -> memref<1x125xi32, #tpu.memory_space<vmem>>
      %dma_start3A_79 = tpu.memref_squeeze %dma_start3A_78 : memref<1x125xi32, #tpu.memory_space<vmem>> -> memref<125xi32, #tpu.memory_space<vmem>>
      %dma_start3A_80 = arith.constant 0 : i32
      %dma_start3A_81 = arith.constant 0 : i32
      %dma_start3A_82 = tpu.memref_slice %arg15[%dma_start3A_80, %dma_start3A_81] : memref<10000x128xf32, #tpu.memory_space<vmem_shared>> -> memref<10000x128xf32, #tpu.memory_space<vmem_shared>>
      tpu.enqueue_indirect_dma source(%arg9 : memref<125x128xf32, #tpu.memory_space<vmem>>) target(%dma_start3A_82 : memref<10000x128xf32, #tpu.memory_space<vmem_shared>>) offsets(%dma_start3A_79 : memref<125xi32, #tpu.memory_space<vmem>>) semaphore(%run_scoped3A_76 : memref<!tpu.dma_semaphore, #tpu.memory_space<semaphore_mem>>) {add = true}
      %dma_wait3A_83 = arith.constant 0 : i32
      %dma_wait3A_84 = tpu.memref_slice %arg7[%run_scoped3A, %dma_wait3A_83] : memref<2x125xi32, #tpu.memory_space<vmem>> -> memref<1x125xi32, #tpu.memory_space<vmem>>
      %dma_wait3A_85 = tpu.memref_squeeze %dma_wait3A_84 : memref<1x125xi32, #tpu.memory_space<vmem>> -> memref<125xi32, #tpu.memory_space<vmem>>
      %dma_wait3A_86 = arith.constant 0 : i32
      %dma_wait3A_87 = arith.constant 0 : i32
      %dma_wait3A_88 = tpu.memref_slice %arg15[%dma_wait3A_86, %dma_wait3A_87] : memref<10000x128xf32, #tpu.memory_space<vmem_shared>> -> memref<10000x128xf32, #tpu.memory_space<vmem_shared>>
      tpu.wait_indirect_dma semaphore(%run_scoped3A_76 : memref<!tpu.dma_semaphore, #tpu.memory_space<semaphore_mem>>) src(%arg9 : memref<125x128xf32, #tpu.memory_space<vmem>>) dst(%dma_wait3A_88 : memref<10000x128xf32, #tpu.memory_space<vmem_shared>>)
      tpu.yield
    }) : () -> ()
    %dma_wait3A_67 = arith.constant 0 : i32
    %dma_wait3A_68 = arith.constant 0 : i32
    %dma_wait3A_69 = tpu.memref_slice %arg8[%dma_wait3A_67, %dma_wait3A_68] : memref<2x125xi32, #tpu.memory_space<vmem>> -> memref<1x125xi32, #tpu.memory_space<vmem>>
    %dma_wait3A_70 = tpu.memref_squeeze %dma_wait3A_69 : memref<1x125xi32, #tpu.memory_space<vmem>> -> memref<125xi32, #tpu.memory_space<vmem>>
    %dma_wait3A_71 = arith.constant 0 : i32
    %dma_wait3A_72 = arith.constant 0 : i32
    %dma_wait3A_73 = tpu.memref_slice %arg2[%dma_wait3A_71, %dma_wait3A_72] : memref<10000x128xf32, #tpu.memory_space<hbm>> -> memref<10000x128xf32, #tpu.memory_space<hbm>>
    tpu.wait_indirect_dma semaphore(%arg14 : memref<!tpu.dma_semaphore, #tpu.memory_space<semaphore_mem>>) src(%dma_wait3A_73 : memref<10000x128xf32, #tpu.memory_space<hbm>>) dst(%arg10 : memref<125x128xf32, #tpu.memory_space<vmem>>)
    %run_scoped3A_74 = arith.constant 1 : i32
    "tpu.region"() ({
      %run_scoped3A_76 = tpu.sem_alloc : memref<!tpu.dma_semaphore, #tpu.memory_space<semaphore_mem>>
      %dma_start3A_77 = arith.constant 0 : i32
      %dma_start3A_78 = tpu.memref_slice %arg8[%run_scoped3A_74, %dma_start3A_77] : memref<2x125xi32, #tpu.memory_space<vmem>> -> memref<1x125xi32, #tpu.memory_space<vmem>>
      %dma_start3A_79 = tpu.memref_squeeze %dma_start3A_78 : memref<1x125xi32, #tpu.memory_space<vmem>> -> memref<125xi32, #tpu.memory_space<vmem>>
      %dma_start3A_80 = arith.constant 0 : i32
      %dma_start3A_81 = arith.constant 0 : i32
      %dma_start3A_82 = tpu.memref_slice %arg15[%dma_start3A_80, %dma_start3A_81] : memref<10000x128xf32, #tpu.memory_space<vmem_shared>> -> memref<10000x128xf32, #tpu.memory_space<vmem_shared>>
      tpu.enqueue_indirect_dma source(%arg10 : memref<125x128xf32, #tpu.memory_space<vmem>>) target(%dma_start3A_82 : memref<10000x128xf32, #tpu.memory_space<vmem_shared>>) offsets(%dma_start3A_79 : memref<125xi32, #tpu.memory_space<vmem>>) semaphore(%run_scoped3A_76 : memref<!tpu.dma_semaphore, #tpu.memory_space<semaphore_mem>>) {add = true}
      %dma_wait3A_83 = arith.constant 0 : i32
      %dma_wait3A_84 = tpu.memref_slice %arg8[%run_scoped3A_74, %dma_wait3A_83] : memref<2x125xi32, #tpu.memory_space<vmem>> -> memref<1x125xi32, #tpu.memory_space<vmem>>
      %dma_wait3A_85 = tpu.memref_squeeze %dma_wait3A_84 : memref<1x125xi32, #tpu.memory_space<vmem>> -> memref<125xi32, #tpu.memory_space<vmem>>
      %dma_wait3A_86 = arith.constant 0 : i32
      %dma_wait3A_87 = arith.constant 0 : i32
      %dma_wait3A_88 = tpu.memref_slice %arg15[%dma_wait3A_86, %dma_wait3A_87] : memref<10000x128xf32, #tpu.memory_space<vmem_shared>> -> memref<10000x128xf32, #tpu.memory_space<vmem_shared>>
      tpu.wait_indirect_dma semaphore(%run_scoped3A_76 : memref<!tpu.dma_semaphore, #tpu.memory_space<semaphore_mem>>) src(%arg10 : memref<125x128xf32, #tpu.memory_space<vmem>>) dst(%dma_wait3A_88 : memref<10000x128xf32, #tpu.memory_space<vmem_shared>>)
      tpu.yield
    }) : () -> ()
    %barrier3A_75 = arith.constant 0 : index
    tpu.barrier barrier_id(%barrier3A_75)
    "tpu.region"() ({
      %run_scoped3A_76 = tpu.sem_alloc : memref<!tpu.dma_semaphore, #tpu.memory_space<semaphore_mem>>
      %dma_start3A_77 = arith.constant 0 : i32
      %dma_start3A_78 = tpu.memref_slice %arg6[%arg0, %min3A_7, %dma_start3A_77] : memref<2x10000x128xf32, #tpu.memory_space<hbm>> -> memref<1x632x128xf32, #tpu.memory_space<hbm>>
      %dma_start3A_79 = tpu.memref_squeeze %dma_start3A_78 : memref<1x632x128xf32, #tpu.memory_space<hbm>> -> memref<632x128xf32, #tpu.memory_space<hbm>>
      %dma_start3A_80 = arith.constant 0 : i32
      %dma_start3A_81 = tpu.memref_slice %arg15[%min3A_7, %dma_start3A_80] : memref<10000x128xf32, #tpu.memory_space<vmem_shared>> -> memref<632x128xf32, #tpu.memory_space<vmem_shared>>
      tpu.enqueue_dma source(%dma_start3A_81 : memref<632x128xf32, #tpu.memory_space<vmem_shared>>) target(%dma_start3A_79 : memref<632x128xf32, #tpu.memory_space<hbm>>) target_semaphore(%run_scoped3A_76 : memref<!tpu.dma_semaphore, #tpu.memory_space<semaphore_mem>>)
      %dma_wait3A_82 = arith.constant 0 : i32
      %dma_wait3A_83 = tpu.memref_slice %arg6[%arg0, %min3A_7, %dma_wait3A_82] : memref<2x10000x128xf32, #tpu.memory_space<hbm>> -> memref<1x632x128xf32, #tpu.memory_space<hbm>>
      %dma_wait3A_84 = tpu.memref_squeeze %dma_wait3A_83 : memref<1x632x128xf32, #tpu.memory_space<hbm>> -> memref<632x128xf32, #tpu.memory_space<hbm>>
      %dma_wait3A_85 = arith.constant 0 : i32
      %dma_wait3A_86 = tpu.memref_slice %arg15[%min3A_7, %dma_wait3A_85] : memref<10000x128xf32, #tpu.memory_space<vmem_shared>> -> memref<632x128xf32, #tpu.memory_space<vmem_shared>>
      tpu.wait_dma2 semaphore(%run_scoped3A_76 : memref<!tpu.dma_semaphore, #tpu.memory_space<semaphore_mem>>) src(%dma_wait3A_86 : memref<632x128xf32, #tpu.memory_space<vmem_shared>>) dst(%dma_wait3A_84 : memref<632x128xf32, #tpu.memory_space<hbm>>)
      tpu.yield
    }) : () -> ()
    return
  }
}

#map = affine_map<(d0, d1) -> (0, 0)>
#map1 = affine_map<(d0, d1) -> (0, 0, 0)>
#map2 = affine_map<(d0, d1) -> (0)>
module attributes {stable_mosaic.version = 14 : i64} {
  func.func @_sc_body(%arg0: i32, %arg1: i32, %arg2: memref<10000x128xf32, #tpu.memory_space<hbm>>, %arg3: memref<2560x2x125xi32, #tpu.memory_space<hbm>>, %arg4: memref<320000xi32, #tpu.memory_space<hbm>>, %arg5: memref<632x128xf32, #tpu.memory_space<hbm>>, %arg6: memref<2x10000x128xf32, #tpu.memory_space<hbm>>, %arg7: memref<2x125xi32, #tpu.memory_space<vmem>>, %arg8: memref<2x125xi32, #tpu.memory_space<vmem>>, %arg9: memref<125x128xf32, #tpu.memory_space<vmem>>, %arg10: memref<125x128xf32, #tpu.memory_space<vmem>>, %arg11: memref<!tpu.dma_semaphore, #tpu.memory_space<semaphore_mem>>, %arg12: memref<!tpu.dma_semaphore, #tpu.memory_space<semaphore_mem>>, %arg13: memref<!tpu.dma_semaphore, #tpu.memory_space<semaphore_mem>>, %arg14: memref<!tpu.dma_semaphore, #tpu.memory_space<semaphore_mem>>, %arg15: memref<10000x128xf32, #tpu.memory_space<vmem_shared>>) attributes {dimension_semantics = [#tpu.dimension_semantics<core_parallel>, #tpu.dimension_semantics<subcore_parallel>], iteration_bounds = array<i64: 2, 16>, scalar_prefetch = 0 : i64, scratch_operands = 9 : i64, tpu.core_type = #tpu.core_type<sc_vector_subcore>, window_params = [{transform_indices = #map}, {transform_indices = #map1}, {transform_indices = #map2}, {transform_indices = #map}, {transform_indices = #map1}]} {
    %mul3A = arith.constant 16 : i32
    %mul3A_0 = arith.muli %arg0, %mul3A : i32
    %add3A = arith.addi %mul3A_0, %arg1 : i32
    %mul3A_1 = arith.constant 10000 : i32
    %mul3A_2 = arith.muli %add3A, %mul3A_1 : i32
    %mul3A_3 = arith.constant 80 : i32
    %mul3A_4 = arith.muli %add3A, %mul3A_3 : i32
    %mul3A_5 = arith.constant 632 : i32
    %mul3A_6 = arith.muli %arg1, %mul3A_5 : i32
    %min3A = arith.constant 9368 : i32
    %min3A_7 = arith.minsi %mul3A_6, %min3A : i32
    "tpu.region"() ({
      %run_scoped3A_76 = tpu.sem_alloc : memref<!tpu.dma_semaphore, #tpu.memory_space<semaphore_mem>>
      %dma_start3A_77 = arith.constant 0 : i32
      %dma_start3A_78 = tpu.memref_slice %arg15[%min3A_7, %dma_start3A_77] : memref<10000x128xf32, #tpu.memory_space<vmem_shared>> -> memref<632x128xf32, #tpu.memory_space<vmem_shared>>
      tpu.enqueue_dma source(%arg5 : memref<632x128xf32, #tpu.memory_space<hbm>>) target(%dma_start3A_78 : memref<632x128xf32, #tpu.memory_space<vmem_shared>>) target_semaphore(%run_scoped3A_76 : memref<!tpu.dma_semaphore, #tpu.memory_space<semaphore_mem>>)
      %dma_wait3A_79 = arith.constant 0 : i32
      %dma_wait3A_80 = tpu.memref_slice %arg15[%min3A_7, %dma_wait3A_79] : memref<10000x128xf32, #tpu.memory_space<vmem_shared>> -> memref<632x128xf32, #tpu.memory_space<vmem_shared>>
      tpu.wait_dma2 semaphore(%run_scoped3A_76 : memref<!tpu.dma_semaphore, #tpu.memory_space<semaphore_mem>>) src(%arg5 : memref<632x128xf32, #tpu.memory_space<hbm>>) dst(%dma_wait3A_80 : memref<632x128xf32, #tpu.memory_space<vmem_shared>>)
      tpu.yield
    }) : () -> ()
    %barrier3A = arith.constant 0 : index
    tpu.barrier barrier_id(%barrier3A)
    %add3A_8 = arith.constant 0 : i32
    %add3A_9 = arith.addi %mul3A_4, %add3A_8 : i32
    %dma_start3A = arith.constant 0 : i32
    %dma_start3A_10 = arith.constant 0 : i32
    %dma_start3A_11 = tpu.memref_slice %arg3[%add3A_9, %dma_start3A, %dma_start3A_10] : memref<2560x2x125xi32, #tpu.memory_space<hbm>> -> memref<1x2x125xi32, #tpu.memory_space<hbm>>
    %dma_start3A_12 = tpu.memref_squeeze %dma_start3A_11 : memref<1x2x125xi32, #tpu.memory_space<hbm>> -> memref<2x125xi32, #tpu.memory_space<hbm>>
    %dma_start3A_13 = arith.constant 0 : i32
    %dma_start3A_14 = arith.constant 0 : i32
    %dma_start3A_15 = tpu.memref_slice %arg3[%add3A_9, %dma_start3A_13, %dma_start3A_14] : memref<2560x2x125xi32, #tpu.memory_space<hbm>> -> memref<1x2x125xi32, #tpu.memory_space<hbm>>
    %dma_start3A_16 = tpu.memref_squeeze %dma_start3A_15 : memref<1x2x125xi32, #tpu.memory_space<hbm>> -> memref<2x125xi32, #tpu.memory_space<hbm>>
    tpu.enqueue_dma source(%dma_start3A_16 : memref<2x125xi32, #tpu.memory_space<hbm>>) target(%arg7 : memref<2x125xi32, #tpu.memory_space<vmem>>) target_semaphore(%arg11 : memref<!tpu.dma_semaphore, #tpu.memory_space<semaphore_mem>>)
    %add3A_17 = arith.constant 1 : i32
    %add3A_18 = arith.addi %mul3A_4, %add3A_17 : i32
    %dma_start3A_19 = arith.constant 0 : i32
    %dma_start3A_20 = arith.constant 0 : i32
    %dma_start3A_21 = tpu.memref_slice %arg3[%add3A_18, %dma_start3A_19, %dma_start3A_20] : memref<2560x2x125xi32, #tpu.memory_space<hbm>> -> memref<1x2x125xi32, #tpu.memory_space<hbm>>
    %dma_start3A_22 = tpu.memref_squeeze %dma_start3A_21 : memref<1x2x125xi32, #tpu.memory_space<hbm>> -> memref<2x125xi32, #tpu.memory_space<hbm>>
    %dma_start3A_23 = arith.constant 0 : i32
    %dma_start3A_24 = arith.constant 0 : i32
    %dma_start3A_25 = tpu.memref_slice %arg3[%add3A_18, %dma_start3A_23, %dma_start3A_24] : memref<2560x2x125xi32, #tpu.memory_space<hbm>> -> memref<1x2x125xi32, #tpu.memory_space<hbm>>
    %dma_start3A_26 = tpu.memref_squeeze %dma_start3A_25 : memref<1x2x125xi32, #tpu.memory_space<hbm>> -> memref<2x125xi32, #tpu.memory_space<hbm>>
    tpu.enqueue_dma source(%dma_start3A_26 : memref<2x125xi32, #tpu.memory_space<hbm>>) target(%arg8 : memref<2x125xi32, #tpu.memory_space<vmem>>) target_semaphore(%arg12 : memref<!tpu.dma_semaphore, #tpu.memory_space<semaphore_mem>>)
    %dma_wait3A = arith.constant 0 : i32
    %dma_wait3A_27 = arith.constant 0 : i32
    %dma_wait3A_28 = tpu.memref_slice %arg3[%mul3A_4, %dma_wait3A, %dma_wait3A_27] : memref<2560x2x125xi32, #tpu.memory_space<hbm>> -> memref<1x2x125xi32, #tpu.memory_space<hbm>>
    %dma_wait3A_29 = tpu.memref_squeeze %dma_wait3A_28 : memref<1x2x125xi32, #tpu.memory_space<hbm>> -> memref<2x125xi32, #tpu.memory_space<hbm>>
    %dma_wait3A_30 = arith.constant 0 : i32
    %dma_wait3A_31 = arith.constant 0 : i32
    %dma_wait3A_32 = tpu.memref_slice %arg3[%mul3A_4, %dma_wait3A_30, %dma_wait3A_31] : memref<2560x2x125xi32, #tpu.memory_space<hbm>> -> memref<1x2x125xi32, #tpu.memory_space<hbm>>
    %dma_wait3A_33 = tpu.memref_squeeze %dma_wait3A_32 : memref<1x2x125xi32, #tpu.memory_space<hbm>> -> memref<2x125xi32, #tpu.memory_space<hbm>>
    tpu.wait_dma2 semaphore(%arg11 : memref<!tpu.dma_semaphore, #tpu.memory_space<semaphore_mem>>) src(%dma_wait3A_33 : memref<2x125xi32, #tpu.memory_space<hbm>>) dst(%arg7 : memref<2x125xi32, #tpu.memory_space<vmem>>)
    %dma_start3A_34 = arith.constant 0 : i32
    %dma_start3A_35 = arith.constant 0 : i32
    %dma_start3A_36 = tpu.memref_slice %arg7[%dma_start3A_34, %dma_start3A_35] : memref<2x125xi32, #tpu.memory_space<vmem>> -> memref<1x125xi32, #tpu.memory_space<vmem>>
    %dma_start3A_37 = tpu.memref_squeeze %dma_start3A_36 : memref<1x125xi32, #tpu.memory_space<vmem>> -> memref<125xi32, #tpu.memory_space<vmem>>
    %dma_start3A_38 = arith.constant 0 : i32
    %dma_start3A_39 = arith.constant 0 : i32
    %dma_start3A_40 = tpu.memref_slice %arg2[%dma_start3A_38, %dma_start3A_39] : memref<10000x128xf32, #tpu.memory_space<hbm>> -> memref<10000x128xf32, #tpu.memory_space<hbm>>
    tpu.enqueue_indirect_dma source(%dma_start3A_40 : memref<10000x128xf32, #tpu.memory_space<hbm>>) target(%arg9 : memref<125x128xf32, #tpu.memory_space<vmem>>) offsets(%dma_start3A_37 : memref<125xi32, #tpu.memory_space<vmem>>) semaphore(%arg13 : memref<!tpu.dma_semaphore, #tpu.memory_space<semaphore_mem>>)
    %scan3A = arith.constant 0 : i32
    %scan3A_41 = arith.constant 39 : i32
    %scan3A_42 = arith.addi %scan3A, %scan3A_41 : i32
    %scan3A_43 = arith.constant 1 : i32
    scf.for %scan3A_76 = %scan3A to %scan3A_42 step %scan3A_43  : i32 {
      %mul3A_77 = arith.constant 1 : i32
      %mul3A_78 = arith.muli %scan3A_76, %mul3A_77 : i32
      %add3A_79 = arith.constant 0 : i32
      %add3A_80 = arith.addi %add3A_79, %mul3A_78 : i32
      %mul3A_81 = arith.constant 2 : i32
      %mul3A_82 = arith.muli %mul3A_81, %add3A_80 : i32
      %dma_wait3A_83 = arith.constant 0 : i32
      %dma_wait3A_84 = arith.constant 0 : i32
      %dma_wait3A_85 = tpu.memref_slice %arg3[%mul3A_4, %dma_wait3A_83, %dma_wait3A_84] : memref<2560x2x125xi32, #tpu.memory_space<hbm>> -> memref<1x2x125xi32, #tpu.memory_space<hbm>>
      %dma_wait3A_86 = tpu.memref_squeeze %dma_wait3A_85 : memref<1x2x125xi32, #tpu.memory_space<hbm>> -> memref<2x125xi32, #tpu.memory_space<hbm>>
      %dma_wait3A_87 = arith.constant 0 : i32
      %dma_wait3A_88 = arith.constant 0 : i32
      %dma_wait3A_89 = tpu.memref_slice %arg3[%mul3A_4, %dma_wait3A_87, %dma_wait3A_88] : memref<2560x2x125xi32, #tpu.memory_space<hbm>> -> memref<1x2x125xi32, #tpu.memory_space<hbm>>
      %dma_wait3A_90 = tpu.memref_squeeze %dma_wait3A_89 : memref<1x2x125xi32, #tpu.memory_space<hbm>> -> memref<2x125xi32, #tpu.memory_space<hbm>>
      tpu.wait_dma2 semaphore(%arg12 : memref<!tpu.dma_semaphore, #tpu.memory_space<semaphore_mem>>) src(%dma_wait3A_90 : memref<2x125xi32, #tpu.memory_space<hbm>>) dst(%arg8 : memref<2x125xi32, #tpu.memory_space<vmem>>)
      %dma_start3A_91 = arith.constant 0 : i32
      %dma_start3A_92 = arith.constant 0 : i32
      %dma_start3A_93 = tpu.memref_slice %arg8[%dma_start3A_91, %dma_start3A_92] : memref<2x125xi32, #tpu.memory_space<vmem>> -> memref<1x125xi32, #tpu.memory_space<vmem>>
      %dma_start3A_94 = tpu.memref_squeeze %dma_start3A_93 : memref<1x125xi32, #tpu.memory_space<vmem>> -> memref<125xi32, #tpu.memory_space<vmem>>
      %dma_start3A_95 = arith.constant 0 : i32
      %dma_start3A_96 = arith.constant 0 : i32
      %dma_start3A_97 = tpu.memref_slice %arg2[%dma_start3A_95, %dma_start3A_96] : memref<10000x128xf32, #tpu.memory_space<hbm>> -> memref<10000x128xf32, #tpu.memory_space<hbm>>
      tpu.enqueue_indirect_dma source(%dma_start3A_97 : memref<10000x128xf32, #tpu.memory_space<hbm>>) target(%arg10 : memref<125x128xf32, #tpu.memory_space<vmem>>) offsets(%dma_start3A_94 : memref<125xi32, #tpu.memory_space<vmem>>) semaphore(%arg14 : memref<!tpu.dma_semaphore, #tpu.memory_space<semaphore_mem>>)
      %dma_wait3A_98 = arith.constant 0 : i32
      %dma_wait3A_99 = arith.constant 0 : i32
      %dma_wait3A_100 = tpu.memref_slice %arg7[%dma_wait3A_98, %dma_wait3A_99] : memref<2x125xi32, #tpu.memory_space<vmem>> -> memref<1x125xi32, #tpu.memory_space<vmem>>
      %dma_wait3A_101 = tpu.memref_squeeze %dma_wait3A_100 : memref<1x125xi32, #tpu.memory_space<vmem>> -> memref<125xi32, #tpu.memory_space<vmem>>
      %dma_wait3A_102 = arith.constant 0 : i32
      %dma_wait3A_103 = arith.constant 0 : i32
      %dma_wait3A_104 = tpu.memref_slice %arg2[%dma_wait3A_102, %dma_wait3A_103] : memref<10000x128xf32, #tpu.memory_space<hbm>> -> memref<10000x128xf32, #tpu.memory_space<hbm>>
      tpu.wait_indirect_dma semaphore(%arg13 : memref<!tpu.dma_semaphore, #tpu.memory_space<semaphore_mem>>) src(%dma_wait3A_104 : memref<10000x128xf32, #tpu.memory_space<hbm>>) dst(%arg9 : memref<125x128xf32, #tpu.memory_space<vmem>>)
      %run_scoped3A_105 = arith.constant 1 : i32
      "tpu.region"() ({
        %run_scoped3A_144 = tpu.sem_alloc : memref<!tpu.dma_semaphore, #tpu.memory_space<semaphore_mem>>
        %dma_start3A_145 = arith.constant 0 : i32
        %dma_start3A_146 = tpu.memref_slice %arg7[%run_scoped3A_105, %dma_start3A_145] : memref<2x125xi32, #tpu.memory_space<vmem>> -> memref<1x125xi32, #tpu.memory_space<vmem>>
        %dma_start3A_147 = tpu.memref_squeeze %dma_start3A_146 : memref<1x125xi32, #tpu.memory_space<vmem>> -> memref<125xi32, #tpu.memory_space<vmem>>
        %dma_start3A_148 = arith.constant 0 : i32
        %dma_start3A_149 = arith.constant 0 : i32
        %dma_start3A_150 = tpu.memref_slice %arg15[%dma_start3A_148, %dma_start3A_149] : memref<10000x128xf32, #tpu.memory_space<vmem_shared>> -> memref<10000x128xf32, #tpu.memory_space<vmem_shared>>
        tpu.enqueue_indirect_dma source(%arg9 : memref<125x128xf32, #tpu.memory_space<vmem>>) target(%dma_start3A_150 : memref<10000x128xf32, #tpu.memory_space<vmem_shared>>) offsets(%dma_start3A_147 : memref<125xi32, #tpu.memory_space<vmem>>) semaphore(%run_scoped3A_144 : memref<!tpu.dma_semaphore, #tpu.memory_space<semaphore_mem>>) {add = true}
        %dma_wait3A_151 = arith.constant 0 : i32
        %dma_wait3A_152 = tpu.memref_slice %arg7[%run_scoped3A_105, %dma_wait3A_151] : memref<2x125xi32, #tpu.memory_space<vmem>> -> memref<1x125xi32, #tpu.memory_space<vmem>>
        %dma_wait3A_153 = tpu.memref_squeeze %dma_wait3A_152 : memref<1x125xi32, #tpu.memory_space<vmem>> -> memref<125xi32, #tpu.memory_space<vmem>>
        %dma_wait3A_154 = arith.constant 0 : i32
        %dma_wait3A_155 = arith.constant 0 : i32
        %dma_wait3A_156 = tpu.memref_slice %arg15[%dma_wait3A_154, %dma_wait3A_155] : memref<10000x128xf32, #tpu.memory_space<vmem_shared>> -> memref<10000x128xf32, #tpu.memory_space<vmem_shared>>
        tpu.wait_indirect_dma semaphore(%run_scoped3A_144 : memref<!tpu.dma_semaphore, #tpu.memory_space<semaphore_mem>>) src(%arg9 : memref<125x128xf32, #tpu.memory_space<vmem>>) dst(%dma_wait3A_156 : memref<10000x128xf32, #tpu.memory_space<vmem_shared>>)
        tpu.yield
      }) : () -> ()
      %add3A_106 = arith.constant 2 : i32
      %add3A_107 = arith.addi %mul3A_82, %add3A_106 : i32
      %add3A_108 = arith.addi %mul3A_4, %add3A_107 : i32
      %dma_start3A_109 = arith.constant 0 : i32
      %dma_start3A_110 = arith.constant 0 : i32
      %dma_start3A_111 = tpu.memref_slice %arg3[%add3A_108, %dma_start3A_109, %dma_start3A_110] : memref<2560x2x125xi32, #tpu.memory_space<hbm>> -> memref<1x2x125xi32, #tpu.memory_space<hbm>>
      %dma_start3A_112 = tpu.memref_squeeze %dma_start3A_111 : memref<1x2x125xi32, #tpu.memory_space<hbm>> -> memref<2x125xi32, #tpu.memory_space<hbm>>
      %dma_start3A_113 = arith.constant 0 : i32
      %dma_start3A_114 = arith.constant 0 : i32
      %dma_start3A_115 = tpu.memref_slice %arg3[%add3A_108, %dma_start3A_113, %dma_start3A_114] : memref<2560x2x125xi32, #tpu.memory_space<hbm>> -> memref<1x2x125xi32, #tpu.memory_space<hbm>>
      %dma_start3A_116 = tpu.memref_squeeze %dma_start3A_115 : memref<1x2x125xi32, #tpu.memory_space<hbm>> -> memref<2x125xi32, #tpu.memory_space<hbm>>
      tpu.enqueue_dma source(%dma_start3A_116 : memref<2x125xi32, #tpu.memory_space<hbm>>) target(%arg7 : memref<2x125xi32, #tpu.memory_space<vmem>>) target_semaphore(%arg11 : memref<!tpu.dma_semaphore, #tpu.memory_space<semaphore_mem>>)
      %dma_wait3A_117 = arith.constant 0 : i32
      %dma_wait3A_118 = arith.constant 0 : i32
      %dma_wait3A_119 = tpu.memref_slice %arg3[%mul3A_4, %dma_wait3A_117, %dma_wait3A_118] : memref<2560x2x125xi32, #tpu.memory_space<hbm>> -> memref<1x2x125xi32, #tpu.memory_space<hbm>>
      %dma_wait3A_120 = tpu.memref_squeeze %dma_wait3A_119 : memref<1x2x125xi32, #tpu.memory_space<hbm>> -> memref<2x125xi32, #tpu.memory_space<hbm>>
      %dma_wait3A_121 = arith.constant 0 : i32
      %dma_wait3A_122 = arith.constant 0 : i32
      %dma_wait3A_123 = tpu.memref_slice %arg3[%mul3A_4, %dma_wait3A_121, %dma_wait3A_122] : memref<2560x2x125xi32, #tpu.memory_space<hbm>> -> memref<1x2x125xi32, #tpu.memory_space<hbm>>
      %dma_wait3A_124 = tpu.memref_squeeze %dma_wait3A_123 : memref<1x2x125xi32, #tpu.memory_space<hbm>> -> memref<2x125xi32, #tpu.memory_space<hbm>>
      tpu.wait_dma2 semaphore(%arg11 : memref<!tpu.dma_semaphore, #tpu.memory_space<semaphore_mem>>) src(%dma_wait3A_124 : memref<2x125xi32, #tpu.memory_space<hbm>>) dst(%arg7 : memref<2x125xi32, #tpu.memory_space<vmem>>)
      %dma_start3A_125 = arith.constant 0 : i32
      %dma_start3A_126 = arith.constant 0 : i32
      %dma_start3A_127 = tpu.memref_slice %arg7[%dma_start3A_125, %dma_start3A_126] : memref<2x125xi32, #tpu.memory_space<vmem>> -> memref<1x125xi32, #tpu.memory_space<vmem>>
      %dma_start3A_128 = tpu.memref_squeeze %dma_start3A_127 : memref<1x125xi32, #tpu.memory_space<vmem>> -> memref<125xi32, #tpu.memory_space<vmem>>
      %dma_start3A_129 = arith.constant 0 : i32
      %dma_start3A_130 = arith.constant 0 : i32
      %dma_start3A_131 = tpu.memref_slice %arg2[%dma_start3A_129, %dma_start3A_130] : memref<10000x128xf32, #tpu.memory_space<hbm>> -> memref<10000x128xf32, #tpu.memory_space<hbm>>
      tpu.enqueue_indirect_dma source(%dma_start3A_131 : memref<10000x128xf32, #tpu.memory_space<hbm>>) target(%arg9 : memref<125x128xf32, #tpu.memory_space<vmem>>) offsets(%dma_start3A_128 : memref<125xi32, #tpu.memory_space<vmem>>) semaphore(%arg13 : memref<!tpu.dma_semaphore, #tpu.memory_space<semaphore_mem>>)
      %dma_wait3A_132 = arith.constant 0 : i32
      %dma_wait3A_133 = arith.constant 0 : i32
      %dma_wait3A_134 = tpu.memref_slice %arg8[%dma_wait3A_132, %dma_wait3A_133] : memref<2x125xi32, #tpu.memory_space<vmem>> -> memref<1x125xi32, #tpu.memory_space<vmem>>
      %dma_wait3A_135 = tpu.memref_squeeze %dma_wait3A_134 : memref<1x125xi32, #tpu.memory_space<vmem>> -> memref<125xi32, #tpu.memory_space<vmem>>
      %dma_wait3A_136 = arith.constant 0 : i32
      %dma_wait3A_137 = arith.constant 0 : i32
      %dma_wait3A_138 = tpu.memref_slice %arg2[%dma_wait3A_136, %dma_wait3A_137] : memref<10000x128xf32, #tpu.memory_space<hbm>> -> memref<10000x128xf32, #tpu.memory_space<hbm>>
      tpu.wait_indirect_dma semaphore(%arg14 : memref<!tpu.dma_semaphore, #tpu.memory_space<semaphore_mem>>) src(%dma_wait3A_138 : memref<10000x128xf32, #tpu.memory_space<hbm>>) dst(%arg10 : memref<125x128xf32, #tpu.memory_space<vmem>>)
      %run_scoped3A_139 = arith.constant 1 : i32
      "tpu.region"() ({
        %run_scoped3A_144 = tpu.sem_alloc : memref<!tpu.dma_semaphore, #tpu.memory_space<semaphore_mem>>
        %dma_start3A_145 = arith.constant 0 : i32
        %dma_start3A_146 = tpu.memref_slice %arg8[%run_scoped3A_139, %dma_start3A_145] : memref<2x125xi32, #tpu.memory_space<vmem>> -> memref<1x125xi32, #tpu.memory_space<vmem>>
        %dma_start3A_147 = tpu.memref_squeeze %dma_start3A_146 : memref<1x125xi32, #tpu.memory_space<vmem>> -> memref<125xi32, #tpu.memory_space<vmem>>
        %dma_start3A_148 = arith.constant 0 : i32
        %dma_start3A_149 = arith.constant 0 : i32
        %dma_start3A_150 = tpu.memref_slice %arg15[%dma_start3A_148, %dma_start3A_149] : memref<10000x128xf32, #tpu.memory_space<vmem_shared>> -> memref<10000x128xf32, #tpu.memory_space<vmem_shared>>
        tpu.enqueue_indirect_dma source(%arg10 : memref<125x128xf32, #tpu.memory_space<vmem>>) target(%dma_start3A_150 : memref<10000x128xf32, #tpu.memory_space<vmem_shared>>) offsets(%dma_start3A_147 : memref<125xi32, #tpu.memory_space<vmem>>) semaphore(%run_scoped3A_144 : memref<!tpu.dma_semaphore, #tpu.memory_space<semaphore_mem>>) {add = true}
        %dma_wait3A_151 = arith.constant 0 : i32
        %dma_wait3A_152 = tpu.memref_slice %arg8[%run_scoped3A_139, %dma_wait3A_151] : memref<2x125xi32, #tpu.memory_space<vmem>> -> memref<1x125xi32, #tpu.memory_space<vmem>>
        %dma_wait3A_153 = tpu.memref_squeeze %dma_wait3A_152 : memref<1x125xi32, #tpu.memory_space<vmem>> -> memref<125xi32, #tpu.memory_space<vmem>>
        %dma_wait3A_154 = arith.constant 0 : i32
        %dma_wait3A_155 = arith.constant 0 : i32
        %dma_wait3A_156 = tpu.memref_slice %arg15[%dma_wait3A_154, %dma_wait3A_155] : memref<10000x128xf32, #tpu.memory_space<vmem_shared>> -> memref<10000x128xf32, #tpu.memory_space<vmem_shared>>
        tpu.wait_indirect_dma semaphore(%run_scoped3A_144 : memref<!tpu.dma_semaphore, #tpu.memory_space<semaphore_mem>>) src(%arg10 : memref<125x128xf32, #tpu.memory_space<vmem>>) dst(%dma_wait3A_156 : memref<10000x128xf32, #tpu.memory_space<vmem_shared>>)
        tpu.yield
      }) : () -> ()
      %add3A_140 = arith.constant 3 : i32
      %add3A_141 = arith.addi %mul3A_82, %add3A_140 : i32
      %lt3A = arith.constant 80 : i32
      %lt3A_142 = arith.cmpi slt, %add3A_141, %lt3A : i32
      %convert_element_type3A = arith.extui %lt3A_142 : i1 to i32
      %cond3A = arith.constant 0 : i32
      %cond3A_143 = arith.cmpi ne, %convert_element_type3A, %cond3A : i32
      scf.if %cond3A_143 {
        %add3A_144 = arith.constant 3 : i32
        %add3A_145 = arith.addi %mul3A_82, %add3A_144 : i32
        %add3A_146 = arith.addi %mul3A_4, %add3A_145 : i32
        %dma_start3A_147 = arith.constant 0 : i32
        %dma_start3A_148 = arith.constant 0 : i32
        %dma_start3A_149 = tpu.memref_slice %arg3[%add3A_146, %dma_start3A_147, %dma_start3A_148] : memref<2560x2x125xi32, #tpu.memory_space<hbm>> -> memref<1x2x125xi32, #tpu.memory_space<hbm>>
        %dma_start3A_150 = tpu.memref_squeeze %dma_start3A_149 : memref<1x2x125xi32, #tpu.memory_space<hbm>> -> memref<2x125xi32, #tpu.memory_space<hbm>>
        %dma_start3A_151 = arith.constant 0 : i32
        %dma_start3A_152 = arith.constant 0 : i32
        %dma_start3A_153 = tpu.memref_slice %arg3[%add3A_146, %dma_start3A_151, %dma_start3A_152] : memref<2560x2x125xi32, #tpu.memory_space<hbm>> -> memref<1x2x125xi32, #tpu.memory_space<hbm>>
        %dma_start3A_154 = tpu.memref_squeeze %dma_start3A_153 : memref<1x2x125xi32, #tpu.memory_space<hbm>> -> memref<2x125xi32, #tpu.memory_space<hbm>>
        tpu.enqueue_dma source(%dma_start3A_154 : memref<2x125xi32, #tpu.memory_space<hbm>>) target(%arg8 : memref<2x125xi32, #tpu.memory_space<vmem>>) target_semaphore(%arg12 : memref<!tpu.dma_semaphore, #tpu.memory_space<semaphore_mem>>)
      } else {
      }
    }
    %scan3A_44 = arith.constant 39 : i32
    %dma_wait3A_45 = arith.constant 0 : i32
    %dma_wait3A_46 = arith.constant 0 : i32
    %dma_wait3A_47 = tpu.memref_slice %arg3[%mul3A_4, %dma_wait3A_45, %dma_wait3A_46] : memref<2560x2x125xi32, #tpu.memory_space<hbm>> -> memref<1x2x125xi32, #tpu.memory_space<hbm>>
    %dma_wait3A_48 = tpu.memref_squeeze %dma_wait3A_47 : memref<1x2x125xi32, #tpu.memory_space<hbm>> -> memref<2x125xi32, #tpu.memory_space<hbm>>
    %dma_wait3A_49 = arith.constant 0 : i32
    %dma_wait3A_50 = arith.constant 0 : i32
    %dma_wait3A_51 = tpu.memref_slice %arg3[%mul3A_4, %dma_wait3A_49, %dma_wait3A_50] : memref<2560x2x125xi32, #tpu.memory_space<hbm>> -> memref<1x2x125xi32, #tpu.memory_space<hbm>>
    %dma_wait3A_52 = tpu.memref_squeeze %dma_wait3A_51 : memref<1x2x125xi32, #tpu.memory_space<hbm>> -> memref<2x125xi32, #tpu.memory_space<hbm>>
    tpu.wait_dma2 semaphore(%arg12 : memref<!tpu.dma_semaphore, #tpu.memory_space<semaphore_mem>>) src(%dma_wait3A_52 : memref<2x125xi32, #tpu.memory_space<hbm>>) dst(%arg8 : memref<2x125xi32, #tpu.memory_space<vmem>>)
    %dma_start3A_53 = arith.constant 0 : i32
    %dma_start3A_54 = arith.constant 0 : i32
    %dma_start3A_55 = tpu.memref_slice %arg8[%dma_start3A_53, %dma_start3A_54] : memref<2x125xi32, #tpu.memory_space<vmem>> -> memref<1x125xi32, #tpu.memory_space<vmem>>
    %dma_start3A_56 = tpu.memref_squeeze %dma_start3A_55 : memref<1x125xi32, #tpu.memory_space<vmem>> -> memref<125xi32, #tpu.memory_space<vmem>>
    %dma_start3A_57 = arith.constant 0 : i32
    %dma_start3A_58 = arith.constant 0 : i32
    %dma_start3A_59 = tpu.memref_slice %arg2[%dma_start3A_57, %dma_start3A_58] : memref<10000x128xf32, #tpu.memory_space<hbm>> -> memref<10000x128xf32, #tpu.memory_space<hbm>>
    tpu.enqueue_indirect_dma source(%dma_start3A_59 : memref<10000x128xf32, #tpu.memory_space<hbm>>) target(%arg10 : memref<125x128xf32, #tpu.memory_space<vmem>>) offsets(%dma_start3A_56 : memref<125xi32, #tpu.memory_space<vmem>>) semaphore(%arg14 : memref<!tpu.dma_semaphore, #tpu.memory_space<semaphore_mem>>)
    %dma_wait3A_60 = arith.constant 0 : i32
    %dma_wait3A_61 = arith.constant 0 : i32
    %dma_wait3A_62 = tpu.memref_slice %arg7[%dma_wait3A_60, %dma_wait3A_61] : memref<2x125xi32, #tpu.memory_space<vmem>> -> memref<1x125xi32, #tpu.memory_space<vmem>>
    %dma_wait3A_63 = tpu.memref_squeeze %dma_wait3A_62 : memref<1x125xi32, #tpu.memory_space<vmem>> -> memref<125xi32, #tpu.memory_space<vmem>>
    %dma_wait3A_64 = arith.constant 0 : i32
    %dma_wait3A_65 = arith.constant 0 : i32
    %dma_wait3A_66 = tpu.memref_slice %arg2[%dma_wait3A_64, %dma_wait3A_65] : memref<10000x128xf32, #tpu.memory_space<hbm>> -> memref<10000x128xf32, #tpu.memory_space<hbm>>
    tpu.wait_indirect_dma semaphore(%arg13 : memref<!tpu.dma_semaphore, #tpu.memory_space<semaphore_mem>>) src(%dma_wait3A_66 : memref<10000x128xf32, #tpu.memory_space<hbm>>) dst(%arg9 : memref<125x128xf32, #tpu.memory_space<vmem>>)
    %run_scoped3A = arith.constant 1 : i32
    "tpu.region"() ({
      %run_scoped3A_76 = tpu.sem_alloc : memref<!tpu.dma_semaphore, #tpu.memory_space<semaphore_mem>>
      %dma_start3A_77 = arith.constant 0 : i32
      %dma_start3A_78 = tpu.memref_slice %arg7[%run_scoped3A, %dma_start3A_77] : memref<2x125xi32, #tpu.memory_space<vmem>> -> memref<1x125xi32, #tpu.memory_space<vmem>>
      %dma_start3A_79 = tpu.memref_squeeze %dma_start3A_78 : memref<1x125xi32, #tpu.memory_space<vmem>> -> memref<125xi32, #tpu.memory_space<vmem>>
      %dma_start3A_80 = arith.constant 0 : i32
      %dma_start3A_81 = arith.constant 0 : i32
      %dma_start3A_82 = tpu.memref_slice %arg15[%dma_start3A_80, %dma_start3A_81] : memref<10000x128xf32, #tpu.memory_space<vmem_shared>> -> memref<10000x128xf32, #tpu.memory_space<vmem_shared>>
      tpu.enqueue_indirect_dma source(%arg9 : memref<125x128xf32, #tpu.memory_space<vmem>>) target(%dma_start3A_82 : memref<10000x128xf32, #tpu.memory_space<vmem_shared>>) offsets(%dma_start3A_79 : memref<125xi32, #tpu.memory_space<vmem>>) semaphore(%run_scoped3A_76 : memref<!tpu.dma_semaphore, #tpu.memory_space<semaphore_mem>>) {add = true}
      %dma_wait3A_83 = arith.constant 0 : i32
      %dma_wait3A_84 = tpu.memref_slice %arg7[%run_scoped3A, %dma_wait3A_83] : memref<2x125xi32, #tpu.memory_space<vmem>> -> memref<1x125xi32, #tpu.memory_space<vmem>>
      %dma_wait3A_85 = tpu.memref_squeeze %dma_wait3A_84 : memref<1x125xi32, #tpu.memory_space<vmem>> -> memref<125xi32, #tpu.memory_space<vmem>>
      %dma_wait3A_86 = arith.constant 0 : i32
      %dma_wait3A_87 = arith.constant 0 : i32
      %dma_wait3A_88 = tpu.memref_slice %arg15[%dma_wait3A_86, %dma_wait3A_87] : memref<10000x128xf32, #tpu.memory_space<vmem_shared>> -> memref<10000x128xf32, #tpu.memory_space<vmem_shared>>
      tpu.wait_indirect_dma semaphore(%run_scoped3A_76 : memref<!tpu.dma_semaphore, #tpu.memory_space<semaphore_mem>>) src(%arg9 : memref<125x128xf32, #tpu.memory_space<vmem>>) dst(%dma_wait3A_88 : memref<10000x128xf32, #tpu.memory_space<vmem_shared>>)
      tpu.yield
    }) : () -> ()
    %dma_wait3A_67 = arith.constant 0 : i32
    %dma_wait3A_68 = arith.constant 0 : i32
    %dma_wait3A_69 = tpu.memref_slice %arg8[%dma_wait3A_67, %dma_wait3A_68] : memref<2x125xi32, #tpu.memory_space<vmem>> -> memref<1x125xi32, #tpu.memory_space<vmem>>
    %dma_wait3A_70 = tpu.memref_squeeze %dma_wait3A_69 : memref<1x125xi32, #tpu.memory_space<vmem>> -> memref<125xi32, #tpu.memory_space<vmem>>
    %dma_wait3A_71 = arith.constant 0 : i32
    %dma_wait3A_72 = arith.constant 0 : i32
    %dma_wait3A_73 = tpu.memref_slice %arg2[%dma_wait3A_71, %dma_wait3A_72] : memref<10000x128xf32, #tpu.memory_space<hbm>> -> memref<10000x128xf32, #tpu.memory_space<hbm>>
    tpu.wait_indirect_dma semaphore(%arg14 : memref<!tpu.dma_semaphore, #tpu.memory_space<semaphore_mem>>) src(%dma_wait3A_73 : memref<10000x128xf32, #tpu.memory_space<hbm>>) dst(%arg10 : memref<125x128xf32, #tpu.memory_space<vmem>>)
    %run_scoped3A_74 = arith.constant 1 : i32
    "tpu.region"() ({
      %run_scoped3A_76 = tpu.sem_alloc : memref<!tpu.dma_semaphore, #tpu.memory_space<semaphore_mem>>
      %dma_start3A_77 = arith.constant 0 : i32
      %dma_start3A_78 = tpu.memref_slice %arg8[%run_scoped3A_74, %dma_start3A_77] : memref<2x125xi32, #tpu.memory_space<vmem>> -> memref<1x125xi32, #tpu.memory_space<vmem>>
      %dma_start3A_79 = tpu.memref_squeeze %dma_start3A_78 : memref<1x125xi32, #tpu.memory_space<vmem>> -> memref<125xi32, #tpu.memory_space<vmem>>
      %dma_start3A_80 = arith.constant 0 : i32
      %dma_start3A_81 = arith.constant 0 : i32
      %dma_start3A_82 = tpu.memref_slice %arg15[%dma_start3A_80, %dma_start3A_81] : memref<10000x128xf32, #tpu.memory_space<vmem_shared>> -> memref<10000x128xf32, #tpu.memory_space<vmem_shared>>
      tpu.enqueue_indirect_dma source(%arg10 : memref<125x128xf32, #tpu.memory_space<vmem>>) target(%dma_start3A_82 : memref<10000x128xf32, #tpu.memory_space<vmem_shared>>) offsets(%dma_start3A_79 : memref<125xi32, #tpu.memory_space<vmem>>) semaphore(%run_scoped3A_76 : memref<!tpu.dma_semaphore, #tpu.memory_space<semaphore_mem>>) {add = true}
      %dma_wait3A_83 = arith.constant 0 : i32
      %dma_wait3A_84 = tpu.memref_slice %arg8[%run_scoped3A_74, %dma_wait3A_83] : memref<2x125xi32, #tpu.memory_space<vmem>> -> memref<1x125xi32, #tpu.memory_space<vmem>>
      %dma_wait3A_85 = tpu.memref_squeeze %dma_wait3A_84 : memref<1x125xi32, #tpu.memory_space<vmem>> -> memref<125xi32, #tpu.memory_space<vmem>>
      %dma_wait3A_86 = arith.constant 0 : i32
      %dma_wait3A_87 = arith.constant 0 : i32
      %dma_wait3A_88 = tpu.memref_slice %arg15[%dma_wait3A_86, %dma_wait3A_87] : memref<10000x128xf32, #tpu.memory_space<vmem_shared>> -> memref<10000x128xf32, #tpu.memory_space<vmem_shared>>
      tpu.wait_indirect_dma semaphore(%run_scoped3A_76 : memref<!tpu.dma_semaphore, #tpu.memory_space<semaphore_mem>>) src(%arg10 : memref<125x128xf32, #tpu.memory_space<vmem>>) dst(%dma_wait3A_88 : memref<10000x128xf32, #tpu.memory_space<vmem_shared>>)
      tpu.yield
    }) : () -> ()
    %barrier3A_75 = arith.constant 0 : index
    tpu.barrier barrier_id(%barrier3A_75)
    "tpu.region"() ({
      %run_scoped3A_76 = tpu.sem_alloc : memref<!tpu.dma_semaphore, #tpu.memory_space<semaphore_mem>>
      %dma_start3A_77 = arith.constant 0 : i32
      %dma_start3A_78 = tpu.memref_slice %arg6[%arg0, %min3A_7, %dma_start3A_77] : memref<2x10000x128xf32, #tpu.memory_space<hbm>> -> memref<1x632x128xf32, #tpu.memory_space<hbm>>
      %dma_start3A_79 = tpu.memref_squeeze %dma_start3A_78 : memref<1x632x128xf32, #tpu.memory_space<hbm>> -> memref<632x128xf32, #tpu.memory_space<hbm>>
      %dma_start3A_80 = arith.constant 0 : i32
      %dma_start3A_81 = tpu.memref_slice %arg15[%min3A_7, %dma_start3A_80] : memref<10000x128xf32, #tpu.memory_space<vmem_shared>> -> memref<632x128xf32, #tpu.memory_space<vmem_shared>>
      tpu.enqueue_dma source(%dma_start3A_81 : memref<632x128xf32, #tpu.memory_space<vmem_shared>>) target(%dma_start3A_79 : memref<632x128xf32, #tpu.memory_space<hbm>>) target_semaphore(%run_scoped3A_76 : memref<!tpu.dma_semaphore, #tpu.memory_space<semaphore_mem>>)
      %dma_wait3A_82 = arith.constant 0 : i32
      %dma_wait3A_83 = tpu.memref_slice %arg6[%arg0, %min3A_7, %dma_wait3A_82] : memref<2x10000x128xf32, #tpu.memory_space<hbm>> -> memref<1x632x128xf32, #tpu.memory_space<hbm>>
      %dma_wait3A_84 = tpu.memref_squeeze %dma_wait3A_83 : memref<1x632x128xf32, #tpu.memory_space<hbm>> -> memref<632x128xf32, #tpu.memory_space<hbm>>
      %dma_wait3A_85 = arith.constant 0 : i32
      %dma_wait3A_86 = tpu.memref_slice %arg15[%min3A_7, %dma_wait3A_85] : memref<10000x128xf32, #tpu.memory_space<vmem_shared>> -> memref<632x128xf32, #tpu.memory_space<vmem_shared>>
      tpu.wait_dma2 semaphore(%run_scoped3A_76 : memref<!tpu.dma_semaphore, #tpu.memory_space<semaphore_mem>>) src(%dma_wait3A_86 : memref<632x128xf32, #tpu.memory_space<vmem_shared>>) dst(%dma_wait3A_84 : memref<632x128xf32, #tpu.memory_space<hbm>>)
      tpu.yield
    }) : () -> ()
    return
  }
}

#map = affine_map<(d0, d1) -> (0, 0)>
#map1 = affine_map<(d0, d1) -> (0, 0, 0)>
#map2 = affine_map<(d0, d1) -> (0)>
module attributes {stable_mosaic.version = 14 : i64} {
  func.func @_sc_body(%arg0: i32, %arg1: i32, %arg2: memref<10000x128xf32, #tpu.memory_space<hbm>>, %arg3: memref<2560x2x125xi32, #tpu.memory_space<hbm>>, %arg4: memref<320000xi32, #tpu.memory_space<hbm>>, %arg5: memref<632x128xf32, #tpu.memory_space<hbm>>, %arg6: memref<632xf32, #tpu.memory_space<hbm>>, %arg7: memref<128xf32, #tpu.memory_space<hbm>>, %arg8: memref<2x10000x128xf32, #tpu.memory_space<hbm>>, %arg9: memref<10000xf32, #tpu.memory_space<hbm>>, %arg10: memref<10000xf32, #tpu.memory_space<hbm>>, %arg11: memref<2x125xi32, #tpu.memory_space<vmem>>, %arg12: memref<2x125xi32, #tpu.memory_space<vmem>>, %arg13: memref<125x128xf32, #tpu.memory_space<vmem>>, %arg14: memref<125x128xf32, #tpu.memory_space<vmem>>, %arg15: memref<!tpu.dma_semaphore, #tpu.memory_space<semaphore_mem>>, %arg16: memref<!tpu.dma_semaphore, #tpu.memory_space<semaphore_mem>>, %arg17: memref<!tpu.dma_semaphore, #tpu.memory_space<semaphore_mem>>, %arg18: memref<!tpu.dma_semaphore, #tpu.memory_space<semaphore_mem>>, %arg19: memref<10000x128xf32, #tpu.memory_space<vmem_shared>>, %arg20: memref<128xf32, #tpu.memory_space<vmem>>, %arg21: memref<10000xf32, #tpu.memory_space<vmem_shared>>, %arg22: memref<128xi32, #tpu.memory_space<vmem>>, %arg23: memref<128xi32, #tpu.memory_space<vmem>>, %arg24: memref<16xi32, #tpu.memory_space<vmem>>, %arg25: memref<632xf32, #tpu.memory_space<vmem>>) attributes {dimension_semantics = [#tpu.dimension_semantics<core_parallel>, #tpu.dimension_semantics<subcore_parallel>], iteration_bounds = array<i64: 2, 16>, scalar_prefetch = 0 : i64, scratch_operands = 15 : i64, tpu.core_type = #tpu.core_type<sc_vector_subcore>, window_params = [{transform_indices = #map}, {transform_indices = #map1}, {transform_indices = #map2}, {transform_indices = #map}, {transform_indices = #map2}, {transform_indices = #map2}, {transform_indices = #map1}, {transform_indices = #map2}, {transform_indices = #map2}]} {
    %mul3A = arith.constant 16 : i32
    %mul3A_0 = arith.muli %arg0, %mul3A : i32
    %add3A = arith.addi %mul3A_0, %arg1 : i32
    %mul3A_1 = arith.constant 10000 : i32
    %mul3A_2 = arith.muli %add3A, %mul3A_1 : i32
    %mul3A_3 = arith.constant 80 : i32
    %mul3A_4 = arith.muli %add3A, %mul3A_3 : i32
    %mul3A_5 = arith.constant 632 : i32
    %mul3A_6 = arith.muli %arg1, %mul3A_5 : i32
    %min3A = arith.constant 9368 : i32
    %min3A_7 = arith.minsi %mul3A_6, %min3A : i32
    "tpu.region"() ({
      %run_scoped3A_100 = tpu.sem_alloc : memref<!tpu.dma_semaphore, #tpu.memory_space<semaphore_mem>>
      %dma_start3A_101 = arith.constant 0 : i32
      %dma_start3A_102 = tpu.memref_slice %arg19[%min3A_7, %dma_start3A_101] : memref<10000x128xf32, #tpu.memory_space<vmem_shared>> -> memref<632x128xf32, #tpu.memory_space<vmem_shared>>
      tpu.enqueue_dma source(%arg5 : memref<632x128xf32, #tpu.memory_space<hbm>>) target(%dma_start3A_102 : memref<632x128xf32, #tpu.memory_space<vmem_shared>>) target_semaphore(%run_scoped3A_100 : memref<!tpu.dma_semaphore, #tpu.memory_space<semaphore_mem>>)
      %dma_wait3A_103 = arith.constant 0 : i32
      %dma_wait3A_104 = tpu.memref_slice %arg19[%min3A_7, %dma_wait3A_103] : memref<10000x128xf32, #tpu.memory_space<vmem_shared>> -> memref<632x128xf32, #tpu.memory_space<vmem_shared>>
      tpu.wait_dma2 semaphore(%run_scoped3A_100 : memref<!tpu.dma_semaphore, #tpu.memory_space<semaphore_mem>>) src(%arg5 : memref<632x128xf32, #tpu.memory_space<hbm>>) dst(%dma_wait3A_104 : memref<632x128xf32, #tpu.memory_space<vmem_shared>>)
      tpu.yield
    }) : () -> ()
    "tpu.region"() ({
      %run_scoped3A_100 = tpu.sem_alloc : memref<!tpu.dma_semaphore, #tpu.memory_space<semaphore_mem>>
      tpu.enqueue_dma source(%arg6 : memref<632xf32, #tpu.memory_space<hbm>>) target(%arg25 : memref<632xf32, #tpu.memory_space<vmem>>) target_semaphore(%run_scoped3A_100 : memref<!tpu.dma_semaphore, #tpu.memory_space<semaphore_mem>>)
      tpu.wait_dma2 semaphore(%run_scoped3A_100 : memref<!tpu.dma_semaphore, #tpu.memory_space<semaphore_mem>>) src(%arg6 : memref<632xf32, #tpu.memory_space<hbm>>) dst(%arg25 : memref<632xf32, #tpu.memory_space<vmem>>)
      tpu.yield
    }) : () -> ()
    "tpu.region"() ({
      %run_scoped3A_100 = tpu.sem_alloc : memref<!tpu.dma_semaphore, #tpu.memory_space<semaphore_mem>>
      %dma_start3A_101 = tpu.memref_slice %arg21[%min3A_7] : memref<10000xf32, #tpu.memory_space<vmem_shared>> -> memref<632xf32, #tpu.memory_space<vmem_shared>>
      %dma_start3A_102 = tpu.memref_slice %arg21[%min3A_7] : memref<10000xf32, #tpu.memory_space<vmem_shared>> -> memref<632xf32, #tpu.memory_space<vmem_shared>>
      tpu.enqueue_dma source(%arg25 : memref<632xf32, #tpu.memory_space<vmem>>) target(%dma_start3A_102 : memref<632xf32, #tpu.memory_space<vmem_shared>>) target_semaphore(%run_scoped3A_100 : memref<!tpu.dma_semaphore, #tpu.memory_space<semaphore_mem>>)
      %dma_wait3A_103 = tpu.memref_slice %arg21[%min3A_7] : memref<10000xf32, #tpu.memory_space<vmem_shared>> -> memref<632xf32, #tpu.memory_space<vmem_shared>>
      %dma_wait3A_104 = tpu.memref_slice %arg21[%min3A_7] : memref<10000xf32, #tpu.memory_space<vmem_shared>> -> memref<632xf32, #tpu.memory_space<vmem_shared>>
      tpu.wait_dma2 semaphore(%run_scoped3A_100 : memref<!tpu.dma_semaphore, #tpu.memory_space<semaphore_mem>>) src(%arg25 : memref<632xf32, #tpu.memory_space<vmem>>) dst(%dma_wait3A_104 : memref<632xf32, #tpu.memory_space<vmem_shared>>)
      tpu.yield
    }) : () -> ()
    "tpu.region"() ({
      %run_scoped3A_100 = tpu.sem_alloc : memref<!tpu.dma_semaphore, #tpu.memory_space<semaphore_mem>>
      tpu.enqueue_dma source(%arg7 : memref<128xf32, #tpu.memory_space<hbm>>) target(%arg20 : memref<128xf32, #tpu.memory_space<vmem>>) target_semaphore(%run_scoped3A_100 : memref<!tpu.dma_semaphore, #tpu.memory_space<semaphore_mem>>)
      tpu.wait_dma2 semaphore(%run_scoped3A_100 : memref<!tpu.dma_semaphore, #tpu.memory_space<semaphore_mem>>) src(%arg7 : memref<128xf32, #tpu.memory_space<hbm>>) dst(%arg20 : memref<128xf32, #tpu.memory_space<vmem>>)
      tpu.yield
    }) : () -> ()
    %barrier3A = arith.constant 0 : index
    tpu.barrier barrier_id(%barrier3A)
    %add3A_8 = arith.constant 0 : i32
    %add3A_9 = arith.addi %mul3A_2, %add3A_8 : i32
    %dma_start3A = tpu.memref_slice %arg4[%add3A_9] : memref<320000xi32, #tpu.memory_space<hbm>> -> memref<128xi32, #tpu.memory_space<hbm>>
    %dma_start3A_10 = tpu.memref_slice %arg4[%add3A_9] : memref<320000xi32, #tpu.memory_space<hbm>> -> memref<128xi32, #tpu.memory_space<hbm>>
    tpu.enqueue_dma source(%dma_start3A_10 : memref<128xi32, #tpu.memory_space<hbm>>) target(%arg22 : memref<128xi32, #tpu.memory_space<vmem>>) target_semaphore(%arg15 : memref<!tpu.dma_semaphore, #tpu.memory_space<semaphore_mem>>)
    %add3A_11 = arith.constant 128 : i32
    %add3A_12 = arith.addi %mul3A_2, %add3A_11 : i32
    %dma_start3A_13 = tpu.memref_slice %arg4[%add3A_12] : memref<320000xi32, #tpu.memory_space<hbm>> -> memref<128xi32, #tpu.memory_space<hbm>>
    %dma_start3A_14 = tpu.memref_slice %arg4[%add3A_12] : memref<320000xi32, #tpu.memory_space<hbm>> -> memref<128xi32, #tpu.memory_space<hbm>>
    tpu.enqueue_dma source(%dma_start3A_14 : memref<128xi32, #tpu.memory_space<hbm>>) target(%arg23 : memref<128xi32, #tpu.memory_space<vmem>>) target_semaphore(%arg16 : memref<!tpu.dma_semaphore, #tpu.memory_space<semaphore_mem>>)
    %scan3A = arith.constant 0 : i32
    %scan3A_15 = arith.constant 39 : i32
    %scan3A_16 = arith.addi %scan3A, %scan3A_15 : i32
    %scan3A_17 = arith.constant 1 : i32
    scf.for %scan3A_100 = %scan3A to %scan3A_16 step %scan3A_17  : i32 {
      %mul3A_101 = arith.constant 1 : i32
      %mul3A_102 = arith.muli %scan3A_100, %mul3A_101 : i32
      %add3A_103 = arith.constant 0 : i32
      %add3A_104 = arith.addi %add3A_103, %mul3A_102 : i32
      %mul3A_105 = arith.constant 2 : i32
      %mul3A_106 = arith.muli %mul3A_105, %add3A_104 : i32
      %mul3A_107 = arith.constant 128 : i32
      %mul3A_108 = arith.muli %mul3A_106, %mul3A_107 : i32
      %add3A_109 = arith.addi %mul3A_2, %mul3A_108 : i32
      %dma_wait3A_110 = tpu.memref_slice %arg4[%add3A_109] : memref<320000xi32, #tpu.memory_space<hbm>> -> memref<128xi32, #tpu.memory_space<hbm>>
      %dma_wait3A_111 = tpu.memref_slice %arg4[%add3A_109] : memref<320000xi32, #tpu.memory_space<hbm>> -> memref<128xi32, #tpu.memory_space<hbm>>
      tpu.wait_dma2 semaphore(%arg15 : memref<!tpu.dma_semaphore, #tpu.memory_space<semaphore_mem>>) src(%dma_wait3A_111 : memref<128xi32, #tpu.memory_space<hbm>>) dst(%arg22 : memref<128xi32, #tpu.memory_space<vmem>>)
      "tpu.region"() ({
        %run_scoped3A_130 = tpu.sem_alloc : memref<!tpu.dma_semaphore, #tpu.memory_space<semaphore_mem>>
        %dma_start3A_131 = arith.constant 0 : i32
        %dma_start3A_132 = tpu.memref_slice %arg21[%dma_start3A_131] : memref<10000xf32, #tpu.memory_space<vmem_shared>> -> memref<10000xf32, #tpu.memory_space<vmem_shared>>
        tpu.enqueue_indirect_dma source(%arg20 : memref<128xf32, #tpu.memory_space<vmem>>) target(%dma_start3A_132 : memref<10000xf32, #tpu.memory_space<vmem_shared>>) offsets(%arg22 : memref<128xi32, #tpu.memory_space<vmem>>) semaphore(%run_scoped3A_130 : memref<!tpu.dma_semaphore, #tpu.memory_space<semaphore_mem>>) {add = true}
        %dma_wait3A_133 = arith.constant 0 : i32
        %dma_wait3A_134 = tpu.memref_slice %arg21[%dma_wait3A_133] : memref<10000xf32, #tpu.memory_space<vmem_shared>> -> memref<10000xf32, #tpu.memory_space<vmem_shared>>
        tpu.wait_indirect_dma semaphore(%run_scoped3A_130 : memref<!tpu.dma_semaphore, #tpu.memory_space<semaphore_mem>>) src(%arg20 : memref<128xf32, #tpu.memory_space<vmem>>) dst(%dma_wait3A_134 : memref<10000xf32, #tpu.memory_space<vmem_shared>>)
        tpu.yield
      }) : () -> ()
      %add3A_112 = arith.constant 2 : i32
      %add3A_113 = arith.addi %mul3A_106, %add3A_112 : i32
      %lt3A = arith.constant 78 : i32
      %lt3A_114 = arith.cmpi slt, %add3A_113, %lt3A : i32
      %convert_element_type3A_115 = arith.extui %lt3A_114 : i1 to i32
      %cond3A_116 = arith.constant 0 : i32
      %cond3A_117 = arith.cmpi ne, %convert_element_type3A_115, %cond3A_116 : i32
      scf.if %cond3A_117 {
        %add3A_130 = arith.constant 2 : i32
        %add3A_131 = arith.addi %mul3A_106, %add3A_130 : i32
        %mul3A_132 = arith.constant 128 : i32
        %mul3A_133 = arith.muli %add3A_131, %mul3A_132 : i32
        %add3A_134 = arith.addi %mul3A_2, %mul3A_133 : i32
        %dma_start3A_135 = tpu.memref_slice %arg4[%add3A_134] : memref<320000xi32, #tpu.memory_space<hbm>> -> memref<128xi32, #tpu.memory_space<hbm>>
        %dma_start3A_136 = tpu.memref_slice %arg4[%add3A_134] : memref<320000xi32, #tpu.memory_space<hbm>> -> memref<128xi32, #tpu.memory_space<hbm>>
        tpu.enqueue_dma source(%dma_start3A_136 : memref<128xi32, #tpu.memory_space<hbm>>) target(%arg22 : memref<128xi32, #tpu.memory_space<vmem>>) target_semaphore(%arg15 : memref<!tpu.dma_semaphore, #tpu.memory_space<semaphore_mem>>)
      } else {
      }
      %mul3A_118 = arith.constant 128 : i32
      %mul3A_119 = arith.muli %mul3A_106, %mul3A_118 : i32
      %add3A_120 = arith.addi %mul3A_2, %mul3A_119 : i32
      %dma_wait3A_121 = tpu.memref_slice %arg4[%add3A_120] : memref<320000xi32, #tpu.memory_space<hbm>> -> memref<128xi32, #tpu.memory_space<hbm>>
      %dma_wait3A_122 = tpu.memref_slice %arg4[%add3A_120] : memref<320000xi32, #tpu.memory_space<hbm>> -> memref<128xi32, #tpu.memory_space<hbm>>
      tpu.wait_dma2 semaphore(%arg16 : memref<!tpu.dma_semaphore, #tpu.memory_space<semaphore_mem>>) src(%dma_wait3A_122 : memref<128xi32, #tpu.memory_space<hbm>>) dst(%arg23 : memref<128xi32, #tpu.memory_space<vmem>>)
      "tpu.region"() ({
        %run_scoped3A_130 = tpu.sem_alloc : memref<!tpu.dma_semaphore, #tpu.memory_space<semaphore_mem>>
        %dma_start3A_131 = arith.constant 0 : i32
        %dma_start3A_132 = tpu.memref_slice %arg21[%dma_start3A_131] : memref<10000xf32, #tpu.memory_space<vmem_shared>> -> memref<10000xf32, #tpu.memory_space<vmem_shared>>
        tpu.enqueue_indirect_dma source(%arg20 : memref<128xf32, #tpu.memory_space<vmem>>) target(%dma_start3A_132 : memref<10000xf32, #tpu.memory_space<vmem_shared>>) offsets(%arg23 : memref<128xi32, #tpu.memory_space<vmem>>) semaphore(%run_scoped3A_130 : memref<!tpu.dma_semaphore, #tpu.memory_space<semaphore_mem>>) {add = true}
        %dma_wait3A_133 = arith.constant 0 : i32
        %dma_wait3A_134 = tpu.memref_slice %arg21[%dma_wait3A_133] : memref<10000xf32, #tpu.memory_space<vmem_shared>> -> memref<10000xf32, #tpu.memory_space<vmem_shared>>
        tpu.wait_indirect_dma semaphore(%run_scoped3A_130 : memref<!tpu.dma_semaphore, #tpu.memory_space<semaphore_mem>>) src(%arg20 : memref<128xf32, #tpu.memory_space<vmem>>) dst(%dma_wait3A_134 : memref<10000xf32, #tpu.memory_space<vmem_shared>>)
        tpu.yield
      }) : () -> ()
      %add3A_123 = arith.constant 3 : i32
      %add3A_124 = arith.addi %mul3A_106, %add3A_123 : i32
      %lt3A_125 = arith.constant 78 : i32
      %lt3A_126 = arith.cmpi slt, %add3A_124, %lt3A_125 : i32
      %convert_element_type3A_127 = arith.extui %lt3A_126 : i1 to i32
      %cond3A_128 = arith.constant 0 : i32
      %cond3A_129 = arith.cmpi ne, %convert_element_type3A_127, %cond3A_128 : i32
      scf.if %cond3A_129 {
        %add3A_130 = arith.constant 3 : i32
        %add3A_131 = arith.addi %mul3A_106, %add3A_130 : i32
        %mul3A_132 = arith.constant 128 : i32
        %mul3A_133 = arith.muli %add3A_131, %mul3A_132 : i32
        %add3A_134 = arith.addi %mul3A_2, %mul3A_133 : i32
        %dma_start3A_135 = tpu.memref_slice %arg4[%add3A_134] : memref<320000xi32, #tpu.memory_space<hbm>> -> memref<128xi32, #tpu.memory_space<hbm>>
        %dma_start3A_136 = tpu.memref_slice %arg4[%add3A_134] : memref<320000xi32, #tpu.memory_space<hbm>> -> memref<128xi32, #tpu.memory_space<hbm>>
        tpu.enqueue_dma source(%dma_start3A_136 : memref<128xi32, #tpu.memory_space<hbm>>) target(%arg23 : memref<128xi32, #tpu.memory_space<vmem>>) target_semaphore(%arg16 : memref<!tpu.dma_semaphore, #tpu.memory_space<semaphore_mem>>)
      } else {
      }
    }
    %scan3A_18 = arith.constant 39 : i32
    %add3A_19 = arith.constant 9984 : i32
    %add3A_20 = arith.addi %mul3A_2, %add3A_19 : i32
    "tpu.region"() ({
      %run_scoped3A_100 = tpu.sem_alloc : memref<!tpu.dma_semaphore, #tpu.memory_space<semaphore_mem>>
      %dma_start3A_101 = tpu.memref_slice %arg4[%add3A_20] : memref<320000xi32, #tpu.memory_space<hbm>> -> memref<16xi32, #tpu.memory_space<hbm>>
      %dma_start3A_102 = tpu.memref_slice %arg4[%add3A_20] : memref<320000xi32, #tpu.memory_space<hbm>> -> memref<16xi32, #tpu.memory_space<hbm>>
      tpu.enqueue_dma source(%dma_start3A_102 : memref<16xi32, #tpu.memory_space<hbm>>) target(%arg24 : memref<16xi32, #tpu.memory_space<vmem>>) target_semaphore(%run_scoped3A_100 : memref<!tpu.dma_semaphore, #tpu.memory_space<semaphore_mem>>)
      %dma_wait3A_103 = tpu.memref_slice %arg4[%add3A_20] : memref<320000xi32, #tpu.memory_space<hbm>> -> memref<16xi32, #tpu.memory_space<hbm>>
      %dma_wait3A_104 = tpu.memref_slice %arg4[%add3A_20] : memref<320000xi32, #tpu.memory_space<hbm>> -> memref<16xi32, #tpu.memory_space<hbm>>
      tpu.wait_dma2 semaphore(%run_scoped3A_100 : memref<!tpu.dma_semaphore, #tpu.memory_space<semaphore_mem>>) src(%dma_wait3A_104 : memref<16xi32, #tpu.memory_space<hbm>>) dst(%arg24 : memref<16xi32, #tpu.memory_space<vmem>>)
      tpu.yield
    }) : () -> ()
    "tpu.region"() ({
      %run_scoped3A_100 = tpu.sem_alloc : memref<!tpu.dma_semaphore, #tpu.memory_space<semaphore_mem>>
      %dma_start3A_101 = arith.constant 0 : i32
      %dma_start3A_102 = tpu.memref_slice %arg20[%dma_start3A_101] : memref<128xf32, #tpu.memory_space<vmem>> -> memref<16xf32, #tpu.memory_space<vmem>>
      %dma_start3A_103 = arith.constant 0 : i32
      %dma_start3A_104 = tpu.memref_slice %arg21[%dma_start3A_103] : memref<10000xf32, #tpu.memory_space<vmem_shared>> -> memref<10000xf32, #tpu.memory_space<vmem_shared>>
      tpu.enqueue_indirect_dma source(%dma_start3A_102 : memref<16xf32, #tpu.memory_space<vmem>>) target(%dma_start3A_104 : memref<10000xf32, #tpu.memory_space<vmem_shared>>) offsets(%arg24 : memref<16xi32, #tpu.memory_space<vmem>>) semaphore(%run_scoped3A_100 : memref<!tpu.dma_semaphore, #tpu.memory_space<semaphore_mem>>) {add = true}
      %dma_wait3A_105 = arith.constant 0 : i32
      %dma_wait3A_106 = tpu.memref_slice %arg20[%dma_wait3A_105] : memref<128xf32, #tpu.memory_space<vmem>> -> memref<16xf32, #tpu.memory_space<vmem>>
      %dma_wait3A_107 = arith.constant 0 : i32
      %dma_wait3A_108 = tpu.memref_slice %arg21[%dma_wait3A_107] : memref<10000xf32, #tpu.memory_space<vmem_shared>> -> memref<10000xf32, #tpu.memory_space<vmem_shared>>
      tpu.wait_indirect_dma semaphore(%run_scoped3A_100 : memref<!tpu.dma_semaphore, #tpu.memory_space<semaphore_mem>>) src(%dma_wait3A_106 : memref<16xf32, #tpu.memory_space<vmem>>) dst(%dma_wait3A_108 : memref<10000xf32, #tpu.memory_space<vmem_shared>>)
      tpu.yield
    }) : () -> ()
    %barrier3A_21 = arith.constant 0 : index
    tpu.barrier barrier_id(%barrier3A_21)
    "tpu.region"() ({
      %run_scoped3A_100 = tpu.sem_alloc : memref<!tpu.dma_semaphore, #tpu.memory_space<semaphore_mem>>
      %dma_start3A_101 = tpu.memref_slice %arg21[%min3A_7] : memref<10000xf32, #tpu.memory_space<vmem_shared>> -> memref<632xf32, #tpu.memory_space<vmem_shared>>
      %dma_start3A_102 = tpu.memref_slice %arg21[%min3A_7] : memref<10000xf32, #tpu.memory_space<vmem_shared>> -> memref<632xf32, #tpu.memory_space<vmem_shared>>
      tpu.enqueue_dma source(%dma_start3A_102 : memref<632xf32, #tpu.memory_space<vmem_shared>>) target(%arg25 : memref<632xf32, #tpu.memory_space<vmem>>) target_semaphore(%run_scoped3A_100 : memref<!tpu.dma_semaphore, #tpu.memory_space<semaphore_mem>>)
      %dma_wait3A_103 = tpu.memref_slice %arg21[%min3A_7] : memref<10000xf32, #tpu.memory_space<vmem_shared>> -> memref<632xf32, #tpu.memory_space<vmem_shared>>
      %dma_wait3A_104 = tpu.memref_slice %arg21[%min3A_7] : memref<10000xf32, #tpu.memory_space<vmem_shared>> -> memref<632xf32, #tpu.memory_space<vmem_shared>>
      tpu.wait_dma2 semaphore(%run_scoped3A_100 : memref<!tpu.dma_semaphore, #tpu.memory_space<semaphore_mem>>) src(%dma_wait3A_104 : memref<632xf32, #tpu.memory_space<vmem_shared>>) dst(%arg25 : memref<632xf32, #tpu.memory_space<vmem>>)
      tpu.yield
    }) : () -> ()
    %eq3A = arith.constant 0 : i32
    %eq3A_22 = arith.cmpi eq, %arg0, %eq3A : i32
    %convert_element_type3A = arith.extui %eq3A_22 : i1 to i32
    %cond3A = arith.constant 0 : i32
    %cond3A_23 = arith.cmpi ne, %convert_element_type3A, %cond3A : i32
    scf.if %cond3A_23 {
      "tpu.region"() ({
        %run_scoped3A_100 = tpu.sem_alloc : memref<!tpu.dma_semaphore, #tpu.memory_space<semaphore_mem>>
        %dma_start3A_101 = tpu.memref_slice %arg9[%min3A_7] : memref<10000xf32, #tpu.memory_space<hbm>> -> memref<632xf32, #tpu.memory_space<hbm>>
        %dma_start3A_102 = tpu.memref_slice %arg9[%min3A_7] : memref<10000xf32, #tpu.memory_space<hbm>> -> memref<632xf32, #tpu.memory_space<hbm>>
        tpu.enqueue_dma source(%arg25 : memref<632xf32, #tpu.memory_space<vmem>>) target(%dma_start3A_102 : memref<632xf32, #tpu.memory_space<hbm>>) target_semaphore(%run_scoped3A_100 : memref<!tpu.dma_semaphore, #tpu.memory_space<semaphore_mem>>)
        %dma_wait3A_103 = tpu.memref_slice %arg9[%min3A_7] : memref<10000xf32, #tpu.memory_space<hbm>> -> memref<632xf32, #tpu.memory_space<hbm>>
        %dma_wait3A_104 = tpu.memref_slice %arg9[%min3A_7] : memref<10000xf32, #tpu.memory_space<hbm>> -> memref<632xf32, #tpu.memory_space<hbm>>
        tpu.wait_dma2 semaphore(%run_scoped3A_100 : memref<!tpu.dma_semaphore, #tpu.memory_space<semaphore_mem>>) src(%arg25 : memref<632xf32, #tpu.memory_space<vmem>>) dst(%dma_wait3A_104 : memref<632xf32, #tpu.memory_space<hbm>>)
        tpu.yield
      }) : () -> ()
    } else {
    }
    %eq3A_24 = arith.constant 1 : i32
    %eq3A_25 = arith.cmpi eq, %arg0, %eq3A_24 : i32
    %convert_element_type3A_26 = arith.extui %eq3A_25 : i1 to i32
    %cond3A_27 = arith.constant 0 : i32
    %cond3A_28 = arith.cmpi ne, %convert_element_type3A_26, %cond3A_27 : i32
    scf.if %cond3A_28 {
      "tpu.region"() ({
        %run_scoped3A_100 = tpu.sem_alloc : memref<!tpu.dma_semaphore, #tpu.memory_space<semaphore_mem>>
        %dma_start3A_101 = tpu.memref_slice %arg10[%min3A_7] : memref<10000xf32, #tpu.memory_space<hbm>> -> memref<632xf32, #tpu.memory_space<hbm>>
        %dma_start3A_102 = tpu.memref_slice %arg10[%min3A_7] : memref<10000xf32, #tpu.memory_space<hbm>> -> memref<632xf32, #tpu.memory_space<hbm>>
        tpu.enqueue_dma source(%arg25 : memref<632xf32, #tpu.memory_space<vmem>>) target(%dma_start3A_102 : memref<632xf32, #tpu.memory_space<hbm>>) target_semaphore(%run_scoped3A_100 : memref<!tpu.dma_semaphore, #tpu.memory_space<semaphore_mem>>)
        %dma_wait3A_103 = tpu.memref_slice %arg10[%min3A_7] : memref<10000xf32, #tpu.memory_space<hbm>> -> memref<632xf32, #tpu.memory_space<hbm>>
        %dma_wait3A_104 = tpu.memref_slice %arg10[%min3A_7] : memref<10000xf32, #tpu.memory_space<hbm>> -> memref<632xf32, #tpu.memory_space<hbm>>
        tpu.wait_dma2 semaphore(%run_scoped3A_100 : memref<!tpu.dma_semaphore, #tpu.memory_space<semaphore_mem>>) src(%arg25 : memref<632xf32, #tpu.memory_space<vmem>>) dst(%dma_wait3A_104 : memref<632xf32, #tpu.memory_space<hbm>>)
        tpu.yield
      }) : () -> ()
    } else {
    }
    %barrier3A_29 = arith.constant 0 : index
    tpu.barrier barrier_id(%barrier3A_29)
    %add3A_30 = arith.constant 0 : i32
    %add3A_31 = arith.addi %mul3A_4, %add3A_30 : i32
    %dma_start3A_32 = arith.constant 0 : i32
    %dma_start3A_33 = arith.constant 0 : i32
    %dma_start3A_34 = tpu.memref_slice %arg3[%add3A_31, %dma_start3A_32, %dma_start3A_33] : memref<2560x2x125xi32, #tpu.memory_space<hbm>> -> memref<1x2x125xi32, #tpu.memory_space<hbm>>
    %dma_start3A_35 = tpu.memref_squeeze %dma_start3A_34 : memref<1x2x125xi32, #tpu.memory_space<hbm>> -> memref<2x125xi32, #tpu.memory_space<hbm>>
    %dma_start3A_36 = arith.constant 0 : i32
    %dma_start3A_37 = arith.constant 0 : i32
    %dma_start3A_38 = tpu.memref_slice %arg3[%add3A_31, %dma_start3A_36, %dma_start3A_37] : memref<2560x2x125xi32, #tpu.memory_space<hbm>> -> memref<1x2x125xi32, #tpu.memory_space<hbm>>
    %dma_start3A_39 = tpu.memref_squeeze %dma_start3A_38 : memref<1x2x125xi32, #tpu.memory_space<hbm>> -> memref<2x125xi32, #tpu.memory_space<hbm>>
    tpu.enqueue_dma source(%dma_start3A_39 : memref<2x125xi32, #tpu.memory_space<hbm>>) target(%arg11 : memref<2x125xi32, #tpu.memory_space<vmem>>) target_semaphore(%arg15 : memref<!tpu.dma_semaphore, #tpu.memory_space<semaphore_mem>>)
    %add3A_40 = arith.constant 1 : i32
    %add3A_41 = arith.addi %mul3A_4, %add3A_40 : i32
    %dma_start3A_42 = arith.constant 0 : i32
    %dma_start3A_43 = arith.constant 0 : i32
    %dma_start3A_44 = tpu.memref_slice %arg3[%add3A_41, %dma_start3A_42, %dma_start3A_43] : memref<2560x2x125xi32, #tpu.memory_space<hbm>> -> memref<1x2x125xi32, #tpu.memory_space<hbm>>
    %dma_start3A_45 = tpu.memref_squeeze %dma_start3A_44 : memref<1x2x125xi32, #tpu.memory_space<hbm>> -> memref<2x125xi32, #tpu.memory_space<hbm>>
    %dma_start3A_46 = arith.constant 0 : i32
    %dma_start3A_47 = arith.constant 0 : i32
    %dma_start3A_48 = tpu.memref_slice %arg3[%add3A_41, %dma_start3A_46, %dma_start3A_47] : memref<2560x2x125xi32, #tpu.memory_space<hbm>> -> memref<1x2x125xi32, #tpu.memory_space<hbm>>
    %dma_start3A_49 = tpu.memref_squeeze %dma_start3A_48 : memref<1x2x125xi32, #tpu.memory_space<hbm>> -> memref<2x125xi32, #tpu.memory_space<hbm>>
    tpu.enqueue_dma source(%dma_start3A_49 : memref<2x125xi32, #tpu.memory_space<hbm>>) target(%arg12 : memref<2x125xi32, #tpu.memory_space<vmem>>) target_semaphore(%arg16 : memref<!tpu.dma_semaphore, #tpu.memory_space<semaphore_mem>>)
    %dma_wait3A = arith.constant 0 : i32
    %dma_wait3A_50 = arith.constant 0 : i32
    %dma_wait3A_51 = tpu.memref_slice %arg3[%mul3A_4, %dma_wait3A, %dma_wait3A_50] : memref<2560x2x125xi32, #tpu.memory_space<hbm>> -> memref<1x2x125xi32, #tpu.memory_space<hbm>>
    %dma_wait3A_52 = tpu.memref_squeeze %dma_wait3A_51 : memref<1x2x125xi32, #tpu.memory_space<hbm>> -> memref<2x125xi32, #tpu.memory_space<hbm>>
    %dma_wait3A_53 = arith.constant 0 : i32
    %dma_wait3A_54 = arith.constant 0 : i32
    %dma_wait3A_55 = tpu.memref_slice %arg3[%mul3A_4, %dma_wait3A_53, %dma_wait3A_54] : memref<2560x2x125xi32, #tpu.memory_space<hbm>> -> memref<1x2x125xi32, #tpu.memory_space<hbm>>
    %dma_wait3A_56 = tpu.memref_squeeze %dma_wait3A_55 : memref<1x2x125xi32, #tpu.memory_space<hbm>> -> memref<2x125xi32, #tpu.memory_space<hbm>>
    tpu.wait_dma2 semaphore(%arg15 : memref<!tpu.dma_semaphore, #tpu.memory_space<semaphore_mem>>) src(%dma_wait3A_56 : memref<2x125xi32, #tpu.memory_space<hbm>>) dst(%arg11 : memref<2x125xi32, #tpu.memory_space<vmem>>)
    %dma_start3A_57 = arith.constant 0 : i32
    %dma_start3A_58 = arith.constant 0 : i32
    %dma_start3A_59 = tpu.memref_slice %arg11[%dma_start3A_57, %dma_start3A_58] : memref<2x125xi32, #tpu.memory_space<vmem>> -> memref<1x125xi32, #tpu.memory_space<vmem>>
    %dma_start3A_60 = tpu.memref_squeeze %dma_start3A_59 : memref<1x125xi32, #tpu.memory_space<vmem>> -> memref<125xi32, #tpu.memory_space<vmem>>
    %dma_start3A_61 = arith.constant 0 : i32
    %dma_start3A_62 = arith.constant 0 : i32
    %dma_start3A_63 = tpu.memref_slice %arg2[%dma_start3A_61, %dma_start3A_62] : memref<10000x128xf32, #tpu.memory_space<hbm>> -> memref<10000x128xf32, #tpu.memory_space<hbm>>
    tpu.enqueue_indirect_dma source(%dma_start3A_63 : memref<10000x128xf32, #tpu.memory_space<hbm>>) target(%arg13 : memref<125x128xf32, #tpu.memory_space<vmem>>) offsets(%dma_start3A_60 : memref<125xi32, #tpu.memory_space<vmem>>) semaphore(%arg17 : memref<!tpu.dma_semaphore, #tpu.memory_space<semaphore_mem>>)
    %scan3A_64 = arith.constant 0 : i32
    %scan3A_65 = arith.constant 39 : i32
    %scan3A_66 = arith.addi %scan3A_64, %scan3A_65 : i32
    %scan3A_67 = arith.constant 1 : i32
    scf.for %scan3A_100 = %scan3A_64 to %scan3A_66 step %scan3A_67  : i32 {
      %mul3A_101 = arith.constant 1 : i32
      %mul3A_102 = arith.muli %scan3A_100, %mul3A_101 : i32
      %add3A_103 = arith.constant 0 : i32
      %add3A_104 = arith.addi %add3A_103, %mul3A_102 : i32
      %mul3A_105 = arith.constant 2 : i32
      %mul3A_106 = arith.muli %mul3A_105, %add3A_104 : i32
      %dma_wait3A_107 = arith.constant 0 : i32
      %dma_wait3A_108 = arith.constant 0 : i32
      %dma_wait3A_109 = tpu.memref_slice %arg3[%mul3A_4, %dma_wait3A_107, %dma_wait3A_108] : memref<2560x2x125xi32, #tpu.memory_space<hbm>> -> memref<1x2x125xi32, #tpu.memory_space<hbm>>
      %dma_wait3A_110 = tpu.memref_squeeze %dma_wait3A_109 : memref<1x2x125xi32, #tpu.memory_space<hbm>> -> memref<2x125xi32, #tpu.memory_space<hbm>>
      %dma_wait3A_111 = arith.constant 0 : i32
      %dma_wait3A_112 = arith.constant 0 : i32
      %dma_wait3A_113 = tpu.memref_slice %arg3[%mul3A_4, %dma_wait3A_111, %dma_wait3A_112] : memref<2560x2x125xi32, #tpu.memory_space<hbm>> -> memref<1x2x125xi32, #tpu.memory_space<hbm>>
      %dma_wait3A_114 = tpu.memref_squeeze %dma_wait3A_113 : memref<1x2x125xi32, #tpu.memory_space<hbm>> -> memref<2x125xi32, #tpu.memory_space<hbm>>
      tpu.wait_dma2 semaphore(%arg16 : memref<!tpu.dma_semaphore, #tpu.memory_space<semaphore_mem>>) src(%dma_wait3A_114 : memref<2x125xi32, #tpu.memory_space<hbm>>) dst(%arg12 : memref<2x125xi32, #tpu.memory_space<vmem>>)
      %dma_start3A_115 = arith.constant 0 : i32
      %dma_start3A_116 = arith.constant 0 : i32
      %dma_start3A_117 = tpu.memref_slice %arg12[%dma_start3A_115, %dma_start3A_116] : memref<2x125xi32, #tpu.memory_space<vmem>> -> memref<1x125xi32, #tpu.memory_space<vmem>>
      %dma_start3A_118 = tpu.memref_squeeze %dma_start3A_117 : memref<1x125xi32, #tpu.memory_space<vmem>> -> memref<125xi32, #tpu.memory_space<vmem>>
      %dma_start3A_119 = arith.constant 0 : i32
      %dma_start3A_120 = arith.constant 0 : i32
      %dma_start3A_121 = tpu.memref_slice %arg2[%dma_start3A_119, %dma_start3A_120] : memref<10000x128xf32, #tpu.memory_space<hbm>> -> memref<10000x128xf32, #tpu.memory_space<hbm>>
      tpu.enqueue_indirect_dma source(%dma_start3A_121 : memref<10000x128xf32, #tpu.memory_space<hbm>>) target(%arg14 : memref<125x128xf32, #tpu.memory_space<vmem>>) offsets(%dma_start3A_118 : memref<125xi32, #tpu.memory_space<vmem>>) semaphore(%arg18 : memref<!tpu.dma_semaphore, #tpu.memory_space<semaphore_mem>>)
      %dma_wait3A_122 = arith.constant 0 : i32
      %dma_wait3A_123 = arith.constant 0 : i32
      %dma_wait3A_124 = tpu.memref_slice %arg11[%dma_wait3A_122, %dma_wait3A_123] : memref<2x125xi32, #tpu.memory_space<vmem>> -> memref<1x125xi32, #tpu.memory_space<vmem>>
      %dma_wait3A_125 = tpu.memref_squeeze %dma_wait3A_124 : memref<1x125xi32, #tpu.memory_space<vmem>> -> memref<125xi32, #tpu.memory_space<vmem>>
      %dma_wait3A_126 = arith.constant 0 : i32
      %dma_wait3A_127 = arith.constant 0 : i32
      %dma_wait3A_128 = tpu.memref_slice %arg2[%dma_wait3A_126, %dma_wait3A_127] : memref<10000x128xf32, #tpu.memory_space<hbm>> -> memref<10000x128xf32, #tpu.memory_space<hbm>>
      tpu.wait_indirect_dma semaphore(%arg17 : memref<!tpu.dma_semaphore, #tpu.memory_space<semaphore_mem>>) src(%dma_wait3A_128 : memref<10000x128xf32, #tpu.memory_space<hbm>>) dst(%arg13 : memref<125x128xf32, #tpu.memory_space<vmem>>)
      %run_scoped3A_129 = arith.constant 1 : i32
      "tpu.region"() ({
        %run_scoped3A_170 = tpu.sem_alloc : memref<!tpu.dma_semaphore, #tpu.memory_space<semaphore_mem>>
        %dma_start3A_171 = arith.constant 0 : i32
        %dma_start3A_172 = tpu.memref_slice %arg11[%run_scoped3A_129, %dma_start3A_171] : memref<2x125xi32, #tpu.memory_space<vmem>> -> memref<1x125xi32, #tpu.memory_space<vmem>>
        %dma_start3A_173 = tpu.memref_squeeze %dma_start3A_172 : memref<1x125xi32, #tpu.memory_space<vmem>> -> memref<125xi32, #tpu.memory_space<vmem>>
        %dma_start3A_174 = arith.constant 0 : i32
        %dma_start3A_175 = arith.constant 0 : i32
        %dma_start3A_176 = tpu.memref_slice %arg19[%dma_start3A_174, %dma_start3A_175] : memref<10000x128xf32, #tpu.memory_space<vmem_shared>> -> memref<10000x128xf32, #tpu.memory_space<vmem_shared>>
        tpu.enqueue_indirect_dma source(%arg13 : memref<125x128xf32, #tpu.memory_space<vmem>>) target(%dma_start3A_176 : memref<10000x128xf32, #tpu.memory_space<vmem_shared>>) offsets(%dma_start3A_173 : memref<125xi32, #tpu.memory_space<vmem>>) semaphore(%run_scoped3A_170 : memref<!tpu.dma_semaphore, #tpu.memory_space<semaphore_mem>>) {add = true}
        %dma_wait3A_177 = arith.constant 0 : i32
        %dma_wait3A_178 = tpu.memref_slice %arg11[%run_scoped3A_129, %dma_wait3A_177] : memref<2x125xi32, #tpu.memory_space<vmem>> -> memref<1x125xi32, #tpu.memory_space<vmem>>
        %dma_wait3A_179 = tpu.memref_squeeze %dma_wait3A_178 : memref<1x125xi32, #tpu.memory_space<vmem>> -> memref<125xi32, #tpu.memory_space<vmem>>
        %dma_wait3A_180 = arith.constant 0 : i32
        %dma_wait3A_181 = arith.constant 0 : i32
        %dma_wait3A_182 = tpu.memref_slice %arg19[%dma_wait3A_180, %dma_wait3A_181] : memref<10000x128xf32, #tpu.memory_space<vmem_shared>> -> memref<10000x128xf32, #tpu.memory_space<vmem_shared>>
        tpu.wait_indirect_dma semaphore(%run_scoped3A_170 : memref<!tpu.dma_semaphore, #tpu.memory_space<semaphore_mem>>) src(%arg13 : memref<125x128xf32, #tpu.memory_space<vmem>>) dst(%dma_wait3A_182 : memref<10000x128xf32, #tpu.memory_space<vmem_shared>>)
        tpu.yield
      }) : () -> ()
      %add3A_130 = arith.constant 2 : i32
      %add3A_131 = arith.addi %mul3A_106, %add3A_130 : i32
      %add3A_132 = arith.addi %mul3A_4, %add3A_131 : i32
      %dma_start3A_133 = arith.constant 0 : i32
      %dma_start3A_134 = arith.constant 0 : i32
      %dma_start3A_135 = tpu.memref_slice %arg3[%add3A_132, %dma_start3A_133, %dma_start3A_134] : memref<2560x2x125xi32, #tpu.memory_space<hbm>> -> memref<1x2x125xi32, #tpu.memory_space<hbm>>
      %dma_start3A_136 = tpu.memref_squeeze %dma_start3A_135 : memref<1x2x125xi32, #tpu.memory_space<hbm>> -> memref<2x125xi32, #tpu.memory_space<hbm>>
      %dma_start3A_137 = arith.constant 0 : i32
      %dma_start3A_138 = arith.constant 0 : i32
      %dma_start3A_139 = tpu.memref_slice %arg3[%add3A_132, %dma_start3A_137, %dma_start3A_138] : memref<2560x2x125xi32, #tpu.memory_space<hbm>> -> memref<1x2x125xi32, #tpu.memory_space<hbm>>
      %dma_start3A_140 = tpu.memref_squeeze %dma_start3A_139 : memref<1x2x125xi32, #tpu.memory_space<hbm>> -> memref<2x125xi32, #tpu.memory_space<hbm>>
      tpu.enqueue_dma source(%dma_start3A_140 : memref<2x125xi32, #tpu.memory_space<hbm>>) target(%arg11 : memref<2x125xi32, #tpu.memory_space<vmem>>) target_semaphore(%arg15 : memref<!tpu.dma_semaphore, #tpu.memory_space<semaphore_mem>>)
      %dma_wait3A_141 = arith.constant 0 : i32
      %dma_wait3A_142 = arith.constant 0 : i32
      %dma_wait3A_143 = tpu.memref_slice %arg3[%mul3A_4, %dma_wait3A_141, %dma_wait3A_142] : memref<2560x2x125xi32, #tpu.memory_space<hbm>> -> memref<1x2x125xi32, #tpu.memory_space<hbm>>
      %dma_wait3A_144 = tpu.memref_squeeze %dma_wait3A_143 : memref<1x2x125xi32, #tpu.memory_space<hbm>> -> memref<2x125xi32, #tpu.memory_space<hbm>>
      %dma_wait3A_145 = arith.constant 0 : i32
      %dma_wait3A_146 = arith.constant 0 : i32
      %dma_wait3A_147 = tpu.memref_slice %arg3[%mul3A_4, %dma_wait3A_145, %dma_wait3A_146] : memref<2560x2x125xi32, #tpu.memory_space<hbm>> -> memref<1x2x125xi32, #tpu.memory_space<hbm>>
      %dma_wait3A_148 = tpu.memref_squeeze %dma_wait3A_147 : memref<1x2x125xi32, #tpu.memory_space<hbm>> -> memref<2x125xi32, #tpu.memory_space<hbm>>
      tpu.wait_dma2 semaphore(%arg15 : memref<!tpu.dma_semaphore, #tpu.memory_space<semaphore_mem>>) src(%dma_wait3A_148 : memref<2x125xi32, #tpu.memory_space<hbm>>) dst(%arg11 : memref<2x125xi32, #tpu.memory_space<vmem>>)
      %dma_start3A_149 = arith.constant 0 : i32
      %dma_start3A_150 = arith.constant 0 : i32
      %dma_start3A_151 = tpu.memref_slice %arg11[%dma_start3A_149, %dma_start3A_150] : memref<2x125xi32, #tpu.memory_space<vmem>> -> memref<1x125xi32, #tpu.memory_space<vmem>>
      %dma_start3A_152 = tpu.memref_squeeze %dma_start3A_151 : memref<1x125xi32, #tpu.memory_space<vmem>> -> memref<125xi32, #tpu.memory_space<vmem>>
      %dma_start3A_153 = arith.constant 0 : i32
      %dma_start3A_154 = arith.constant 0 : i32
      %dma_start3A_155 = tpu.memref_slice %arg2[%dma_start3A_153, %dma_start3A_154] : memref<10000x128xf32, #tpu.memory_space<hbm>> -> memref<10000x128xf32, #tpu.memory_space<hbm>>
      tpu.enqueue_indirect_dma source(%dma_start3A_155 : memref<10000x128xf32, #tpu.memory_space<hbm>>) target(%arg13 : memref<125x128xf32, #tpu.memory_space<vmem>>) offsets(%dma_start3A_152 : memref<125xi32, #tpu.memory_space<vmem>>) semaphore(%arg17 : memref<!tpu.dma_semaphore, #tpu.memory_space<semaphore_mem>>)
      %dma_wait3A_156 = arith.constant 0 : i32
      %dma_wait3A_157 = arith.constant 0 : i32
      %dma_wait3A_158 = tpu.memref_slice %arg12[%dma_wait3A_156, %dma_wait3A_157] : memref<2x125xi32, #tpu.memory_space<vmem>> -> memref<1x125xi32, #tpu.memory_space<vmem>>
      %dma_wait3A_159 = tpu.memref_squeeze %dma_wait3A_158 : memref<1x125xi32, #tpu.memory_space<vmem>> -> memref<125xi32, #tpu.memory_space<vmem>>
      %dma_wait3A_160 = arith.constant 0 : i32
      %dma_wait3A_161 = arith.constant 0 : i32
      %dma_wait3A_162 = tpu.memref_slice %arg2[%dma_wait3A_160, %dma_wait3A_161] : memref<10000x128xf32, #tpu.memory_space<hbm>> -> memref<10000x128xf32, #tpu.memory_space<hbm>>
      tpu.wait_indirect_dma semaphore(%arg18 : memref<!tpu.dma_semaphore, #tpu.memory_space<semaphore_mem>>) src(%dma_wait3A_162 : memref<10000x128xf32, #tpu.memory_space<hbm>>) dst(%arg14 : memref<125x128xf32, #tpu.memory_space<vmem>>)
      %run_scoped3A_163 = arith.constant 1 : i32
      "tpu.region"() ({
        %run_scoped3A_170 = tpu.sem_alloc : memref<!tpu.dma_semaphore, #tpu.memory_space<semaphore_mem>>
        %dma_start3A_171 = arith.constant 0 : i32
        %dma_start3A_172 = tpu.memref_slice %arg12[%run_scoped3A_163, %dma_start3A_171] : memref<2x125xi32, #tpu.memory_space<vmem>> -> memref<1x125xi32, #tpu.memory_space<vmem>>
        %dma_start3A_173 = tpu.memref_squeeze %dma_start3A_172 : memref<1x125xi32, #tpu.memory_space<vmem>> -> memref<125xi32, #tpu.memory_space<vmem>>
        %dma_start3A_174 = arith.constant 0 : i32
        %dma_start3A_175 = arith.constant 0 : i32
        %dma_start3A_176 = tpu.memref_slice %arg19[%dma_start3A_174, %dma_start3A_175] : memref<10000x128xf32, #tpu.memory_space<vmem_shared>> -> memref<10000x128xf32, #tpu.memory_space<vmem_shared>>
        tpu.enqueue_indirect_dma source(%arg14 : memref<125x128xf32, #tpu.memory_space<vmem>>) target(%dma_start3A_176 : memref<10000x128xf32, #tpu.memory_space<vmem_shared>>) offsets(%dma_start3A_173 : memref<125xi32, #tpu.memory_space<vmem>>) semaphore(%run_scoped3A_170 : memref<!tpu.dma_semaphore, #tpu.memory_space<semaphore_mem>>) {add = true}
        %dma_wait3A_177 = arith.constant 0 : i32
        %dma_wait3A_178 = tpu.memref_slice %arg12[%run_scoped3A_163, %dma_wait3A_177] : memref<2x125xi32, #tpu.memory_space<vmem>> -> memref<1x125xi32, #tpu.memory_space<vmem>>
        %dma_wait3A_179 = tpu.memref_squeeze %dma_wait3A_178 : memref<1x125xi32, #tpu.memory_space<vmem>> -> memref<125xi32, #tpu.memory_space<vmem>>
        %dma_wait3A_180 = arith.constant 0 : i32
        %dma_wait3A_181 = arith.constant 0 : i32
        %dma_wait3A_182 = tpu.memref_slice %arg19[%dma_wait3A_180, %dma_wait3A_181] : memref<10000x128xf32, #tpu.memory_space<vmem_shared>> -> memref<10000x128xf32, #tpu.memory_space<vmem_shared>>
        tpu.wait_indirect_dma semaphore(%run_scoped3A_170 : memref<!tpu.dma_semaphore, #tpu.memory_space<semaphore_mem>>) src(%arg14 : memref<125x128xf32, #tpu.memory_space<vmem>>) dst(%dma_wait3A_182 : memref<10000x128xf32, #tpu.memory_space<vmem_shared>>)
        tpu.yield
      }) : () -> ()
      %add3A_164 = arith.constant 3 : i32
      %add3A_165 = arith.addi %mul3A_106, %add3A_164 : i32
      %lt3A = arith.constant 80 : i32
      %lt3A_166 = arith.cmpi slt, %add3A_165, %lt3A : i32
      %convert_element_type3A_167 = arith.extui %lt3A_166 : i1 to i32
      %cond3A_168 = arith.constant 0 : i32
      %cond3A_169 = arith.cmpi ne, %convert_element_type3A_167, %cond3A_168 : i32
      scf.if %cond3A_169 {
        %add3A_170 = arith.constant 3 : i32
        %add3A_171 = arith.addi %mul3A_106, %add3A_170 : i32
        %add3A_172 = arith.addi %mul3A_4, %add3A_171 : i32
        %dma_start3A_173 = arith.constant 0 : i32
        %dma_start3A_174 = arith.constant 0 : i32
        %dma_start3A_175 = tpu.memref_slice %arg3[%add3A_172, %dma_start3A_173, %dma_start3A_174] : memref<2560x2x125xi32, #tpu.memory_space<hbm>> -> memref<1x2x125xi32, #tpu.memory_space<hbm>>
        %dma_start3A_176 = tpu.memref_squeeze %dma_start3A_175 : memref<1x2x125xi32, #tpu.memory_space<hbm>> -> memref<2x125xi32, #tpu.memory_space<hbm>>
        %dma_start3A_177 = arith.constant 0 : i32
        %dma_start3A_178 = arith.constant 0 : i32
        %dma_start3A_179 = tpu.memref_slice %arg3[%add3A_172, %dma_start3A_177, %dma_start3A_178] : memref<2560x2x125xi32, #tpu.memory_space<hbm>> -> memref<1x2x125xi32, #tpu.memory_space<hbm>>
        %dma_start3A_180 = tpu.memref_squeeze %dma_start3A_179 : memref<1x2x125xi32, #tpu.memory_space<hbm>> -> memref<2x125xi32, #tpu.memory_space<hbm>>
        tpu.enqueue_dma source(%dma_start3A_180 : memref<2x125xi32, #tpu.memory_space<hbm>>) target(%arg12 : memref<2x125xi32, #tpu.memory_space<vmem>>) target_semaphore(%arg16 : memref<!tpu.dma_semaphore, #tpu.memory_space<semaphore_mem>>)
      } else {
      }
    }
    %scan3A_68 = arith.constant 39 : i32
    %dma_wait3A_69 = arith.constant 0 : i32
    %dma_wait3A_70 = arith.constant 0 : i32
    %dma_wait3A_71 = tpu.memref_slice %arg3[%mul3A_4, %dma_wait3A_69, %dma_wait3A_70] : memref<2560x2x125xi32, #tpu.memory_space<hbm>> -> memref<1x2x125xi32, #tpu.memory_space<hbm>>
    %dma_wait3A_72 = tpu.memref_squeeze %dma_wait3A_71 : memref<1x2x125xi32, #tpu.memory_space<hbm>> -> memref<2x125xi32, #tpu.memory_space<hbm>>
    %dma_wait3A_73 = arith.constant 0 : i32
    %dma_wait3A_74 = arith.constant 0 : i32
    %dma_wait3A_75 = tpu.memref_slice %arg3[%mul3A_4, %dma_wait3A_73, %dma_wait3A_74] : memref<2560x2x125xi32, #tpu.memory_space<hbm>> -> memref<1x2x125xi32, #tpu.memory_space<hbm>>
    %dma_wait3A_76 = tpu.memref_squeeze %dma_wait3A_75 : memref<1x2x125xi32, #tpu.memory_space<hbm>> -> memref<2x125xi32, #tpu.memory_space<hbm>>
    tpu.wait_dma2 semaphore(%arg16 : memref<!tpu.dma_semaphore, #tpu.memory_space<semaphore_mem>>) src(%dma_wait3A_76 : memref<2x125xi32, #tpu.memory_space<hbm>>) dst(%arg12 : memref<2x125xi32, #tpu.memory_space<vmem>>)
    %dma_start3A_77 = arith.constant 0 : i32
    %dma_start3A_78 = arith.constant 0 : i32
    %dma_start3A_79 = tpu.memref_slice %arg12[%dma_start3A_77, %dma_start3A_78] : memref<2x125xi32, #tpu.memory_space<vmem>> -> memref<1x125xi32, #tpu.memory_space<vmem>>
    %dma_start3A_80 = tpu.memref_squeeze %dma_start3A_79 : memref<1x125xi32, #tpu.memory_space<vmem>> -> memref<125xi32, #tpu.memory_space<vmem>>
    %dma_start3A_81 = arith.constant 0 : i32
    %dma_start3A_82 = arith.constant 0 : i32
    %dma_start3A_83 = tpu.memref_slice %arg2[%dma_start3A_81, %dma_start3A_82] : memref<10000x128xf32, #tpu.memory_space<hbm>> -> memref<10000x128xf32, #tpu.memory_space<hbm>>
    tpu.enqueue_indirect_dma source(%dma_start3A_83 : memref<10000x128xf32, #tpu.memory_space<hbm>>) target(%arg14 : memref<125x128xf32, #tpu.memory_space<vmem>>) offsets(%dma_start3A_80 : memref<125xi32, #tpu.memory_space<vmem>>) semaphore(%arg18 : memref<!tpu.dma_semaphore, #tpu.memory_space<semaphore_mem>>)
    %dma_wait3A_84 = arith.constant 0 : i32
    %dma_wait3A_85 = arith.constant 0 : i32
    %dma_wait3A_86 = tpu.memref_slice %arg11[%dma_wait3A_84, %dma_wait3A_85] : memref<2x125xi32, #tpu.memory_space<vmem>> -> memref<1x125xi32, #tpu.memory_space<vmem>>
    %dma_wait3A_87 = tpu.memref_squeeze %dma_wait3A_86 : memref<1x125xi32, #tpu.memory_space<vmem>> -> memref<125xi32, #tpu.memory_space<vmem>>
    %dma_wait3A_88 = arith.constant 0 : i32
    %dma_wait3A_89 = arith.constant 0 : i32
    %dma_wait3A_90 = tpu.memref_slice %arg2[%dma_wait3A_88, %dma_wait3A_89] : memref<10000x128xf32, #tpu.memory_space<hbm>> -> memref<10000x128xf32, #tpu.memory_space<hbm>>
    tpu.wait_indirect_dma semaphore(%arg17 : memref<!tpu.dma_semaphore, #tpu.memory_space<semaphore_mem>>) src(%dma_wait3A_90 : memref<10000x128xf32, #tpu.memory_space<hbm>>) dst(%arg13 : memref<125x128xf32, #tpu.memory_space<vmem>>)
    %run_scoped3A = arith.constant 1 : i32
    "tpu.region"() ({
      %run_scoped3A_100 = tpu.sem_alloc : memref<!tpu.dma_semaphore, #tpu.memory_space<semaphore_mem>>
      %dma_start3A_101 = arith.constant 0 : i32
      %dma_start3A_102 = tpu.memref_slice %arg11[%run_scoped3A, %dma_start3A_101] : memref<2x125xi32, #tpu.memory_space<vmem>> -> memref<1x125xi32, #tpu.memory_space<vmem>>
      %dma_start3A_103 = tpu.memref_squeeze %dma_start3A_102 : memref<1x125xi32, #tpu.memory_space<vmem>> -> memref<125xi32, #tpu.memory_space<vmem>>
      %dma_start3A_104 = arith.constant 0 : i32
      %dma_start3A_105 = arith.constant 0 : i32
      %dma_start3A_106 = tpu.memref_slice %arg19[%dma_start3A_104, %dma_start3A_105] : memref<10000x128xf32, #tpu.memory_space<vmem_shared>> -> memref<10000x128xf32, #tpu.memory_space<vmem_shared>>
      tpu.enqueue_indirect_dma source(%arg13 : memref<125x128xf32, #tpu.memory_space<vmem>>) target(%dma_start3A_106 : memref<10000x128xf32, #tpu.memory_space<vmem_shared>>) offsets(%dma_start3A_103 : memref<125xi32, #tpu.memory_space<vmem>>) semaphore(%run_scoped3A_100 : memref<!tpu.dma_semaphore, #tpu.memory_space<semaphore_mem>>) {add = true}
      %dma_wait3A_107 = arith.constant 0 : i32
      %dma_wait3A_108 = tpu.memref_slice %arg11[%run_scoped3A, %dma_wait3A_107] : memref<2x125xi32, #tpu.memory_space<vmem>> -> memref<1x125xi32, #tpu.memory_space<vmem>>
      %dma_wait3A_109 = tpu.memref_squeeze %dma_wait3A_108 : memref<1x125xi32, #tpu.memory_space<vmem>> -> memref<125xi32, #tpu.memory_space<vmem>>
      %dma_wait3A_110 = arith.constant 0 : i32
      %dma_wait3A_111 = arith.constant 0 : i32
      %dma_wait3A_112 = tpu.memref_slice %arg19[%dma_wait3A_110, %dma_wait3A_111] : memref<10000x128xf32, #tpu.memory_space<vmem_shared>> -> memref<10000x128xf32, #tpu.memory_space<vmem_shared>>
      tpu.wait_indirect_dma semaphore(%run_scoped3A_100 : memref<!tpu.dma_semaphore, #tpu.memory_space<semaphore_mem>>) src(%arg13 : memref<125x128xf32, #tpu.memory_space<vmem>>) dst(%dma_wait3A_112 : memref<10000x128xf32, #tpu.memory_space<vmem_shared>>)
      tpu.yield
    }) : () -> ()
    %dma_wait3A_91 = arith.constant 0 : i32
    %dma_wait3A_92 = arith.constant 0 : i32
    %dma_wait3A_93 = tpu.memref_slice %arg12[%dma_wait3A_91, %dma_wait3A_92] : memref<2x125xi32, #tpu.memory_space<vmem>> -> memref<1x125xi32, #tpu.memory_space<vmem>>
    %dma_wait3A_94 = tpu.memref_squeeze %dma_wait3A_93 : memref<1x125xi32, #tpu.memory_space<vmem>> -> memref<125xi32, #tpu.memory_space<vmem>>
    %dma_wait3A_95 = arith.constant 0 : i32
    %dma_wait3A_96 = arith.constant 0 : i32
    %dma_wait3A_97 = tpu.memref_slice %arg2[%dma_wait3A_95, %dma_wait3A_96] : memref<10000x128xf32, #tpu.memory_space<hbm>> -> memref<10000x128xf32, #tpu.memory_space<hbm>>
    tpu.wait_indirect_dma semaphore(%arg18 : memref<!tpu.dma_semaphore, #tpu.memory_space<semaphore_mem>>) src(%dma_wait3A_97 : memref<10000x128xf32, #tpu.memory_space<hbm>>) dst(%arg14 : memref<125x128xf32, #tpu.memory_space<vmem>>)
    %run_scoped3A_98 = arith.constant 1 : i32
    "tpu.region"() ({
      %run_scoped3A_100 = tpu.sem_alloc : memref<!tpu.dma_semaphore, #tpu.memory_space<semaphore_mem>>
      %dma_start3A_101 = arith.constant 0 : i32
      %dma_start3A_102 = tpu.memref_slice %arg12[%run_scoped3A_98, %dma_start3A_101] : memref<2x125xi32, #tpu.memory_space<vmem>> -> memref<1x125xi32, #tpu.memory_space<vmem>>
      %dma_start3A_103 = tpu.memref_squeeze %dma_start3A_102 : memref<1x125xi32, #tpu.memory_space<vmem>> -> memref<125xi32, #tpu.memory_space<vmem>>
      %dma_start3A_104 = arith.constant 0 : i32
      %dma_start3A_105 = arith.constant 0 : i32
      %dma_start3A_106 = tpu.memref_slice %arg19[%dma_start3A_104, %dma_start3A_105] : memref<10000x128xf32, #tpu.memory_space<vmem_shared>> -> memref<10000x128xf32, #tpu.memory_space<vmem_shared>>
      tpu.enqueue_indirect_dma source(%arg14 : memref<125x128xf32, #tpu.memory_space<vmem>>) target(%dma_start3A_106 : memref<10000x128xf32, #tpu.memory_space<vmem_shared>>) offsets(%dma_start3A_103 : memref<125xi32, #tpu.memory_space<vmem>>) semaphore(%run_scoped3A_100 : memref<!tpu.dma_semaphore, #tpu.memory_space<semaphore_mem>>) {add = true}
      %dma_wait3A_107 = arith.constant 0 : i32
      %dma_wait3A_108 = tpu.memref_slice %arg12[%run_scoped3A_98, %dma_wait3A_107] : memref<2x125xi32, #tpu.memory_space<vmem>> -> memref<1x125xi32, #tpu.memory_space<vmem>>
      %dma_wait3A_109 = tpu.memref_squeeze %dma_wait3A_108 : memref<1x125xi32, #tpu.memory_space<vmem>> -> memref<125xi32, #tpu.memory_space<vmem>>
      %dma_wait3A_110 = arith.constant 0 : i32
      %dma_wait3A_111 = arith.constant 0 : i32
      %dma_wait3A_112 = tpu.memref_slice %arg19[%dma_wait3A_110, %dma_wait3A_111] : memref<10000x128xf32, #tpu.memory_space<vmem_shared>> -> memref<10000x128xf32, #tpu.memory_space<vmem_shared>>
      tpu.wait_indirect_dma semaphore(%run_scoped3A_100 : memref<!tpu.dma_semaphore, #tpu.memory_space<semaphore_mem>>) src(%arg14 : memref<125x128xf32, #tpu.memory_space<vmem>>) dst(%dma_wait3A_112 : memref<10000x128xf32, #tpu.memory_space<vmem_shared>>)
      tpu.yield
    }) : () -> ()
    %barrier3A_99 = arith.constant 0 : index
    tpu.barrier barrier_id(%barrier3A_99)
    "tpu.region"() ({
      %run_scoped3A_100 = tpu.sem_alloc : memref<!tpu.dma_semaphore, #tpu.memory_space<semaphore_mem>>
      %dma_start3A_101 = arith.constant 0 : i32
      %dma_start3A_102 = tpu.memref_slice %arg8[%arg0, %min3A_7, %dma_start3A_101] : memref<2x10000x128xf32, #tpu.memory_space<hbm>> -> memref<1x632x128xf32, #tpu.memory_space<hbm>>
      %dma_start3A_103 = tpu.memref_squeeze %dma_start3A_102 : memref<1x632x128xf32, #tpu.memory_space<hbm>> -> memref<632x128xf32, #tpu.memory_space<hbm>>
      %dma_start3A_104 = arith.constant 0 : i32
      %dma_start3A_105 = tpu.memref_slice %arg19[%min3A_7, %dma_start3A_104] : memref<10000x128xf32, #tpu.memory_space<vmem_shared>> -> memref<632x128xf32, #tpu.memory_space<vmem_shared>>
      tpu.enqueue_dma source(%dma_start3A_105 : memref<632x128xf32, #tpu.memory_space<vmem_shared>>) target(%dma_start3A_103 : memref<632x128xf32, #tpu.memory_space<hbm>>) target_semaphore(%run_scoped3A_100 : memref<!tpu.dma_semaphore, #tpu.memory_space<semaphore_mem>>)
      %dma_wait3A_106 = arith.constant 0 : i32
      %dma_wait3A_107 = tpu.memref_slice %arg8[%arg0, %min3A_7, %dma_wait3A_106] : memref<2x10000x128xf32, #tpu.memory_space<hbm>> -> memref<1x632x128xf32, #tpu.memory_space<hbm>>
      %dma_wait3A_108 = tpu.memref_squeeze %dma_wait3A_107 : memref<1x632x128xf32, #tpu.memory_space<hbm>> -> memref<632x128xf32, #tpu.memory_space<hbm>>
      %dma_wait3A_109 = arith.constant 0 : i32
      %dma_wait3A_110 = tpu.memref_slice %arg19[%min3A_7, %dma_wait3A_109] : memref<10000x128xf32, #tpu.memory_space<vmem_shared>> -> memref<632x128xf32, #tpu.memory_space<vmem_shared>>
      tpu.wait_dma2 semaphore(%run_scoped3A_100 : memref<!tpu.dma_semaphore, #tpu.memory_space<semaphore_mem>>) src(%dma_wait3A_110 : memref<632x128xf32, #tpu.memory_space<vmem_shared>>) dst(%dma_wait3A_108 : memref<632x128xf32, #tpu.memory_space<hbm>>)
      tpu.yield
    }) : () -> ()
    return
  }
}

#map = affine_map<(d0, d1) -> (0, 0)>
#map1 = affine_map<(d0, d1) -> (0, 0, 0)>
#map2 = affine_map<(d0, d1) -> (0)>
module attributes {stable_mosaic.version = 14 : i64} {
  func.func @_sc_body(%arg0: i32, %arg1: i32, %arg2: memref<10000x128xf32, #tpu.memory_space<hbm>>, %arg3: memref<2560x2x125xi32, #tpu.memory_space<hbm>>, %arg4: memref<320000xi32, #tpu.memory_space<hbm>>, %arg5: memref<632x128xf32, #tpu.memory_space<hbm>>, %arg6: memref<2x10000x128xf32, #tpu.memory_space<hbm>>, %arg7: memref<2x125xi32, #tpu.memory_space<vmem>>, %arg8: memref<2x125xi32, #tpu.memory_space<vmem>>, %arg9: memref<125x128xf32, #tpu.memory_space<vmem>>, %arg10: memref<125x128xf32, #tpu.memory_space<vmem>>, %arg11: memref<!tpu.dma_semaphore, #tpu.memory_space<semaphore_mem>>, %arg12: memref<!tpu.dma_semaphore, #tpu.memory_space<semaphore_mem>>, %arg13: memref<!tpu.dma_semaphore, #tpu.memory_space<semaphore_mem>>, %arg14: memref<!tpu.dma_semaphore, #tpu.memory_space<semaphore_mem>>, %arg15: memref<10000x128xf32, #tpu.memory_space<vmem_shared>>) attributes {dimension_semantics = [#tpu.dimension_semantics<core_parallel>, #tpu.dimension_semantics<subcore_parallel>], iteration_bounds = array<i64: 2, 16>, scalar_prefetch = 0 : i64, scratch_operands = 9 : i64, tpu.core_type = #tpu.core_type<sc_vector_subcore>, window_params = [{transform_indices = #map}, {transform_indices = #map1}, {transform_indices = #map2}, {transform_indices = #map}, {transform_indices = #map1}]} {
    %mul3A = arith.constant 16 : i32
    %mul3A_0 = arith.muli %arg0, %mul3A : i32
    %add3A = arith.addi %mul3A_0, %arg1 : i32
    %mul3A_1 = arith.constant 10000 : i32
    %mul3A_2 = arith.muli %add3A, %mul3A_1 : i32
    %mul3A_3 = arith.constant 80 : i32
    %mul3A_4 = arith.muli %add3A, %mul3A_3 : i32
    %mul3A_5 = arith.constant 632 : i32
    %mul3A_6 = arith.muli %arg1, %mul3A_5 : i32
    %min3A = arith.constant 9368 : i32
    %min3A_7 = arith.minsi %mul3A_6, %min3A : i32
    "tpu.region"() ({
      %run_scoped3A_76 = tpu.sem_alloc : memref<!tpu.dma_semaphore, #tpu.memory_space<semaphore_mem>>
      %dma_start3A_77 = arith.constant 0 : i32
      %dma_start3A_78 = tpu.memref_slice %arg15[%min3A_7, %dma_start3A_77] : memref<10000x128xf32, #tpu.memory_space<vmem_shared>> -> memref<632x128xf32, #tpu.memory_space<vmem_shared>>
      tpu.enqueue_dma source(%arg5 : memref<632x128xf32, #tpu.memory_space<hbm>>) target(%dma_start3A_78 : memref<632x128xf32, #tpu.memory_space<vmem_shared>>) target_semaphore(%run_scoped3A_76 : memref<!tpu.dma_semaphore, #tpu.memory_space<semaphore_mem>>)
      %dma_wait3A_79 = arith.constant 0 : i32
      %dma_wait3A_80 = tpu.memref_slice %arg15[%min3A_7, %dma_wait3A_79] : memref<10000x128xf32, #tpu.memory_space<vmem_shared>> -> memref<632x128xf32, #tpu.memory_space<vmem_shared>>
      tpu.wait_dma2 semaphore(%run_scoped3A_76 : memref<!tpu.dma_semaphore, #tpu.memory_space<semaphore_mem>>) src(%arg5 : memref<632x128xf32, #tpu.memory_space<hbm>>) dst(%dma_wait3A_80 : memref<632x128xf32, #tpu.memory_space<vmem_shared>>)
      tpu.yield
    }) : () -> ()
    %barrier3A = arith.constant 0 : index
    tpu.barrier barrier_id(%barrier3A)
    %add3A_8 = arith.constant 0 : i32
    %add3A_9 = arith.addi %mul3A_4, %add3A_8 : i32
    %dma_start3A = arith.constant 0 : i32
    %dma_start3A_10 = arith.constant 0 : i32
    %dma_start3A_11 = tpu.memref_slice %arg3[%add3A_9, %dma_start3A, %dma_start3A_10] : memref<2560x2x125xi32, #tpu.memory_space<hbm>> -> memref<1x2x125xi32, #tpu.memory_space<hbm>>
    %dma_start3A_12 = tpu.memref_squeeze %dma_start3A_11 : memref<1x2x125xi32, #tpu.memory_space<hbm>> -> memref<2x125xi32, #tpu.memory_space<hbm>>
    %dma_start3A_13 = arith.constant 0 : i32
    %dma_start3A_14 = arith.constant 0 : i32
    %dma_start3A_15 = tpu.memref_slice %arg3[%add3A_9, %dma_start3A_13, %dma_start3A_14] : memref<2560x2x125xi32, #tpu.memory_space<hbm>> -> memref<1x2x125xi32, #tpu.memory_space<hbm>>
    %dma_start3A_16 = tpu.memref_squeeze %dma_start3A_15 : memref<1x2x125xi32, #tpu.memory_space<hbm>> -> memref<2x125xi32, #tpu.memory_space<hbm>>
    tpu.enqueue_dma source(%dma_start3A_16 : memref<2x125xi32, #tpu.memory_space<hbm>>) target(%arg7 : memref<2x125xi32, #tpu.memory_space<vmem>>) target_semaphore(%arg11 : memref<!tpu.dma_semaphore, #tpu.memory_space<semaphore_mem>>)
    %add3A_17 = arith.constant 1 : i32
    %add3A_18 = arith.addi %mul3A_4, %add3A_17 : i32
    %dma_start3A_19 = arith.constant 0 : i32
    %dma_start3A_20 = arith.constant 0 : i32
    %dma_start3A_21 = tpu.memref_slice %arg3[%add3A_18, %dma_start3A_19, %dma_start3A_20] : memref<2560x2x125xi32, #tpu.memory_space<hbm>> -> memref<1x2x125xi32, #tpu.memory_space<hbm>>
    %dma_start3A_22 = tpu.memref_squeeze %dma_start3A_21 : memref<1x2x125xi32, #tpu.memory_space<hbm>> -> memref<2x125xi32, #tpu.memory_space<hbm>>
    %dma_start3A_23 = arith.constant 0 : i32
    %dma_start3A_24 = arith.constant 0 : i32
    %dma_start3A_25 = tpu.memref_slice %arg3[%add3A_18, %dma_start3A_23, %dma_start3A_24] : memref<2560x2x125xi32, #tpu.memory_space<hbm>> -> memref<1x2x125xi32, #tpu.memory_space<hbm>>
    %dma_start3A_26 = tpu.memref_squeeze %dma_start3A_25 : memref<1x2x125xi32, #tpu.memory_space<hbm>> -> memref<2x125xi32, #tpu.memory_space<hbm>>
    tpu.enqueue_dma source(%dma_start3A_26 : memref<2x125xi32, #tpu.memory_space<hbm>>) target(%arg8 : memref<2x125xi32, #tpu.memory_space<vmem>>) target_semaphore(%arg12 : memref<!tpu.dma_semaphore, #tpu.memory_space<semaphore_mem>>)
    %dma_wait3A = arith.constant 0 : i32
    %dma_wait3A_27 = arith.constant 0 : i32
    %dma_wait3A_28 = tpu.memref_slice %arg3[%mul3A_4, %dma_wait3A, %dma_wait3A_27] : memref<2560x2x125xi32, #tpu.memory_space<hbm>> -> memref<1x2x125xi32, #tpu.memory_space<hbm>>
    %dma_wait3A_29 = tpu.memref_squeeze %dma_wait3A_28 : memref<1x2x125xi32, #tpu.memory_space<hbm>> -> memref<2x125xi32, #tpu.memory_space<hbm>>
    %dma_wait3A_30 = arith.constant 0 : i32
    %dma_wait3A_31 = arith.constant 0 : i32
    %dma_wait3A_32 = tpu.memref_slice %arg3[%mul3A_4, %dma_wait3A_30, %dma_wait3A_31] : memref<2560x2x125xi32, #tpu.memory_space<hbm>> -> memref<1x2x125xi32, #tpu.memory_space<hbm>>
    %dma_wait3A_33 = tpu.memref_squeeze %dma_wait3A_32 : memref<1x2x125xi32, #tpu.memory_space<hbm>> -> memref<2x125xi32, #tpu.memory_space<hbm>>
    tpu.wait_dma2 semaphore(%arg11 : memref<!tpu.dma_semaphore, #tpu.memory_space<semaphore_mem>>) src(%dma_wait3A_33 : memref<2x125xi32, #tpu.memory_space<hbm>>) dst(%arg7 : memref<2x125xi32, #tpu.memory_space<vmem>>)
    %dma_start3A_34 = arith.constant 0 : i32
    %dma_start3A_35 = arith.constant 0 : i32
    %dma_start3A_36 = tpu.memref_slice %arg7[%dma_start3A_34, %dma_start3A_35] : memref<2x125xi32, #tpu.memory_space<vmem>> -> memref<1x125xi32, #tpu.memory_space<vmem>>
    %dma_start3A_37 = tpu.memref_squeeze %dma_start3A_36 : memref<1x125xi32, #tpu.memory_space<vmem>> -> memref<125xi32, #tpu.memory_space<vmem>>
    %dma_start3A_38 = arith.constant 0 : i32
    %dma_start3A_39 = arith.constant 0 : i32
    %dma_start3A_40 = tpu.memref_slice %arg2[%dma_start3A_38, %dma_start3A_39] : memref<10000x128xf32, #tpu.memory_space<hbm>> -> memref<10000x128xf32, #tpu.memory_space<hbm>>
    tpu.enqueue_indirect_dma source(%dma_start3A_40 : memref<10000x128xf32, #tpu.memory_space<hbm>>) target(%arg9 : memref<125x128xf32, #tpu.memory_space<vmem>>) offsets(%dma_start3A_37 : memref<125xi32, #tpu.memory_space<vmem>>) semaphore(%arg13 : memref<!tpu.dma_semaphore, #tpu.memory_space<semaphore_mem>>)
    %scan3A = arith.constant 0 : i32
    %scan3A_41 = arith.constant 39 : i32
    %scan3A_42 = arith.addi %scan3A, %scan3A_41 : i32
    %scan3A_43 = arith.constant 1 : i32
    scf.for %scan3A_76 = %scan3A to %scan3A_42 step %scan3A_43  : i32 {
      %mul3A_77 = arith.constant 1 : i32
      %mul3A_78 = arith.muli %scan3A_76, %mul3A_77 : i32
      %add3A_79 = arith.constant 0 : i32
      %add3A_80 = arith.addi %add3A_79, %mul3A_78 : i32
      %mul3A_81 = arith.constant 2 : i32
      %mul3A_82 = arith.muli %mul3A_81, %add3A_80 : i32
      %dma_wait3A_83 = arith.constant 0 : i32
      %dma_wait3A_84 = arith.constant 0 : i32
      %dma_wait3A_85 = tpu.memref_slice %arg3[%mul3A_4, %dma_wait3A_83, %dma_wait3A_84] : memref<2560x2x125xi32, #tpu.memory_space<hbm>> -> memref<1x2x125xi32, #tpu.memory_space<hbm>>
      %dma_wait3A_86 = tpu.memref_squeeze %dma_wait3A_85 : memref<1x2x125xi32, #tpu.memory_space<hbm>> -> memref<2x125xi32, #tpu.memory_space<hbm>>
      %dma_wait3A_87 = arith.constant 0 : i32
      %dma_wait3A_88 = arith.constant 0 : i32
      %dma_wait3A_89 = tpu.memref_slice %arg3[%mul3A_4, %dma_wait3A_87, %dma_wait3A_88] : memref<2560x2x125xi32, #tpu.memory_space<hbm>> -> memref<1x2x125xi32, #tpu.memory_space<hbm>>
      %dma_wait3A_90 = tpu.memref_squeeze %dma_wait3A_89 : memref<1x2x125xi32, #tpu.memory_space<hbm>> -> memref<2x125xi32, #tpu.memory_space<hbm>>
      tpu.wait_dma2 semaphore(%arg12 : memref<!tpu.dma_semaphore, #tpu.memory_space<semaphore_mem>>) src(%dma_wait3A_90 : memref<2x125xi32, #tpu.memory_space<hbm>>) dst(%arg8 : memref<2x125xi32, #tpu.memory_space<vmem>>)
      %dma_start3A_91 = arith.constant 0 : i32
      %dma_start3A_92 = arith.constant 0 : i32
      %dma_start3A_93 = tpu.memref_slice %arg8[%dma_start3A_91, %dma_start3A_92] : memref<2x125xi32, #tpu.memory_space<vmem>> -> memref<1x125xi32, #tpu.memory_space<vmem>>
      %dma_start3A_94 = tpu.memref_squeeze %dma_start3A_93 : memref<1x125xi32, #tpu.memory_space<vmem>> -> memref<125xi32, #tpu.memory_space<vmem>>
      %dma_start3A_95 = arith.constant 0 : i32
      %dma_start3A_96 = arith.constant 0 : i32
      %dma_start3A_97 = tpu.memref_slice %arg2[%dma_start3A_95, %dma_start3A_96] : memref<10000x128xf32, #tpu.memory_space<hbm>> -> memref<10000x128xf32, #tpu.memory_space<hbm>>
      tpu.enqueue_indirect_dma source(%dma_start3A_97 : memref<10000x128xf32, #tpu.memory_space<hbm>>) target(%arg10 : memref<125x128xf32, #tpu.memory_space<vmem>>) offsets(%dma_start3A_94 : memref<125xi32, #tpu.memory_space<vmem>>) semaphore(%arg14 : memref<!tpu.dma_semaphore, #tpu.memory_space<semaphore_mem>>)
      %dma_wait3A_98 = arith.constant 0 : i32
      %dma_wait3A_99 = arith.constant 0 : i32
      %dma_wait3A_100 = tpu.memref_slice %arg7[%dma_wait3A_98, %dma_wait3A_99] : memref<2x125xi32, #tpu.memory_space<vmem>> -> memref<1x125xi32, #tpu.memory_space<vmem>>
      %dma_wait3A_101 = tpu.memref_squeeze %dma_wait3A_100 : memref<1x125xi32, #tpu.memory_space<vmem>> -> memref<125xi32, #tpu.memory_space<vmem>>
      %dma_wait3A_102 = arith.constant 0 : i32
      %dma_wait3A_103 = arith.constant 0 : i32
      %dma_wait3A_104 = tpu.memref_slice %arg2[%dma_wait3A_102, %dma_wait3A_103] : memref<10000x128xf32, #tpu.memory_space<hbm>> -> memref<10000x128xf32, #tpu.memory_space<hbm>>
      tpu.wait_indirect_dma semaphore(%arg13 : memref<!tpu.dma_semaphore, #tpu.memory_space<semaphore_mem>>) src(%dma_wait3A_104 : memref<10000x128xf32, #tpu.memory_space<hbm>>) dst(%arg9 : memref<125x128xf32, #tpu.memory_space<vmem>>)
      %run_scoped3A_105 = arith.constant 1 : i32
      "tpu.region"() ({
        %run_scoped3A_144 = tpu.sem_alloc : memref<!tpu.dma_semaphore, #tpu.memory_space<semaphore_mem>>
        %dma_start3A_145 = arith.constant 0 : i32
        %dma_start3A_146 = tpu.memref_slice %arg7[%run_scoped3A_105, %dma_start3A_145] : memref<2x125xi32, #tpu.memory_space<vmem>> -> memref<1x125xi32, #tpu.memory_space<vmem>>
        %dma_start3A_147 = tpu.memref_squeeze %dma_start3A_146 : memref<1x125xi32, #tpu.memory_space<vmem>> -> memref<125xi32, #tpu.memory_space<vmem>>
        %dma_start3A_148 = arith.constant 0 : i32
        %dma_start3A_149 = arith.constant 0 : i32
        %dma_start3A_150 = tpu.memref_slice %arg15[%dma_start3A_148, %dma_start3A_149] : memref<10000x128xf32, #tpu.memory_space<vmem_shared>> -> memref<10000x128xf32, #tpu.memory_space<vmem_shared>>
        tpu.enqueue_indirect_dma source(%arg9 : memref<125x128xf32, #tpu.memory_space<vmem>>) target(%dma_start3A_150 : memref<10000x128xf32, #tpu.memory_space<vmem_shared>>) offsets(%dma_start3A_147 : memref<125xi32, #tpu.memory_space<vmem>>) semaphore(%run_scoped3A_144 : memref<!tpu.dma_semaphore, #tpu.memory_space<semaphore_mem>>) {add = true}
        %dma_wait3A_151 = arith.constant 0 : i32
        %dma_wait3A_152 = tpu.memref_slice %arg7[%run_scoped3A_105, %dma_wait3A_151] : memref<2x125xi32, #tpu.memory_space<vmem>> -> memref<1x125xi32, #tpu.memory_space<vmem>>
        %dma_wait3A_153 = tpu.memref_squeeze %dma_wait3A_152 : memref<1x125xi32, #tpu.memory_space<vmem>> -> memref<125xi32, #tpu.memory_space<vmem>>
        %dma_wait3A_154 = arith.constant 0 : i32
        %dma_wait3A_155 = arith.constant 0 : i32
        %dma_wait3A_156 = tpu.memref_slice %arg15[%dma_wait3A_154, %dma_wait3A_155] : memref<10000x128xf32, #tpu.memory_space<vmem_shared>> -> memref<10000x128xf32, #tpu.memory_space<vmem_shared>>
        tpu.wait_indirect_dma semaphore(%run_scoped3A_144 : memref<!tpu.dma_semaphore, #tpu.memory_space<semaphore_mem>>) src(%arg9 : memref<125x128xf32, #tpu.memory_space<vmem>>) dst(%dma_wait3A_156 : memref<10000x128xf32, #tpu.memory_space<vmem_shared>>)
        tpu.yield
      }) : () -> ()
      %add3A_106 = arith.constant 2 : i32
      %add3A_107 = arith.addi %mul3A_82, %add3A_106 : i32
      %add3A_108 = arith.addi %mul3A_4, %add3A_107 : i32
      %dma_start3A_109 = arith.constant 0 : i32
      %dma_start3A_110 = arith.constant 0 : i32
      %dma_start3A_111 = tpu.memref_slice %arg3[%add3A_108, %dma_start3A_109, %dma_start3A_110] : memref<2560x2x125xi32, #tpu.memory_space<hbm>> -> memref<1x2x125xi32, #tpu.memory_space<hbm>>
      %dma_start3A_112 = tpu.memref_squeeze %dma_start3A_111 : memref<1x2x125xi32, #tpu.memory_space<hbm>> -> memref<2x125xi32, #tpu.memory_space<hbm>>
      %dma_start3A_113 = arith.constant 0 : i32
      %dma_start3A_114 = arith.constant 0 : i32
      %dma_start3A_115 = tpu.memref_slice %arg3[%add3A_108, %dma_start3A_113, %dma_start3A_114] : memref<2560x2x125xi32, #tpu.memory_space<hbm>> -> memref<1x2x125xi32, #tpu.memory_space<hbm>>
      %dma_start3A_116 = tpu.memref_squeeze %dma_start3A_115 : memref<1x2x125xi32, #tpu.memory_space<hbm>> -> memref<2x125xi32, #tpu.memory_space<hbm>>
      tpu.enqueue_dma source(%dma_start3A_116 : memref<2x125xi32, #tpu.memory_space<hbm>>) target(%arg7 : memref<2x125xi32, #tpu.memory_space<vmem>>) target_semaphore(%arg11 : memref<!tpu.dma_semaphore, #tpu.memory_space<semaphore_mem>>)
      %dma_wait3A_117 = arith.constant 0 : i32
      %dma_wait3A_118 = arith.constant 0 : i32
      %dma_wait3A_119 = tpu.memref_slice %arg3[%mul3A_4, %dma_wait3A_117, %dma_wait3A_118] : memref<2560x2x125xi32, #tpu.memory_space<hbm>> -> memref<1x2x125xi32, #tpu.memory_space<hbm>>
      %dma_wait3A_120 = tpu.memref_squeeze %dma_wait3A_119 : memref<1x2x125xi32, #tpu.memory_space<hbm>> -> memref<2x125xi32, #tpu.memory_space<hbm>>
      %dma_wait3A_121 = arith.constant 0 : i32
      %dma_wait3A_122 = arith.constant 0 : i32
      %dma_wait3A_123 = tpu.memref_slice %arg3[%mul3A_4, %dma_wait3A_121, %dma_wait3A_122] : memref<2560x2x125xi32, #tpu.memory_space<hbm>> -> memref<1x2x125xi32, #tpu.memory_space<hbm>>
      %dma_wait3A_124 = tpu.memref_squeeze %dma_wait3A_123 : memref<1x2x125xi32, #tpu.memory_space<hbm>> -> memref<2x125xi32, #tpu.memory_space<hbm>>
      tpu.wait_dma2 semaphore(%arg11 : memref<!tpu.dma_semaphore, #tpu.memory_space<semaphore_mem>>) src(%dma_wait3A_124 : memref<2x125xi32, #tpu.memory_space<hbm>>) dst(%arg7 : memref<2x125xi32, #tpu.memory_space<vmem>>)
      %dma_start3A_125 = arith.constant 0 : i32
      %dma_start3A_126 = arith.constant 0 : i32
      %dma_start3A_127 = tpu.memref_slice %arg7[%dma_start3A_125, %dma_start3A_126] : memref<2x125xi32, #tpu.memory_space<vmem>> -> memref<1x125xi32, #tpu.memory_space<vmem>>
      %dma_start3A_128 = tpu.memref_squeeze %dma_start3A_127 : memref<1x125xi32, #tpu.memory_space<vmem>> -> memref<125xi32, #tpu.memory_space<vmem>>
      %dma_start3A_129 = arith.constant 0 : i32
      %dma_start3A_130 = arith.constant 0 : i32
      %dma_start3A_131 = tpu.memref_slice %arg2[%dma_start3A_129, %dma_start3A_130] : memref<10000x128xf32, #tpu.memory_space<hbm>> -> memref<10000x128xf32, #tpu.memory_space<hbm>>
      tpu.enqueue_indirect_dma source(%dma_start3A_131 : memref<10000x128xf32, #tpu.memory_space<hbm>>) target(%arg9 : memref<125x128xf32, #tpu.memory_space<vmem>>) offsets(%dma_start3A_128 : memref<125xi32, #tpu.memory_space<vmem>>) semaphore(%arg13 : memref<!tpu.dma_semaphore, #tpu.memory_space<semaphore_mem>>)
      %dma_wait3A_132 = arith.constant 0 : i32
      %dma_wait3A_133 = arith.constant 0 : i32
      %dma_wait3A_134 = tpu.memref_slice %arg8[%dma_wait3A_132, %dma_wait3A_133] : memref<2x125xi32, #tpu.memory_space<vmem>> -> memref<1x125xi32, #tpu.memory_space<vmem>>
      %dma_wait3A_135 = tpu.memref_squeeze %dma_wait3A_134 : memref<1x125xi32, #tpu.memory_space<vmem>> -> memref<125xi32, #tpu.memory_space<vmem>>
      %dma_wait3A_136 = arith.constant 0 : i32
      %dma_wait3A_137 = arith.constant 0 : i32
      %dma_wait3A_138 = tpu.memref_slice %arg2[%dma_wait3A_136, %dma_wait3A_137] : memref<10000x128xf32, #tpu.memory_space<hbm>> -> memref<10000x128xf32, #tpu.memory_space<hbm>>
      tpu.wait_indirect_dma semaphore(%arg14 : memref<!tpu.dma_semaphore, #tpu.memory_space<semaphore_mem>>) src(%dma_wait3A_138 : memref<10000x128xf32, #tpu.memory_space<hbm>>) dst(%arg10 : memref<125x128xf32, #tpu.memory_space<vmem>>)
      %run_scoped3A_139 = arith.constant 1 : i32
      "tpu.region"() ({
        %run_scoped3A_144 = tpu.sem_alloc : memref<!tpu.dma_semaphore, #tpu.memory_space<semaphore_mem>>
        %dma_start3A_145 = arith.constant 0 : i32
        %dma_start3A_146 = tpu.memref_slice %arg8[%run_scoped3A_139, %dma_start3A_145] : memref<2x125xi32, #tpu.memory_space<vmem>> -> memref<1x125xi32, #tpu.memory_space<vmem>>
        %dma_start3A_147 = tpu.memref_squeeze %dma_start3A_146 : memref<1x125xi32, #tpu.memory_space<vmem>> -> memref<125xi32, #tpu.memory_space<vmem>>
        %dma_start3A_148 = arith.constant 0 : i32
        %dma_start3A_149 = arith.constant 0 : i32
        %dma_start3A_150 = tpu.memref_slice %arg15[%dma_start3A_148, %dma_start3A_149] : memref<10000x128xf32, #tpu.memory_space<vmem_shared>> -> memref<10000x128xf32, #tpu.memory_space<vmem_shared>>
        tpu.enqueue_indirect_dma source(%arg10 : memref<125x128xf32, #tpu.memory_space<vmem>>) target(%dma_start3A_150 : memref<10000x128xf32, #tpu.memory_space<vmem_shared>>) offsets(%dma_start3A_147 : memref<125xi32, #tpu.memory_space<vmem>>) semaphore(%run_scoped3A_144 : memref<!tpu.dma_semaphore, #tpu.memory_space<semaphore_mem>>) {add = true}
        %dma_wait3A_151 = arith.constant 0 : i32
        %dma_wait3A_152 = tpu.memref_slice %arg8[%run_scoped3A_139, %dma_wait3A_151] : memref<2x125xi32, #tpu.memory_space<vmem>> -> memref<1x125xi32, #tpu.memory_space<vmem>>
        %dma_wait3A_153 = tpu.memref_squeeze %dma_wait3A_152 : memref<1x125xi32, #tpu.memory_space<vmem>> -> memref<125xi32, #tpu.memory_space<vmem>>
        %dma_wait3A_154 = arith.constant 0 : i32
        %dma_wait3A_155 = arith.constant 0 : i32
        %dma_wait3A_156 = tpu.memref_slice %arg15[%dma_wait3A_154, %dma_wait3A_155] : memref<10000x128xf32, #tpu.memory_space<vmem_shared>> -> memref<10000x128xf32, #tpu.memory_space<vmem_shared>>
        tpu.wait_indirect_dma semaphore(%run_scoped3A_144 : memref<!tpu.dma_semaphore, #tpu.memory_space<semaphore_mem>>) src(%arg10 : memref<125x128xf32, #tpu.memory_space<vmem>>) dst(%dma_wait3A_156 : memref<10000x128xf32, #tpu.memory_space<vmem_shared>>)
        tpu.yield
      }) : () -> ()
      %add3A_140 = arith.constant 3 : i32
      %add3A_141 = arith.addi %mul3A_82, %add3A_140 : i32
      %lt3A = arith.constant 80 : i32
      %lt3A_142 = arith.cmpi slt, %add3A_141, %lt3A : i32
      %convert_element_type3A = arith.extui %lt3A_142 : i1 to i32
      %cond3A = arith.constant 0 : i32
      %cond3A_143 = arith.cmpi ne, %convert_element_type3A, %cond3A : i32
      scf.if %cond3A_143 {
        %add3A_144 = arith.constant 3 : i32
        %add3A_145 = arith.addi %mul3A_82, %add3A_144 : i32
        %add3A_146 = arith.addi %mul3A_4, %add3A_145 : i32
        %dma_start3A_147 = arith.constant 0 : i32
        %dma_start3A_148 = arith.constant 0 : i32
        %dma_start3A_149 = tpu.memref_slice %arg3[%add3A_146, %dma_start3A_147, %dma_start3A_148] : memref<2560x2x125xi32, #tpu.memory_space<hbm>> -> memref<1x2x125xi32, #tpu.memory_space<hbm>>
        %dma_start3A_150 = tpu.memref_squeeze %dma_start3A_149 : memref<1x2x125xi32, #tpu.memory_space<hbm>> -> memref<2x125xi32, #tpu.memory_space<hbm>>
        %dma_start3A_151 = arith.constant 0 : i32
        %dma_start3A_152 = arith.constant 0 : i32
        %dma_start3A_153 = tpu.memref_slice %arg3[%add3A_146, %dma_start3A_151, %dma_start3A_152] : memref<2560x2x125xi32, #tpu.memory_space<hbm>> -> memref<1x2x125xi32, #tpu.memory_space<hbm>>
        %dma_start3A_154 = tpu.memref_squeeze %dma_start3A_153 : memref<1x2x125xi32, #tpu.memory_space<hbm>> -> memref<2x125xi32, #tpu.memory_space<hbm>>
        tpu.enqueue_dma source(%dma_start3A_154 : memref<2x125xi32, #tpu.memory_space<hbm>>) target(%arg8 : memref<2x125xi32, #tpu.memory_space<vmem>>) target_semaphore(%arg12 : memref<!tpu.dma_semaphore, #tpu.memory_space<semaphore_mem>>)
      } else {
      }
    }
    %scan3A_44 = arith.constant 39 : i32
    %dma_wait3A_45 = arith.constant 0 : i32
    %dma_wait3A_46 = arith.constant 0 : i32
    %dma_wait3A_47 = tpu.memref_slice %arg3[%mul3A_4, %dma_wait3A_45, %dma_wait3A_46] : memref<2560x2x125xi32, #tpu.memory_space<hbm>> -> memref<1x2x125xi32, #tpu.memory_space<hbm>>
    %dma_wait3A_48 = tpu.memref_squeeze %dma_wait3A_47 : memref<1x2x125xi32, #tpu.memory_space<hbm>> -> memref<2x125xi32, #tpu.memory_space<hbm>>
    %dma_wait3A_49 = arith.constant 0 : i32
    %dma_wait3A_50 = arith.constant 0 : i32
    %dma_wait3A_51 = tpu.memref_slice %arg3[%mul3A_4, %dma_wait3A_49, %dma_wait3A_50] : memref<2560x2x125xi32, #tpu.memory_space<hbm>> -> memref<1x2x125xi32, #tpu.memory_space<hbm>>
    %dma_wait3A_52 = tpu.memref_squeeze %dma_wait3A_51 : memref<1x2x125xi32, #tpu.memory_space<hbm>> -> memref<2x125xi32, #tpu.memory_space<hbm>>
    tpu.wait_dma2 semaphore(%arg12 : memref<!tpu.dma_semaphore, #tpu.memory_space<semaphore_mem>>) src(%dma_wait3A_52 : memref<2x125xi32, #tpu.memory_space<hbm>>) dst(%arg8 : memref<2x125xi32, #tpu.memory_space<vmem>>)
    %dma_start3A_53 = arith.constant 0 : i32
    %dma_start3A_54 = arith.constant 0 : i32
    %dma_start3A_55 = tpu.memref_slice %arg8[%dma_start3A_53, %dma_start3A_54] : memref<2x125xi32, #tpu.memory_space<vmem>> -> memref<1x125xi32, #tpu.memory_space<vmem>>
    %dma_start3A_56 = tpu.memref_squeeze %dma_start3A_55 : memref<1x125xi32, #tpu.memory_space<vmem>> -> memref<125xi32, #tpu.memory_space<vmem>>
    %dma_start3A_57 = arith.constant 0 : i32
    %dma_start3A_58 = arith.constant 0 : i32
    %dma_start3A_59 = tpu.memref_slice %arg2[%dma_start3A_57, %dma_start3A_58] : memref<10000x128xf32, #tpu.memory_space<hbm>> -> memref<10000x128xf32, #tpu.memory_space<hbm>>
    tpu.enqueue_indirect_dma source(%dma_start3A_59 : memref<10000x128xf32, #tpu.memory_space<hbm>>) target(%arg10 : memref<125x128xf32, #tpu.memory_space<vmem>>) offsets(%dma_start3A_56 : memref<125xi32, #tpu.memory_space<vmem>>) semaphore(%arg14 : memref<!tpu.dma_semaphore, #tpu.memory_space<semaphore_mem>>)
    %dma_wait3A_60 = arith.constant 0 : i32
    %dma_wait3A_61 = arith.constant 0 : i32
    %dma_wait3A_62 = tpu.memref_slice %arg7[%dma_wait3A_60, %dma_wait3A_61] : memref<2x125xi32, #tpu.memory_space<vmem>> -> memref<1x125xi32, #tpu.memory_space<vmem>>
    %dma_wait3A_63 = tpu.memref_squeeze %dma_wait3A_62 : memref<1x125xi32, #tpu.memory_space<vmem>> -> memref<125xi32, #tpu.memory_space<vmem>>
    %dma_wait3A_64 = arith.constant 0 : i32
    %dma_wait3A_65 = arith.constant 0 : i32
    %dma_wait3A_66 = tpu.memref_slice %arg2[%dma_wait3A_64, %dma_wait3A_65] : memref<10000x128xf32, #tpu.memory_space<hbm>> -> memref<10000x128xf32, #tpu.memory_space<hbm>>
    tpu.wait_indirect_dma semaphore(%arg13 : memref<!tpu.dma_semaphore, #tpu.memory_space<semaphore_mem>>) src(%dma_wait3A_66 : memref<10000x128xf32, #tpu.memory_space<hbm>>) dst(%arg9 : memref<125x128xf32, #tpu.memory_space<vmem>>)
    %run_scoped3A = arith.constant 1 : i32
    "tpu.region"() ({
      %run_scoped3A_76 = tpu.sem_alloc : memref<!tpu.dma_semaphore, #tpu.memory_space<semaphore_mem>>
      %dma_start3A_77 = arith.constant 0 : i32
      %dma_start3A_78 = tpu.memref_slice %arg7[%run_scoped3A, %dma_start3A_77] : memref<2x125xi32, #tpu.memory_space<vmem>> -> memref<1x125xi32, #tpu.memory_space<vmem>>
      %dma_start3A_79 = tpu.memref_squeeze %dma_start3A_78 : memref<1x125xi32, #tpu.memory_space<vmem>> -> memref<125xi32, #tpu.memory_space<vmem>>
      %dma_start3A_80 = arith.constant 0 : i32
      %dma_start3A_81 = arith.constant 0 : i32
      %dma_start3A_82 = tpu.memref_slice %arg15[%dma_start3A_80, %dma_start3A_81] : memref<10000x128xf32, #tpu.memory_space<vmem_shared>> -> memref<10000x128xf32, #tpu.memory_space<vmem_shared>>
      tpu.enqueue_indirect_dma source(%arg9 : memref<125x128xf32, #tpu.memory_space<vmem>>) target(%dma_start3A_82 : memref<10000x128xf32, #tpu.memory_space<vmem_shared>>) offsets(%dma_start3A_79 : memref<125xi32, #tpu.memory_space<vmem>>) semaphore(%run_scoped3A_76 : memref<!tpu.dma_semaphore, #tpu.memory_space<semaphore_mem>>) {add = true}
      %dma_wait3A_83 = arith.constant 0 : i32
      %dma_wait3A_84 = tpu.memref_slice %arg7[%run_scoped3A, %dma_wait3A_83] : memref<2x125xi32, #tpu.memory_space<vmem>> -> memref<1x125xi32, #tpu.memory_space<vmem>>
      %dma_wait3A_85 = tpu.memref_squeeze %dma_wait3A_84 : memref<1x125xi32, #tpu.memory_space<vmem>> -> memref<125xi32, #tpu.memory_space<vmem>>
      %dma_wait3A_86 = arith.constant 0 : i32
      %dma_wait3A_87 = arith.constant 0 : i32
      %dma_wait3A_88 = tpu.memref_slice %arg15[%dma_wait3A_86, %dma_wait3A_87] : memref<10000x128xf32, #tpu.memory_space<vmem_shared>> -> memref<10000x128xf32, #tpu.memory_space<vmem_shared>>
      tpu.wait_indirect_dma semaphore(%run_scoped3A_76 : memref<!tpu.dma_semaphore, #tpu.memory_space<semaphore_mem>>) src(%arg9 : memref<125x128xf32, #tpu.memory_space<vmem>>) dst(%dma_wait3A_88 : memref<10000x128xf32, #tpu.memory_space<vmem_shared>>)
      tpu.yield
    }) : () -> ()
    %dma_wait3A_67 = arith.constant 0 : i32
    %dma_wait3A_68 = arith.constant 0 : i32
    %dma_wait3A_69 = tpu.memref_slice %arg8[%dma_wait3A_67, %dma_wait3A_68] : memref<2x125xi32, #tpu.memory_space<vmem>> -> memref<1x125xi32, #tpu.memory_space<vmem>>
    %dma_wait3A_70 = tpu.memref_squeeze %dma_wait3A_69 : memref<1x125xi32, #tpu.memory_space<vmem>> -> memref<125xi32, #tpu.memory_space<vmem>>
    %dma_wait3A_71 = arith.constant 0 : i32
    %dma_wait3A_72 = arith.constant 0 : i32
    %dma_wait3A_73 = tpu.memref_slice %arg2[%dma_wait3A_71, %dma_wait3A_72] : memref<10000x128xf32, #tpu.memory_space<hbm>> -> memref<10000x128xf32, #tpu.memory_space<hbm>>
    tpu.wait_indirect_dma semaphore(%arg14 : memref<!tpu.dma_semaphore, #tpu.memory_space<semaphore_mem>>) src(%dma_wait3A_73 : memref<10000x128xf32, #tpu.memory_space<hbm>>) dst(%arg10 : memref<125x128xf32, #tpu.memory_space<vmem>>)
    %run_scoped3A_74 = arith.constant 1 : i32
    "tpu.region"() ({
      %run_scoped3A_76 = tpu.sem_alloc : memref<!tpu.dma_semaphore, #tpu.memory_space<semaphore_mem>>
      %dma_start3A_77 = arith.constant 0 : i32
      %dma_start3A_78 = tpu.memref_slice %arg8[%run_scoped3A_74, %dma_start3A_77] : memref<2x125xi32, #tpu.memory_space<vmem>> -> memref<1x125xi32, #tpu.memory_space<vmem>>
      %dma_start3A_79 = tpu.memref_squeeze %dma_start3A_78 : memref<1x125xi32, #tpu.memory_space<vmem>> -> memref<125xi32, #tpu.memory_space<vmem>>
      %dma_start3A_80 = arith.constant 0 : i32
      %dma_start3A_81 = arith.constant 0 : i32
      %dma_start3A_82 = tpu.memref_slice %arg15[%dma_start3A_80, %dma_start3A_81] : memref<10000x128xf32, #tpu.memory_space<vmem_shared>> -> memref<10000x128xf32, #tpu.memory_space<vmem_shared>>
      tpu.enqueue_indirect_dma source(%arg10 : memref<125x128xf32, #tpu.memory_space<vmem>>) target(%dma_start3A_82 : memref<10000x128xf32, #tpu.memory_space<vmem_shared>>) offsets(%dma_start3A_79 : memref<125xi32, #tpu.memory_space<vmem>>) semaphore(%run_scoped3A_76 : memref<!tpu.dma_semaphore, #tpu.memory_space<semaphore_mem>>) {add = true}
      %dma_wait3A_83 = arith.constant 0 : i32
      %dma_wait3A_84 = tpu.memref_slice %arg8[%run_scoped3A_74, %dma_wait3A_83] : memref<2x125xi32, #tpu.memory_space<vmem>> -> memref<1x125xi32, #tpu.memory_space<vmem>>
      %dma_wait3A_85 = tpu.memref_squeeze %dma_wait3A_84 : memref<1x125xi32, #tpu.memory_space<vmem>> -> memref<125xi32, #tpu.memory_space<vmem>>
      %dma_wait3A_86 = arith.constant 0 : i32
      %dma_wait3A_87 = arith.constant 0 : i32
      %dma_wait3A_88 = tpu.memref_slice %arg15[%dma_wait3A_86, %dma_wait3A_87] : memref<10000x128xf32, #tpu.memory_space<vmem_shared>> -> memref<10000x128xf32, #tpu.memory_space<vmem_shared>>
      tpu.wait_indirect_dma semaphore(%run_scoped3A_76 : memref<!tpu.dma_semaphore, #tpu.memory_space<semaphore_mem>>) src(%arg10 : memref<125x128xf32, #tpu.memory_space<vmem>>) dst(%dma_wait3A_88 : memref<10000x128xf32, #tpu.memory_space<vmem_shared>>)
      tpu.yield
    }) : () -> ()
    %barrier3A_75 = arith.constant 0 : index
    tpu.barrier barrier_id(%barrier3A_75)
    "tpu.region"() ({
      %run_scoped3A_76 = tpu.sem_alloc : memref<!tpu.dma_semaphore, #tpu.memory_space<semaphore_mem>>
      %dma_start3A_77 = arith.constant 0 : i32
      %dma_start3A_78 = tpu.memref_slice %arg6[%arg0, %min3A_7, %dma_start3A_77] : memref<2x10000x128xf32, #tpu.memory_space<hbm>> -> memref<1x632x128xf32, #tpu.memory_space<hbm>>
      %dma_start3A_79 = tpu.memref_squeeze %dma_start3A_78 : memref<1x632x128xf32, #tpu.memory_space<hbm>> -> memref<632x128xf32, #tpu.memory_space<hbm>>
      %dma_start3A_80 = arith.constant 0 : i32
      %dma_start3A_81 = tpu.memref_slice %arg15[%min3A_7, %dma_start3A_80] : memref<10000x128xf32, #tpu.memory_space<vmem_shared>> -> memref<632x128xf32, #tpu.memory_space<vmem_shared>>
      tpu.enqueue_dma source(%dma_start3A_81 : memref<632x128xf32, #tpu.memory_space<vmem_shared>>) target(%dma_start3A_79 : memref<632x128xf32, #tpu.memory_space<hbm>>) target_semaphore(%run_scoped3A_76 : memref<!tpu.dma_semaphore, #tpu.memory_space<semaphore_mem>>)
      %dma_wait3A_82 = arith.constant 0 : i32
      %dma_wait3A_83 = tpu.memref_slice %arg6[%arg0, %min3A_7, %dma_wait3A_82] : memref<2x10000x128xf32, #tpu.memory_space<hbm>> -> memref<1x632x128xf32, #tpu.memory_space<hbm>>
      %dma_wait3A_84 = tpu.memref_squeeze %dma_wait3A_83 : memref<1x632x128xf32, #tpu.memory_space<hbm>> -> memref<632x128xf32, #tpu.memory_space<hbm>>
      %dma_wait3A_85 = arith.constant 0 : i32
      %dma_wait3A_86 = tpu.memref_slice %arg15[%min3A_7, %dma_wait3A_85] : memref<10000x128xf32, #tpu.memory_space<vmem_shared>> -> memref<632x128xf32, #tpu.memory_space<vmem_shared>>
      tpu.wait_dma2 semaphore(%run_scoped3A_76 : memref<!tpu.dma_semaphore, #tpu.memory_space<semaphore_mem>>) src(%dma_wait3A_86 : memref<632x128xf32, #tpu.memory_space<vmem_shared>>) dst(%dma_wait3A_84 : memref<632x128xf32, #tpu.memory_space<hbm>>)
      tpu.yield
    }) : () -> ()
    return
  }
}

module attributes {stable_mosaic.version = 14 : i64} {
  func.func @_tc_body(%arg0: i32, %arg1: memref<2x2000x128xf32, #tpu.memory_space<vmem>>, %arg2: memref<2000x1xf32, #tpu.memory_space<vmem>>, %arg3: memref<2000x1xf32, #tpu.memory_space<vmem>>, %arg4: memref<2000x128xf32, #tpu.memory_space<vmem>>, %arg5: memref<128x128xf32, #tpu.memory_space<vmem>>, %arg6: memref<128x128xf32, #tpu.memory_space<vmem>>, %arg7: memref<1x128xf32, #tpu.memory_space<vmem>>, %arg8: memref<1x128xf32, #tpu.memory_space<vmem>>, %arg9: memref<1x128xf32, #tpu.memory_space<vmem>>, %arg10: memref<2000x128xf32, #tpu.memory_space<vmem>>) attributes {dimension_semantics = [#tpu.dimension_semantics<arbitrary>], iteration_bounds = array<i64: 5>, scalar_prefetch = 0 : i64, scratch_operands = 0 : i64, tpu.core_type = #tpu.core_type<tc>, window_params = [{transform_indices = @transform_0, window_bounds = array<i64: 2, 2000, 128>}, {transform_indices = @transform_1, window_bounds = array<i64: 2000, 1>}, {transform_indices = @transform_2, window_bounds = array<i64: 2000, 1>}, {transform_indices = @transform_3, window_bounds = array<i64: 2000, 128>}, {pipeline_mode = #tpu.pipeline_mode<synchronous>, transform_indices = @transform_4, window_bounds = array<i64: 128, 128>}, {pipeline_mode = #tpu.pipeline_mode<synchronous>, transform_indices = @transform_5, window_bounds = array<i64: 128, 128>}, {pipeline_mode = #tpu.pipeline_mode<synchronous>, transform_indices = @transform_6, window_bounds = array<i64: 1, 128>}, {pipeline_mode = #tpu.pipeline_mode<synchronous>, transform_indices = @transform_7, window_bounds = array<i64: 1, 128>}, {pipeline_mode = #tpu.pipeline_mode<synchronous>, transform_indices = @transform_8, window_bounds = array<i64: 1, 128>}, {transform_indices = @transform_9, window_bounds = array<i64: 2000, 128>}]} {
    %get3A = arith.constant 0 : index
    %get3A_0 = arith.constant 0 : index
    %get3A_1 = arith.constant 0 : index
    %get3A_2 = vector.load %arg1[%get3A, %get3A_0, %get3A_1] : memref<2x2000x128xf32, #tpu.memory_space<vmem>>, vector<1x2000x128xf32>
    %get3A_3 = vector.shape_cast %get3A_2 : vector<1x2000x128xf32> to vector<2000x128xf32>
    %get3A_4 = arith.constant 1 : index
    %get3A_5 = arith.constant 0 : index
    %get3A_6 = arith.constant 0 : index
    %get3A_7 = vector.load %arg1[%get3A_4, %get3A_5, %get3A_6] : memref<2x2000x128xf32, #tpu.memory_space<vmem>>, vector<1x2000x128xf32>
    %get3A_8 = vector.shape_cast %get3A_7 : vector<1x2000x128xf32> to vector<2000x128xf32>
    %add3A = arith.addf %get3A_3, %get3A_8 : vector<2000x128xf32>
    %get3A_9 = arith.constant 0 : index
    %get3A_10 = arith.constant 0 : index
    %get3A_11 = vector.load %arg2[%get3A_9, %get3A_10] : memref<2000x1xf32, #tpu.memory_space<vmem>>, vector<2000x1xf32>
    %get3A_12 = arith.constant 0 : index
    %get3A_13 = arith.constant 0 : index
    %get3A_14 = vector.load %arg3[%get3A_12, %get3A_13] : memref<2000x1xf32, #tpu.memory_space<vmem>>, vector<2000x1xf32>
    %add3A_15 = arith.addf %get3A_11, %get3A_14 : vector<2000x1xf32>
    %max3A = arith.constant 1.000000e+00 : f32
    %max3A_16 = vector.broadcast %max3A : f32 to vector<2000x1xf32>
    %max3A_17 = arith.maximumf %add3A_15, %max3A_16 : vector<2000x1xf32>
    %div3A = vector.broadcast %max3A_17 : vector<2000x1xf32> to vector<2000x128xf32>
    %div3A_18 = arith.divf %add3A, %div3A : vector<2000x128xf32>
    %get3A_19 = arith.constant 0 : index
    %get3A_20 = arith.constant 0 : index
    %get3A_21 = vector.load %arg5[%get3A_19, %get3A_20] : memref<128x128xf32, #tpu.memory_space<vmem>>, vector<128x128xf32>
    %dot_general3A = arith.constant dense<0.000000e+00> : vector<2000x128xf32>
    %dot_general3A_22 = tpu.matmul %div3A_18, %get3A_21, %dot_general3A {dimension_numbers = #tpu.dot_dimension_numbers<[1], [0], [0], [1], [0, 0, 1, 1], [], []>, transpose_lhs_hint = false} : vector<2000x128xf32>, vector<128x128xf32>, vector<2000x128xf32> -> vector<2000x128xf32>
    %get3A_23 = arith.constant 0 : index
    %get3A_24 = arith.constant 0 : index
    %get3A_25 = vector.load %arg4[%get3A_23, %get3A_24] : memref<2000x128xf32, #tpu.memory_space<vmem>>, vector<2000x128xf32>
    %get3A_26 = arith.constant 0 : index
    %get3A_27 = arith.constant 0 : index
    %get3A_28 = vector.load %arg6[%get3A_26, %get3A_27] : memref<128x128xf32, #tpu.memory_space<vmem>>, vector<128x128xf32>
    %dot_general3A_29 = arith.constant dense<0.000000e+00> : vector<2000x128xf32>
    %dot_general3A_30 = tpu.matmul %get3A_25, %get3A_28, %dot_general3A_29 {dimension_numbers = #tpu.dot_dimension_numbers<[1], [0], [0], [1], [0, 0, 1, 1], [], []>, transpose_lhs_hint = false} : vector<2000x128xf32>, vector<128x128xf32>, vector<2000x128xf32> -> vector<2000x128xf32>
    %add3A_31 = arith.addf %dot_general3A_22, %dot_general3A_30 : vector<2000x128xf32>
    %get3A_32 = arith.constant 0 : index
    %get3A_33 = arith.constant 0 : index
    %get3A_34 = vector.load %arg7[%get3A_32, %get3A_33] : memref<1x128xf32, #tpu.memory_space<vmem>>, vector<1x128xf32>
    %add3A_35 = vector.broadcast %get3A_34 : vector<1x128xf32> to vector<2000x128xf32>
    %add3A_36 = arith.addf %add3A_31, %add3A_35 : vector<2000x128xf32>
    %reduce_sum3A = arith.constant dense<0.000000e+00> : vector<2000xf32>
    %reduce_sum3A_37 = vector.multi_reduction <add>, %add3A_36, %reduce_sum3A [1] : vector<2000x128xf32> to vector<2000xf32>
    %broadcast_in_dim3A = vector.shape_cast %reduce_sum3A_37 : vector<2000xf32> to vector<2000x1xf32>
    %div3A_38 = arith.constant 1.280000e+02 : f32
    %div3A_39 = vector.broadcast %div3A_38 : f32 to vector<2000x1xf32>
    %div3A_40 = arith.divf %broadcast_in_dim3A, %div3A_39 : vector<2000x1xf32>
    %sub3A = vector.broadcast %div3A_40 : vector<2000x1xf32> to vector<2000x128xf32>
    %sub3A_41 = arith.subf %add3A_36, %sub3A : vector<2000x128xf32>
    %square3A = arith.mulf %sub3A_41, %sub3A_41 : vector<2000x128xf32>
    %reduce_sum3A_42 = arith.constant dense<0.000000e+00> : vector<2000xf32>
    %reduce_sum3A_43 = vector.multi_reduction <add>, %square3A, %reduce_sum3A_42 [1] : vector<2000x128xf32> to vector<2000xf32>
    %broadcast_in_dim3A_44 = vector.shape_cast %reduce_sum3A_43 : vector<2000xf32> to vector<2000x1xf32>
    %div3A_45 = arith.constant 1.280000e+02 : f32
    %div3A_46 = vector.broadcast %div3A_45 : f32 to vector<2000x1xf32>
    %div3A_47 = arith.divf %broadcast_in_dim3A_44, %div3A_46 : vector<2000x1xf32>
    %sub3A_48 = vector.broadcast %div3A_40 : vector<2000x1xf32> to vector<2000x128xf32>
    %sub3A_49 = arith.subf %add3A_36, %sub3A_48 : vector<2000x128xf32>
    %add3A_50 = arith.constant 9.99999974E-6 : f32
    %add3A_51 = vector.broadcast %add3A_50 : f32 to vector<2000x1xf32>
    %add3A_52 = arith.addf %div3A_47, %add3A_51 : vector<2000x1xf32>
    %sqrt3A = math.sqrt %add3A_52 : vector<2000x1xf32>
    %div3A_53 = vector.broadcast %sqrt3A : vector<2000x1xf32> to vector<2000x128xf32>
    %div3A_54 = arith.divf %sub3A_49, %div3A_53 : vector<2000x128xf32>
    %get3A_55 = arith.constant 0 : index
    %get3A_56 = arith.constant 0 : index
    %get3A_57 = vector.load %arg8[%get3A_55, %get3A_56] : memref<1x128xf32, #tpu.memory_space<vmem>>, vector<1x128xf32>
    %mul3A = vector.broadcast %get3A_57 : vector<1x128xf32> to vector<2000x128xf32>
    %mul3A_58 = arith.mulf %div3A_54, %mul3A : vector<2000x128xf32>
    %get3A_59 = arith.constant 0 : index
    %get3A_60 = arith.constant 0 : index
    %get3A_61 = vector.load %arg9[%get3A_59, %get3A_60] : memref<1x128xf32, #tpu.memory_space<vmem>>, vector<1x128xf32>
    %add3A_62 = vector.broadcast %get3A_61 : vector<1x128xf32> to vector<2000x128xf32>
    %add3A_63 = arith.addf %mul3A_58, %add3A_62 : vector<2000x128xf32>
    %max3A_64 = arith.constant 0.000000e+00 : f32
    %max3A_65 = vector.broadcast %max3A_64 : f32 to vector<2000x128xf32>
    %max3A_66 = arith.maximumf %add3A_63, %max3A_65 : vector<2000x128xf32>
    %swap3A = arith.constant 0 : index
    %swap3A_67 = arith.constant 0 : index
    %swap3A_68 = vector.load %arg10[%swap3A, %swap3A_67] : memref<2000x128xf32, #tpu.memory_space<vmem>>, vector<2000x128xf32>
    tpu.vector_store %arg10[%swap3A, %swap3A_67], %max3A_66 {strides = array<i32>} : memref<2000x128xf32, #tpu.memory_space<vmem>>, vector<2000x128xf32>,
    return
  }
  func.func @transform_0(%arg0: i32) -> (i32, i32, i32) {
    %c0_i32 = arith.constant 0 : i32
    %c0_i32_0 = arith.constant 0 : i32
    %c0_i32_1 = arith.constant 0 : i32
    return %c0_i32, %arg0, %c0_i32_0 : i32, i32, i32
  }
  func.func @transform_1(%arg0: i32) -> (i32, i32) {
    %c0_i32 = arith.constant 0 : i32
    %c0_i32_0 = arith.constant 0 : i32
    return %arg0, %c0_i32 : i32, i32
  }
  func.func @transform_2(%arg0: i32) -> (i32, i32) {
    %c0_i32 = arith.constant 0 : i32
    %c0_i32_0 = arith.constant 0 : i32
    return %arg0, %c0_i32 : i32, i32
  }
  func.func @transform_3(%arg0: i32) -> (i32, i32) {
    %c0_i32 = arith.constant 0 : i32
    %c0_i32_0 = arith.constant 0 : i32
    return %arg0, %c0_i32 : i32, i32
  }
  func.func @transform_4(%arg0: i32) -> (i32, i32) {
    %c0_i32 = arith.constant 0 : i32
    %c0_i32_0 = arith.constant 0 : i32
    %c0_i32_1 = arith.constant 0 : i32
    return %c0_i32, %c0_i32_0 : i32, i32
  }
  func.func @transform_5(%arg0: i32) -> (i32, i32) {
    %c0_i32 = arith.constant 0 : i32
    %c0_i32_0 = arith.constant 0 : i32
    %c0_i32_1 = arith.constant 0 : i32
    return %c0_i32, %c0_i32_0 : i32, i32
  }
  func.func @transform_6(%arg0: i32) -> (i32, i32) {
    %c0_i32 = arith.constant 0 : i32
    %c0_i32_0 = arith.constant 0 : i32
    %c0_i32_1 = arith.constant 0 : i32
    return %c0_i32, %c0_i32_0 : i32, i32
  }
  func.func @transform_7(%arg0: i32) -> (i32, i32) {
    %c0_i32 = arith.constant 0 : i32
    %c0_i32_0 = arith.constant 0 : i32
    %c0_i32_1 = arith.constant 0 : i32
    return %c0_i32, %c0_i32_0 : i32, i32
  }
  func.func @transform_8(%arg0: i32) -> (i32, i32) {
    %c0_i32 = arith.constant 0 : i32
    %c0_i32_0 = arith.constant 0 : i32
    %c0_i32_1 = arith.constant 0 : i32
    return %c0_i32, %c0_i32_0 : i32, i32
  }
  func.func @transform_9(%arg0: i32) -> (i32, i32) {
    %c0_i32 = arith.constant 0 : i32
    %c0_i32_0 = arith.constant 0 : i32
    return %arg0, %c0_i32 : i32, i32
  }
}

module attributes {stable_mosaic.version = 14 : i64} {
  func.func @_tc_body(%arg0: i32, %arg1: memref<2x2000x128xf32, #tpu.memory_space<vmem>>, %arg2: memref<2000x1xf32, #tpu.memory_space<vmem>>, %arg3: memref<2000x1xf32, #tpu.memory_space<vmem>>, %arg4: memref<2000x128xf32, #tpu.memory_space<vmem>>, %arg5: memref<128x128xf32, #tpu.memory_space<vmem>>, %arg6: memref<128x128xf32, #tpu.memory_space<vmem>>, %arg7: memref<1x128xf32, #tpu.memory_space<vmem>>, %arg8: memref<1x128xf32, #tpu.memory_space<vmem>>, %arg9: memref<1x128xf32, #tpu.memory_space<vmem>>, %arg10: memref<2000x128xf32, #tpu.memory_space<vmem>>) attributes {dimension_semantics = [#tpu.dimension_semantics<arbitrary>], iteration_bounds = array<i64: 5>, scalar_prefetch = 0 : i64, scratch_operands = 0 : i64, tpu.core_type = #tpu.core_type<tc>, window_params = [{transform_indices = @transform_0, window_bounds = array<i64: 2, 2000, 128>}, {transform_indices = @transform_1, window_bounds = array<i64: 2000, 1>}, {transform_indices = @transform_2, window_bounds = array<i64: 2000, 1>}, {transform_indices = @transform_3, window_bounds = array<i64: 2000, 128>}, {pipeline_mode = #tpu.pipeline_mode<synchronous>, transform_indices = @transform_4, window_bounds = array<i64: 128, 128>}, {pipeline_mode = #tpu.pipeline_mode<synchronous>, transform_indices = @transform_5, window_bounds = array<i64: 128, 128>}, {pipeline_mode = #tpu.pipeline_mode<synchronous>, transform_indices = @transform_6, window_bounds = array<i64: 1, 128>}, {pipeline_mode = #tpu.pipeline_mode<synchronous>, transform_indices = @transform_7, window_bounds = array<i64: 1, 128>}, {pipeline_mode = #tpu.pipeline_mode<synchronous>, transform_indices = @transform_8, window_bounds = array<i64: 1, 128>}, {transform_indices = @transform_9, window_bounds = array<i64: 2000, 128>}]} {
    %get3A = arith.constant 0 : index
    %get3A_0 = arith.constant 0 : index
    %get3A_1 = arith.constant 0 : index
    %get3A_2 = vector.load %arg1[%get3A, %get3A_0, %get3A_1] : memref<2x2000x128xf32, #tpu.memory_space<vmem>>, vector<1x2000x128xf32>
    %get3A_3 = vector.shape_cast %get3A_2 : vector<1x2000x128xf32> to vector<2000x128xf32>
    %get3A_4 = arith.constant 1 : index
    %get3A_5 = arith.constant 0 : index
    %get3A_6 = arith.constant 0 : index
    %get3A_7 = vector.load %arg1[%get3A_4, %get3A_5, %get3A_6] : memref<2x2000x128xf32, #tpu.memory_space<vmem>>, vector<1x2000x128xf32>
    %get3A_8 = vector.shape_cast %get3A_7 : vector<1x2000x128xf32> to vector<2000x128xf32>
    %add3A = arith.addf %get3A_3, %get3A_8 : vector<2000x128xf32>
    %get3A_9 = arith.constant 0 : index
    %get3A_10 = arith.constant 0 : index
    %get3A_11 = vector.load %arg2[%get3A_9, %get3A_10] : memref<2000x1xf32, #tpu.memory_space<vmem>>, vector<2000x1xf32>
    %get3A_12 = arith.constant 0 : index
    %get3A_13 = arith.constant 0 : index
    %get3A_14 = vector.load %arg3[%get3A_12, %get3A_13] : memref<2000x1xf32, #tpu.memory_space<vmem>>, vector<2000x1xf32>
    %add3A_15 = arith.addf %get3A_11, %get3A_14 : vector<2000x1xf32>
    %max3A = arith.constant 1.000000e+00 : f32
    %max3A_16 = vector.broadcast %max3A : f32 to vector<2000x1xf32>
    %max3A_17 = arith.maximumf %add3A_15, %max3A_16 : vector<2000x1xf32>
    %div3A = vector.broadcast %max3A_17 : vector<2000x1xf32> to vector<2000x128xf32>
    %div3A_18 = arith.divf %add3A, %div3A : vector<2000x128xf32>
    %get3A_19 = arith.constant 0 : index
    %get3A_20 = arith.constant 0 : index
    %get3A_21 = vector.load %arg5[%get3A_19, %get3A_20] : memref<128x128xf32, #tpu.memory_space<vmem>>, vector<128x128xf32>
    %dot_general3A = arith.constant dense<0.000000e+00> : vector<2000x128xf32>
    %dot_general3A_22 = tpu.matmul %div3A_18, %get3A_21, %dot_general3A {dimension_numbers = #tpu.dot_dimension_numbers<[1], [0], [0], [1], [0, 0, 1, 1], [], []>, transpose_lhs_hint = false} : vector<2000x128xf32>, vector<128x128xf32>, vector<2000x128xf32> -> vector<2000x128xf32>
    %get3A_23 = arith.constant 0 : index
    %get3A_24 = arith.constant 0 : index
    %get3A_25 = vector.load %arg4[%get3A_23, %get3A_24] : memref<2000x128xf32, #tpu.memory_space<vmem>>, vector<2000x128xf32>
    %get3A_26 = arith.constant 0 : index
    %get3A_27 = arith.constant 0 : index
    %get3A_28 = vector.load %arg6[%get3A_26, %get3A_27] : memref<128x128xf32, #tpu.memory_space<vmem>>, vector<128x128xf32>
    %dot_general3A_29 = arith.constant dense<0.000000e+00> : vector<2000x128xf32>
    %dot_general3A_30 = tpu.matmul %get3A_25, %get3A_28, %dot_general3A_29 {dimension_numbers = #tpu.dot_dimension_numbers<[1], [0], [0], [1], [0, 0, 1, 1], [], []>, transpose_lhs_hint = false} : vector<2000x128xf32>, vector<128x128xf32>, vector<2000x128xf32> -> vector<2000x128xf32>
    %add3A_31 = arith.addf %dot_general3A_22, %dot_general3A_30 : vector<2000x128xf32>
    %get3A_32 = arith.constant 0 : index
    %get3A_33 = arith.constant 0 : index
    %get3A_34 = vector.load %arg7[%get3A_32, %get3A_33] : memref<1x128xf32, #tpu.memory_space<vmem>>, vector<1x128xf32>
    %add3A_35 = vector.broadcast %get3A_34 : vector<1x128xf32> to vector<2000x128xf32>
    %add3A_36 = arith.addf %add3A_31, %add3A_35 : vector<2000x128xf32>
    %reduce_sum3A = arith.constant dense<0.000000e+00> : vector<2000xf32>
    %reduce_sum3A_37 = vector.multi_reduction <add>, %add3A_36, %reduce_sum3A [1] : vector<2000x128xf32> to vector<2000xf32>
    %broadcast_in_dim3A = vector.shape_cast %reduce_sum3A_37 : vector<2000xf32> to vector<2000x1xf32>
    %div3A_38 = arith.constant 1.280000e+02 : f32
    %div3A_39 = vector.broadcast %div3A_38 : f32 to vector<2000x1xf32>
    %div3A_40 = arith.divf %broadcast_in_dim3A, %div3A_39 : vector<2000x1xf32>
    %sub3A = vector.broadcast %div3A_40 : vector<2000x1xf32> to vector<2000x128xf32>
    %sub3A_41 = arith.subf %add3A_36, %sub3A : vector<2000x128xf32>
    %square3A = arith.mulf %sub3A_41, %sub3A_41 : vector<2000x128xf32>
    %reduce_sum3A_42 = arith.constant dense<0.000000e+00> : vector<2000xf32>
    %reduce_sum3A_43 = vector.multi_reduction <add>, %square3A, %reduce_sum3A_42 [1] : vector<2000x128xf32> to vector<2000xf32>
    %broadcast_in_dim3A_44 = vector.shape_cast %reduce_sum3A_43 : vector<2000xf32> to vector<2000x1xf32>
    %div3A_45 = arith.constant 1.280000e+02 : f32
    %div3A_46 = vector.broadcast %div3A_45 : f32 to vector<2000x1xf32>
    %div3A_47 = arith.divf %broadcast_in_dim3A_44, %div3A_46 : vector<2000x1xf32>
    %sub3A_48 = vector.broadcast %div3A_40 : vector<2000x1xf32> to vector<2000x128xf32>
    %sub3A_49 = arith.subf %add3A_36, %sub3A_48 : vector<2000x128xf32>
    %add3A_50 = arith.constant 9.99999974E-6 : f32
    %add3A_51 = vector.broadcast %add3A_50 : f32 to vector<2000x1xf32>
    %add3A_52 = arith.addf %div3A_47, %add3A_51 : vector<2000x1xf32>
    %sqrt3A = math.sqrt %add3A_52 : vector<2000x1xf32>
    %div3A_53 = vector.broadcast %sqrt3A : vector<2000x1xf32> to vector<2000x128xf32>
    %div3A_54 = arith.divf %sub3A_49, %div3A_53 : vector<2000x128xf32>
    %get3A_55 = arith.constant 0 : index
    %get3A_56 = arith.constant 0 : index
    %get3A_57 = vector.load %arg8[%get3A_55, %get3A_56] : memref<1x128xf32, #tpu.memory_space<vmem>>, vector<1x128xf32>
    %mul3A = vector.broadcast %get3A_57 : vector<1x128xf32> to vector<2000x128xf32>
    %mul3A_58 = arith.mulf %div3A_54, %mul3A : vector<2000x128xf32>
    %get3A_59 = arith.constant 0 : index
    %get3A_60 = arith.constant 0 : index
    %get3A_61 = vector.load %arg9[%get3A_59, %get3A_60] : memref<1x128xf32, #tpu.memory_space<vmem>>, vector<1x128xf32>
    %add3A_62 = vector.broadcast %get3A_61 : vector<1x128xf32> to vector<2000x128xf32>
    %add3A_63 = arith.addf %mul3A_58, %add3A_62 : vector<2000x128xf32>
    %max3A_64 = arith.constant 0.000000e+00 : f32
    %max3A_65 = vector.broadcast %max3A_64 : f32 to vector<2000x128xf32>
    %max3A_66 = arith.maximumf %add3A_63, %max3A_65 : vector<2000x128xf32>
    %get3A_67 = arith.constant 0 : index
    %get3A_68 = arith.constant 0 : index
    %get3A_69 = vector.load %arg4[%get3A_67, %get3A_68] : memref<2000x128xf32, #tpu.memory_space<vmem>>, vector<2000x128xf32>
    %add3A_70 = arith.addf %get3A_69, %max3A_66 : vector<2000x128xf32>
    %swap3A = arith.constant 0 : index
    %swap3A_71 = arith.constant 0 : index
    %swap3A_72 = vector.load %arg10[%swap3A, %swap3A_71] : memref<2000x128xf32, #tpu.memory_space<vmem>>, vector<2000x128xf32>
    tpu.vector_store %arg10[%swap3A, %swap3A_71], %add3A_70 {strides = array<i32>} : memref<2000x128xf32, #tpu.memory_space<vmem>>, vector<2000x128xf32>,
    return
  }
  func.func @transform_0(%arg0: i32) -> (i32, i32, i32) {
    %c0_i32 = arith.constant 0 : i32
    %c0_i32_0 = arith.constant 0 : i32
    %c0_i32_1 = arith.constant 0 : i32
    return %c0_i32, %arg0, %c0_i32_0 : i32, i32, i32
  }
  func.func @transform_1(%arg0: i32) -> (i32, i32) {
    %c0_i32 = arith.constant 0 : i32
    %c0_i32_0 = arith.constant 0 : i32
    return %arg0, %c0_i32 : i32, i32
  }
  func.func @transform_2(%arg0: i32) -> (i32, i32) {
    %c0_i32 = arith.constant 0 : i32
    %c0_i32_0 = arith.constant 0 : i32
    return %arg0, %c0_i32 : i32, i32
  }
  func.func @transform_3(%arg0: i32) -> (i32, i32) {
    %c0_i32 = arith.constant 0 : i32
    %c0_i32_0 = arith.constant 0 : i32
    return %arg0, %c0_i32 : i32, i32
  }
  func.func @transform_4(%arg0: i32) -> (i32, i32) {
    %c0_i32 = arith.constant 0 : i32
    %c0_i32_0 = arith.constant 0 : i32
    %c0_i32_1 = arith.constant 0 : i32
    return %c0_i32, %c0_i32_0 : i32, i32
  }
  func.func @transform_5(%arg0: i32) -> (i32, i32) {
    %c0_i32 = arith.constant 0 : i32
    %c0_i32_0 = arith.constant 0 : i32
    %c0_i32_1 = arith.constant 0 : i32
    return %c0_i32, %c0_i32_0 : i32, i32
  }
  func.func @transform_6(%arg0: i32) -> (i32, i32) {
    %c0_i32 = arith.constant 0 : i32
    %c0_i32_0 = arith.constant 0 : i32
    %c0_i32_1 = arith.constant 0 : i32
    return %c0_i32, %c0_i32_0 : i32, i32
  }
  func.func @transform_7(%arg0: i32) -> (i32, i32) {
    %c0_i32 = arith.constant 0 : i32
    %c0_i32_0 = arith.constant 0 : i32
    %c0_i32_1 = arith.constant 0 : i32
    return %c0_i32, %c0_i32_0 : i32, i32
  }
  func.func @transform_8(%arg0: i32) -> (i32, i32) {
    %c0_i32 = arith.constant 0 : i32
    %c0_i32_0 = arith.constant 0 : i32
    %c0_i32_1 = arith.constant 0 : i32
    return %c0_i32, %c0_i32_0 : i32, i32
  }
  func.func @transform_9(%arg0: i32) -> (i32, i32) {
    %c0_i32 = arith.constant 0 : i32
    %c0_i32_0 = arith.constant 0 : i32
    return %arg0, %c0_i32 : i32, i32
  }
}

module attributes {stable_mosaic.version = 14 : i64} {
  func.func @_tc_body(%arg0: i32, %arg1: memref<2x2000x128xf32, #tpu.memory_space<vmem>>, %arg2: memref<2000x1xf32, #tpu.memory_space<vmem>>, %arg3: memref<2000x1xf32, #tpu.memory_space<vmem>>, %arg4: memref<2000x128xf32, #tpu.memory_space<vmem>>, %arg5: memref<128x128xf32, #tpu.memory_space<vmem>>, %arg6: memref<128x128xf32, #tpu.memory_space<vmem>>, %arg7: memref<1x128xf32, #tpu.memory_space<vmem>>, %arg8: memref<1x128xf32, #tpu.memory_space<vmem>>, %arg9: memref<1x128xf32, #tpu.memory_space<vmem>>, %arg10: memref<2000x128xf32, #tpu.memory_space<vmem>>) attributes {dimension_semantics = [#tpu.dimension_semantics<arbitrary>], iteration_bounds = array<i64: 5>, scalar_prefetch = 0 : i64, scratch_operands = 0 : i64, tpu.core_type = #tpu.core_type<tc>, window_params = [{transform_indices = @transform_0, window_bounds = array<i64: 2, 2000, 128>}, {transform_indices = @transform_1, window_bounds = array<i64: 2000, 1>}, {transform_indices = @transform_2, window_bounds = array<i64: 2000, 1>}, {transform_indices = @transform_3, window_bounds = array<i64: 2000, 128>}, {pipeline_mode = #tpu.pipeline_mode<synchronous>, transform_indices = @transform_4, window_bounds = array<i64: 128, 128>}, {pipeline_mode = #tpu.pipeline_mode<synchronous>, transform_indices = @transform_5, window_bounds = array<i64: 128, 128>}, {pipeline_mode = #tpu.pipeline_mode<synchronous>, transform_indices = @transform_6, window_bounds = array<i64: 1, 128>}, {pipeline_mode = #tpu.pipeline_mode<synchronous>, transform_indices = @transform_7, window_bounds = array<i64: 1, 128>}, {pipeline_mode = #tpu.pipeline_mode<synchronous>, transform_indices = @transform_8, window_bounds = array<i64: 1, 128>}, {transform_indices = @transform_9, window_bounds = array<i64: 2000, 128>}]} {
    %get3A = arith.constant 0 : index
    %get3A_0 = arith.constant 0 : index
    %get3A_1 = arith.constant 0 : index
    %get3A_2 = vector.load %arg1[%get3A, %get3A_0, %get3A_1] : memref<2x2000x128xf32, #tpu.memory_space<vmem>>, vector<1x2000x128xf32>
    %get3A_3 = vector.shape_cast %get3A_2 : vector<1x2000x128xf32> to vector<2000x128xf32>
    %get3A_4 = arith.constant 1 : index
    %get3A_5 = arith.constant 0 : index
    %get3A_6 = arith.constant 0 : index
    %get3A_7 = vector.load %arg1[%get3A_4, %get3A_5, %get3A_6] : memref<2x2000x128xf32, #tpu.memory_space<vmem>>, vector<1x2000x128xf32>
    %get3A_8 = vector.shape_cast %get3A_7 : vector<1x2000x128xf32> to vector<2000x128xf32>
    %add3A = arith.addf %get3A_3, %get3A_8 : vector<2000x128xf32>
    %get3A_9 = arith.constant 0 : index
    %get3A_10 = arith.constant 0 : index
    %get3A_11 = vector.load %arg2[%get3A_9, %get3A_10] : memref<2000x1xf32, #tpu.memory_space<vmem>>, vector<2000x1xf32>
    %get3A_12 = arith.constant 0 : index
    %get3A_13 = arith.constant 0 : index
    %get3A_14 = vector.load %arg3[%get3A_12, %get3A_13] : memref<2000x1xf32, #tpu.memory_space<vmem>>, vector<2000x1xf32>
    %add3A_15 = arith.addf %get3A_11, %get3A_14 : vector<2000x1xf32>
    %max3A = arith.constant 1.000000e+00 : f32
    %max3A_16 = vector.broadcast %max3A : f32 to vector<2000x1xf32>
    %max3A_17 = arith.maximumf %add3A_15, %max3A_16 : vector<2000x1xf32>
    %div3A = vector.broadcast %max3A_17 : vector<2000x1xf32> to vector<2000x128xf32>
    %div3A_18 = arith.divf %add3A, %div3A : vector<2000x128xf32>
    %get3A_19 = arith.constant 0 : index
    %get3A_20 = arith.constant 0 : index
    %get3A_21 = vector.load %arg5[%get3A_19, %get3A_20] : memref<128x128xf32, #tpu.memory_space<vmem>>, vector<128x128xf32>
    %dot_general3A = arith.constant dense<0.000000e+00> : vector<2000x128xf32>
    %dot_general3A_22 = tpu.matmul %div3A_18, %get3A_21, %dot_general3A {dimension_numbers = #tpu.dot_dimension_numbers<[1], [0], [0], [1], [0, 0, 1, 1], [], []>, transpose_lhs_hint = false} : vector<2000x128xf32>, vector<128x128xf32>, vector<2000x128xf32> -> vector<2000x128xf32>
    %get3A_23 = arith.constant 0 : index
    %get3A_24 = arith.constant 0 : index
    %get3A_25 = vector.load %arg4[%get3A_23, %get3A_24] : memref<2000x128xf32, #tpu.memory_space<vmem>>, vector<2000x128xf32>
    %get3A_26 = arith.constant 0 : index
    %get3A_27 = arith.constant 0 : index
    %get3A_28 = vector.load %arg6[%get3A_26, %get3A_27] : memref<128x128xf32, #tpu.memory_space<vmem>>, vector<128x128xf32>
    %dot_general3A_29 = arith.constant dense<0.000000e+00> : vector<2000x128xf32>
    %dot_general3A_30 = tpu.matmul %get3A_25, %get3A_28, %dot_general3A_29 {dimension_numbers = #tpu.dot_dimension_numbers<[1], [0], [0], [1], [0, 0, 1, 1], [], []>, transpose_lhs_hint = false} : vector<2000x128xf32>, vector<128x128xf32>, vector<2000x128xf32> -> vector<2000x128xf32>
    %add3A_31 = arith.addf %dot_general3A_22, %dot_general3A_30 : vector<2000x128xf32>
    %get3A_32 = arith.constant 0 : index
    %get3A_33 = arith.constant 0 : index
    %get3A_34 = vector.load %arg7[%get3A_32, %get3A_33] : memref<1x128xf32, #tpu.memory_space<vmem>>, vector<1x128xf32>
    %add3A_35 = vector.broadcast %get3A_34 : vector<1x128xf32> to vector<2000x128xf32>
    %add3A_36 = arith.addf %add3A_31, %add3A_35 : vector<2000x128xf32>
    %reduce_sum3A = arith.constant dense<0.000000e+00> : vector<2000xf32>
    %reduce_sum3A_37 = vector.multi_reduction <add>, %add3A_36, %reduce_sum3A [1] : vector<2000x128xf32> to vector<2000xf32>
    %broadcast_in_dim3A = vector.shape_cast %reduce_sum3A_37 : vector<2000xf32> to vector<2000x1xf32>
    %div3A_38 = arith.constant 1.280000e+02 : f32
    %div3A_39 = vector.broadcast %div3A_38 : f32 to vector<2000x1xf32>
    %div3A_40 = arith.divf %broadcast_in_dim3A, %div3A_39 : vector<2000x1xf32>
    %sub3A = vector.broadcast %div3A_40 : vector<2000x1xf32> to vector<2000x128xf32>
    %sub3A_41 = arith.subf %add3A_36, %sub3A : vector<2000x128xf32>
    %square3A = arith.mulf %sub3A_41, %sub3A_41 : vector<2000x128xf32>
    %reduce_sum3A_42 = arith.constant dense<0.000000e+00> : vector<2000xf32>
    %reduce_sum3A_43 = vector.multi_reduction <add>, %square3A, %reduce_sum3A_42 [1] : vector<2000x128xf32> to vector<2000xf32>
    %broadcast_in_dim3A_44 = vector.shape_cast %reduce_sum3A_43 : vector<2000xf32> to vector<2000x1xf32>
    %div3A_45 = arith.constant 1.280000e+02 : f32
    %div3A_46 = vector.broadcast %div3A_45 : f32 to vector<2000x1xf32>
    %div3A_47 = arith.divf %broadcast_in_dim3A_44, %div3A_46 : vector<2000x1xf32>
    %sub3A_48 = vector.broadcast %div3A_40 : vector<2000x1xf32> to vector<2000x128xf32>
    %sub3A_49 = arith.subf %add3A_36, %sub3A_48 : vector<2000x128xf32>
    %add3A_50 = arith.constant 9.99999974E-6 : f32
    %add3A_51 = vector.broadcast %add3A_50 : f32 to vector<2000x1xf32>
    %add3A_52 = arith.addf %div3A_47, %add3A_51 : vector<2000x1xf32>
    %sqrt3A = math.sqrt %add3A_52 : vector<2000x1xf32>
    %div3A_53 = vector.broadcast %sqrt3A : vector<2000x1xf32> to vector<2000x128xf32>
    %div3A_54 = arith.divf %sub3A_49, %div3A_53 : vector<2000x128xf32>
    %get3A_55 = arith.constant 0 : index
    %get3A_56 = arith.constant 0 : index
    %get3A_57 = vector.load %arg8[%get3A_55, %get3A_56] : memref<1x128xf32, #tpu.memory_space<vmem>>, vector<1x128xf32>
    %mul3A = vector.broadcast %get3A_57 : vector<1x128xf32> to vector<2000x128xf32>
    %mul3A_58 = arith.mulf %div3A_54, %mul3A : vector<2000x128xf32>
    %get3A_59 = arith.constant 0 : index
    %get3A_60 = arith.constant 0 : index
    %get3A_61 = vector.load %arg9[%get3A_59, %get3A_60] : memref<1x128xf32, #tpu.memory_space<vmem>>, vector<1x128xf32>
    %add3A_62 = vector.broadcast %get3A_61 : vector<1x128xf32> to vector<2000x128xf32>
    %add3A_63 = arith.addf %mul3A_58, %add3A_62 : vector<2000x128xf32>
    %max3A_64 = arith.constant 0.000000e+00 : f32
    %max3A_65 = vector.broadcast %max3A_64 : f32 to vector<2000x128xf32>
    %max3A_66 = arith.maximumf %add3A_63, %max3A_65 : vector<2000x128xf32>
    %get3A_67 = arith.constant 0 : index
    %get3A_68 = arith.constant 0 : index
    %get3A_69 = vector.load %arg4[%get3A_67, %get3A_68] : memref<2000x128xf32, #tpu.memory_space<vmem>>, vector<2000x128xf32>
    %add3A_70 = arith.addf %get3A_69, %max3A_66 : vector<2000x128xf32>
    %swap3A = arith.constant 0 : index
    %swap3A_71 = arith.constant 0 : index
    %swap3A_72 = vector.load %arg10[%swap3A, %swap3A_71] : memref<2000x128xf32, #tpu.memory_space<vmem>>, vector<2000x128xf32>
    tpu.vector_store %arg10[%swap3A, %swap3A_71], %add3A_70 {strides = array<i32>} : memref<2000x128xf32, #tpu.memory_space<vmem>>, vector<2000x128xf32>,
    return
  }
  func.func @transform_0(%arg0: i32) -> (i32, i32, i32) {
    %c0_i32 = arith.constant 0 : i32
    %c0_i32_0 = arith.constant 0 : i32
    %c0_i32_1 = arith.constant 0 : i32
    return %c0_i32, %arg0, %c0_i32_0 : i32, i32, i32
  }
  func.func @transform_1(%arg0: i32) -> (i32, i32) {
    %c0_i32 = arith.constant 0 : i32
    %c0_i32_0 = arith.constant 0 : i32
    return %arg0, %c0_i32 : i32, i32
  }
  func.func @transform_2(%arg0: i32) -> (i32, i32) {
    %c0_i32 = arith.constant 0 : i32
    %c0_i32_0 = arith.constant 0 : i32
    return %arg0, %c0_i32 : i32, i32
  }
  func.func @transform_3(%arg0: i32) -> (i32, i32) {
    %c0_i32 = arith.constant 0 : i32
    %c0_i32_0 = arith.constant 0 : i32
    return %arg0, %c0_i32 : i32, i32
  }
  func.func @transform_4(%arg0: i32) -> (i32, i32) {
    %c0_i32 = arith.constant 0 : i32
    %c0_i32_0 = arith.constant 0 : i32
    %c0_i32_1 = arith.constant 0 : i32
    return %c0_i32, %c0_i32_0 : i32, i32
  }
  func.func @transform_5(%arg0: i32) -> (i32, i32) {
    %c0_i32 = arith.constant 0 : i32
    %c0_i32_0 = arith.constant 0 : i32
    %c0_i32_1 = arith.constant 0 : i32
    return %c0_i32, %c0_i32_0 : i32, i32
  }
  func.func @transform_6(%arg0: i32) -> (i32, i32) {
    %c0_i32 = arith.constant 0 : i32
    %c0_i32_0 = arith.constant 0 : i32
    %c0_i32_1 = arith.constant 0 : i32
    return %c0_i32, %c0_i32_0 : i32, i32
  }
  func.func @transform_7(%arg0: i32) -> (i32, i32) {
    %c0_i32 = arith.constant 0 : i32
    %c0_i32_0 = arith.constant 0 : i32
    %c0_i32_1 = arith.constant 0 : i32
    return %c0_i32, %c0_i32_0 : i32, i32
  }
  func.func @transform_8(%arg0: i32) -> (i32, i32) {
    %c0_i32 = arith.constant 0 : i32
    %c0_i32_0 = arith.constant 0 : i32
    %c0_i32_1 = arith.constant 0 : i32
    return %c0_i32, %c0_i32_0 : i32, i32
  }
  func.func @transform_9(%arg0: i32) -> (i32, i32) {
    %c0_i32 = arith.constant 0 : i32
    %c0_i32_0 = arith.constant 0 : i32
    return %arg0, %c0_i32 : i32, i32
  }
}

</mosaic_0001>

<sc_bundles>
// kernel: kernel.10.cloned.1.call-start
scs
__scs_entry_jumppad:
0x0: {  	(pc) =	sbr.rel $0x88, $3  }
0x1: {  	(tag) =	ssettag $0x0;
	lr =	simm.s32 $0x1  }
0x2: {  	[smem:$0x3F9A] =	sst lr;
	_ =	strace $0xD0000000  }
0x3: {  	_ = 	snop  }
0x4: {  	_ = 	snop  }
0x5: {  	_ = 	snop  }
0x6: {  	_ = 	snop  }
0x7: {  	_ = 	snop  }
__scs_overlays_trampoline_lowered:
0x8: {  	[smem:$0x3FA9] =	sst s0  }
0x9: {  	[smem:$0x3FAA] =	sst s1  }
0xa: {  	[smem:$0x3FAB] =	sst s2  }
0xb: {  	[smem:$0x3FAC] =	sst s3  }
0xc: {  	[smem:$0x3FAD] =	sst s4  }
0xd: {  	[smem:$0x3FAE] =	sst s5  }
0xe: {  	[smem:$0x3FAF] =	sst s6  }
0xf: {  	[smem:$0x3FB0] =	sst s7  }
0x10: {  	[smem:$0x3FB1] =	sst s8  }
0x11: {  	[smem:$0x3FB2] =	sst s9;
	s0 =	simm.s32 @!p0 $0x0  }
0x12: {  	s1 =	sld [smem:$0x3F98];
	s0 =	simm.s32 @p0 $0x1  }
0x13: {  	[smem:$0x3FB3] =	sst s0;
	s0 =	simm.s32 @!p1 $0x0  }
0x14: {  	s2 =	sld [smem:$0x3F97];
	s0 =	simm.s32 @p1 $0x1  }
0x15: {  	[smem:$0x3FB4] =	sst s0;
	s0 =	simm.s32 @!p2 $0x0  }
0x16: {  	s3 =	sld [smem:$0x3FDB];
	s0 =	simm.s32 @p2 $0x1  }
0x17: {  	s4 =	simm.s32 $0x1BF5;
	[smem:$0x3FB6] =	sst s0  }
0x18: {  	s0 =	sld [smem:$0x3F99];
	_ =	swait.ge [sflag:s4], $0x0  }
0x19: {  	s7 =	sld [smem:$0x3F9A]  }
0x1a: {  	s8 =	sadd.s32 $0xFFFFE003, lr  }
0x1b: {  	s9 =	sadd.s32 $0xFFFFFEF7, lr;
	s5 =	simm.s32 $0xFFFFFFFF;
	p2 =	slt.u32 s8, $0xFFFFF086  }
0x1c: {  	p1 =	slt.u32 s9, $0xF7A;
	s5 =	simm.s32 @!p2 $0x0  }
0x1d: {  	s5 =	simm.s32 @p1 $0x1;
	p0 =	seq.s32 s7, s2  }
0x1e: {  	s7 =	smul.u32 @!p0 $0xF7A, s2;
	p2 =	seq.s32 @!p0 s5, $0x0  }
0x1f: {  	s9 =	smul.u32 $0xF7A, s1;
	s8 =	simm.s32 @!p0 $0x1BF5;
	p2 =	por !p2, p0  }
0x20: {  	[sflag:s8] =	ssyncset.s32 @!p0 $0xFFFFF086;
	s6 =	sadd.s32 @!p0 s3, s7;
	s7 =	simm.s32 @!p0 $0x108  }
0x21: {  	s3 =	sadd.s32 s3, s9;
	s6 =	sadd.s32 @!p0 $0x88, s6;
	s7 =	simm.s32 @p2 $0x1082  }
0x22: {  	[simem:s7], [sflag:s8] =	dma.local @!p0 [hbm:s6], $0xF7A  }
0x23: {  	s9 =	sor.u32 $0xD0000000, s2;
	s6 =	simm.s32 $0x108;
	_ =	swait.ge @!p0 [sflag:s8], $0x0  }
0x24: {  	s3 =	sadd.s32 $0x88, s3;
	s6 =	simm.s32 @!p1 $0x1082;
	[sflag:s4] =	ssyncset.s32 $0xFFFFF086  }
0x25: {  	[simem:s6], [sflag:s4] =	dma.local [hbm:s3], $0xF7A  }
0x26: {  	[smem:$0x3F9A] =	sst s1;
	(tag) =	ssettag s2;
	_ =	strace s9  }
0x27: {  	s1 =	sld [smem:$0x3FAA]  }
0x28: {  	s2 =	sld [smem:$0x3FAB]  }
0x29: {  	s4 =	sld [smem:$0x3FAD]  }
0x2a: {  	p0 =	seq.s32 s5, $0x0;
	s5 =	sld [smem:$0x3FAE]  }
0x2b: {  	s6 =	sld [smem:$0x3FAF]  }
0x2c: {  	s7 =	sld [smem:$0x3FB0]  }
0x2d: {  	s3 =	simm.s32 $0x108;
	s8 =	sld [smem:$0x3FB1]  }
0x2e: {  	s3 =	simm.s32 @!p0 $0x1082;
	s9 =	sld [smem:$0x3FB2]  }
0x2f: {  	lr =	sadd.s32 s0, s3;
	s0 =	sld [smem:$0x3FA9]  }
0x30: {  	s3 =	sld [smem:$0x3FAC]  }
0x31: {  	[smem:$0x3FB5] =	sst s10  }
0x32: {  	s10 =	sld [smem:$0x3FB3];
	_ =	sdelay $0x3  }
0x33: {  	p0 =	seq.s32 s10, $0x1;
	s10 =	sld [smem:$0x3FB5];
	_ =	sdelay $0x3  }
0x34: {  	[smem:$0x3FB5] =	sst s10  }
0x35: {  	s10 =	sld [smem:$0x3FB4];
	_ =	sdelay $0x3  }
0x36: {  	p1 =	seq.s32 s10, $0x1;
	s10 =	sld [smem:$0x3FB5];
	_ =	sdelay $0x3  }
0x37: {  	[smem:$0x3FB5] =	sst s10  }
0x38: {  	s10 =	sld [smem:$0x3FB6]  }
0x39: {  	_ = 	snop;
	(pc) =	sbr.ind lr, $3  }
0x3a: {  	_ = 	snop  }
0x3b: {  	_ = 	snop  }
0x3c: {  	p2 =	seq.s32 s10, $0x1;
	s10 =	sld [smem:$0x3FB5]  }
0x3d: {  	_ =	shalt  }
0x3e: {  	_ =	shalt  }
0x3f: {  	_ =	shalt  }
0x40: {  	_ =	shalt  }
0x41: {  	_ =	shalt  }
0x42: {  	_ =	shalt  }
0x43: {  	_ =	shalt  }
0x44: {  	_ =	shalt  }
0x45: {  	_ =	shalt  }
0x46: {  	_ =	shalt  }
0x47: {  	_ =	shalt  }
0x48: {  	_ =	shalt  }
0x49: {  	_ =	shalt  }
0x4a: {  	_ =	shalt  }
0x4b: {  	_ =	shalt  }
0x4c: {  	_ =	shalt  }
0x4d: {  	_ =	shalt  }
0x4e: {  	_ =	shalt  }
0x4f: {  	_ =	shalt  }
0x50: {  	_ =	shalt  }
0x51: {  	_ =	shalt  }
0x52: {  	_ =	shalt  }
0x53: {  	_ =	shalt  }
0x54: {  	_ =	shalt  }
0x55: {  	_ =	shalt  }
0x56: {  	_ =	shalt  }
0x57: {  	_ =	shalt  }
0x58: {  	_ =	shalt  }
0x59: {  	_ =	shalt  }
0x5a: {  	_ =	shalt  }
0x5b: {  	_ =	shalt  }
0x5c: {  	_ =	shalt  }
0x5d: {  	_ =	shalt  }
0x5e: {  	_ =	shalt  }
0x5f: {  	_ =	shalt  }
0x60: {  	_ =	shalt  }
0x61: {  	_ =	shalt  }
0x62: {  	_ =	shalt  }
0x63: {  	_ =	shalt  }
0x64: {  	_ =	shalt  }
0x65: {  	_ =	shalt  }
0x66: {  	_ =	shalt  }
0x67: {  	_ =	shalt  }
0x68: {  	_ =	shalt  }
0x69: {  	_ =	shalt  }
0x6a: {  	_ =	shalt  }
0x6b: {  	_ =	shalt  }
0x6c: {  	_ =	shalt  }
0x6d: {  	_ =	shalt  }
0x6e: {  	_ =	shalt  }
0x6f: {  	_ =	shalt  }
0x70: {  	_ =	shalt  }
0x71: {  	_ =	shalt  }
0x72: {  	_ =	shalt  }
0x73: {  	_ =	shalt  }
0x74: {  	_ =	shalt  }
0x75: {  	_ =	shalt  }
0x76: {  	_ =	shalt  }
0x77: {  	_ =	shalt  }
0x78: {  	_ =	shalt  }
0x79: {  	_ =	shalt  }
0x7a: {  	_ =	shalt  }
0x7b: {  	_ =	shalt  }
0x7c: {  	_ =	shalt  }
0x7d: {  	_ =	shalt  }
0x7e: {  	_ =	shalt  }
0x7f: {  	_ =	shalt  }
0x80: {  	_ =	shalt  }
0x81: {  	_ =	shalt  }
0x82: {  	_ =	shalt  }
0x83: {  	_ =	shalt  }
0x84: {  	_ =	shalt  }
0x85: {  	_ =	shalt  }
0x86: {  	_ =	shalt  }
0x87: {  	_ =	shalt  }
.Lfunc_end0:
.L_simem_size_0:
called_computation_lowered:
.L_overlay_start_0:
0x88: {  	s2 =	sld [smem:$0x3FD9]  }
0x89: {  	s3 =	sld [smem:$0x3FFE];
	_ =	sdelay $0x1  }
0x8a: {  	s1 =	srdreg.scid  }
0x8b: {  	s0 =	sand.u32 $0x1, s1  }
0x8c: {  	s17 =	sshll.u32 s0, $0xA;
	s2 =	sadd.s32 s3, s2  }
0x8d: {  	s2 =	sadd.s32 s2, s17  }
0x8e: {  	[smem:$0x3FC1] =	sst s2  }
0x8f: {  	_ = 	snop  }
0x90: {  	s2 =	sld [smem:$0x3FC9]  }
0x91: {  	s18 =	sld [smem:$0x3FD0];
	(tm) =	ssettm $0x1  }
0x92: {  	s4 =	sld [smem:$0x3FFB];
	_ =	sdelay $0x3  }
0x93: {  	_ =	strace s4  }
0x94: {  	s4 =	sld [smem:$0x3FFC];
	_ =	sdelay $0x3  }
0x95: {  	_ =	strace s4  }
0x96: {  	s4 =	sld [smem:$0x3FFD];
	_ =	sdelay $0x3  }
0x97: {  	_ =	strace s4  }
0x98: {  	_ =	strace $0x8FFFFFFF  }
0x99: {  	s19 =	sld [smem:$0x3FDB];
	_ =	sdelay $0x1  }
0x9a: {  	s5 =	simm.s32 $_scs_section_size  }
0x9b: {  	s6 =	simm.s32 $_size__tile_overlayer_lowered;
	s7 =	simm.s32 $_tile_overlayer_lowered  }
0x9c: {  	s22 =	simm.s32 $0x1BFF;
	s21 =	sshll.u32 s7, $0x1;
	s4 =	sadd.s32 s5, s19  }
0x9d: {  	s8 =	simm.s32 $0x0;
	s20 =	sshll.u32 s6, $0x1;
	s6 =	sadd.s32 s21, s4  }
0x9e: {  	[timem:s8], [sflag:s22] =	dma.local [hbm:s6], s20  }
0x9f: {  	_ =	swait.ge [sflag:s22], s20  }
0xa0: {  	s5 =	ssub.s32 $0x0, s20;
	[sflag:s22] =	ssyncset.done $0x0  }
0xa1: {  	[sflag:s22] =	ssyncadd.s32 s5;
	_ =	sdelay $0x1  }
0xa2: {  	s23 =	simm.s32 $0x1B8B  }
0xa3: {  	_ =	swait.ge [sflag:s23], $0x1  }
0xa4: {  	[sflag:s23] =	ssyncset.done $0x0  }
0xa5: {  	s25 =	simm.s32 $0x1B8E;
	s24 =	sld [smem:$0x3FFE];
	[sflag:s23] =	ssyncadd.s32 $0xFFFFFFFF  }
0xa6: {  	s26 =	simm.s32 $execute0_lowered;
	[smem:$0x3FD2] =	sst s25  }
0xa7: {  	s6 =	sshll.u32 s26, $0x1;
	_ =	strace $0x80000046;
	[dreg:$0x1] =	wrdreg $0xFFFFFFFF  }
0xa8: {  	s28 =	simm.s32 $_size_execute0_lowered;
	s4 =	sadd.s32 s4, s6;
	[dreg:$0x0] =	wrdreg $0x0  }
0xa9: {  	s6 =	sshll.u32 s28, $0x1;
	[dreg:$0x2] =	wrdreg s4  }
0xaa: {  	[dreg:$0x3] =	wrdreg s6  }
0xab: {  	[dreg:$0x4] =	wrdreg $0xC0  }
0xac: {  	_ =	task [dreg:s8], $0x5FFFF  }
0xad: {  	[dreg:$0x1] =	wrdreg $0xFFFFFFFF  }
0xae: {  	[dreg:$0x0] =	wrdreg $0x60  }
0xaf: {  	[dreg:$0x2] =	wrdreg s2  }
0xb0: {  	[dreg:$0x3] =	wrdreg s24  }
0xb1: {  	[dreg:$0x4] =	wrdreg s18  }
0xb2: {  	[dreg:$0x5] =	wrdreg $0x82000  }
0xb3: {  	[dreg:$0x6] =	wrdreg $0x1BB000  }
0xb4: {  	[dreg:$0x7] =	wrdreg $0x9  }
0xb5: {  	_ =	task.clear_ibuf [dreg:s8], $0x8FFFF;
	_ =	strace $0x90000046  }
0xb6: {  	s29 =	simm.s32 $0x9;
	_ =	strace $0x80000048  }
0xb7: {  	_ =	swait.ge [sflag:s29], $0x1  }
0xb8: {  	[sflag:s29] =	ssyncadd.s32 $0xFFFFFFFF  }
0xb9: {  	_ =	strace $0x90000048  }
0xba: {  	_ =	sfence  }
0xbb: {  	s30 =	sld [smem:$0x0];
	_ =	sdelay $0x2  }
0xbc: {  	s31 =	sshll.u32 s1, $0xD;
	s1 =	sshrl.u32 s1, $0x2  }
0xbd: {  	s3 =	sand.u32 $0x4000, s31;
	s1 =	sadd.s32 s1, s30  }
0xbe: {  	s0 =	sor.u32 s3, s0;
	s1 =	sshll.u32 s1, $0x11  }
0xbf: {  	s0 =	sor.u32 s1, s0  }
0xc0: {  	s0 =	sadd.s32 $0x8F2B, s0  }
0xc1: {  	[sflag:s0] =	ssyncadd.remote.s32 $0x1  }
0xc2: {  	_ =	sfence.sel $0xFFFF  }
0xc3: {  	[dreg:$0x0] =	wrdreg $0xFFFFFFFF;
	(pc) =	sbr.abs _section_cstart, $3  }
0xc4: {  	[dreg:$0x1] =	wrdreg $0xFFFFFFFF  }
0xc5: {  	_ =	task.clear_ibuf [dreg:s8], $0x2FFFF;
	_ =	strace $0x9FFFFFFF  }
0xc6: {  	(tm) =	ssettm $0x7FFFFFFF  }
0xc7: {  	_ =	shalt  }
tec
execute0_lowered:
.L_overlay_start_1:
0x0: {  	(tag) =	ssettag $0x1  }
0x1: {  	s1 =	rddreg [dreg:$0x0]  }
0x2: {  	s0 =	rddreg [dreg:$0x1]  }
0x3: {  	s3 =	rddreg [dreg:$0x2]  }
0x4: {  	s2 =	rddreg [dreg:$0x3]  }
0x5: {  	s4 =	rddreg [dreg:$0x4];
	s5 =	simm.s32 $0x0  }
0x6: {  	s17 =	stileid.u32;
	s6 =	srdreg.scid;
	s28 =	simm.s32 $0x1BA80  }
0x7: {  	s29 =	simm.s32 $0x1BD78;
	s30 =	simm.s32 $0x1BDF8;
	s31 =	simm.s32 $0x1  }
0x8: {  	[smem:$0x7FF] =	sst s5;
	s7 =	smul.u32 $0x278, s17;
	s8 =	sadd.s32 $0xD400, s0  }
0x9: {  	s9 =	sand.u32 $0x1, s6;
	s11 =	sadd.s32 $0x21800, s0;
	s24 =	sadd.s32 $0x21600, s0  }
0xa: {  	s19 =	smul.u32 $0x2710, s17;
	_ =	strace $0x80000047;
	[dreg:$0x6] =	wrdreg s11  }
0xb: {  	s12 =	sadd.s32 $0x21400, s0;
	s22 =	smul.u32 $0x50, s17;
	[dreg:$0x7] =	wrdreg s24  }
0xc: {  	s6 =	sadd.s32 $0x3600, s0;
	s10 =	smul.u32 $0x138800, s9;
	[dreg:$0x8] =	wrdreg s12  }
0xd: {  	s26 =	sshll.u32 s9, $0x4;
	s13 =	ssub.s32 $0x2, s9;
	s18 =	smul.u32 $0x27100, s9  }
0xe: {  	p0 =	seq.s32 s9, $0x1;
	s9 =	smul.u32 $0x500, s9;
	s7 =	smin.u32 s7, $0x2498  }
0xf: {  	s12 =	sor.u32 s17, s26;
	s14 =	sshrl.u32 s13, $0x1;
	s25 =	sshll.u32 s7, $0x7  }
0x10: {  	s15 =	smul.u32 $0x2710, s12;
	s14 =	ssub.s32 s13, s14;
	s13 =	sshll.u32 s17, $0x6  }
0x11: {  	s12 =	smul.u32 $0xA00, s12;
	s20 =	sadd.s32 s7, s4;
	s7 =	sshrl.u32 s7, $0x3  }
0x12: {  	s23 =	sadd.s32 s19, s18;
	s17 =	simm.s32 $0x4;
	s18 =	simm.s32 $0x180  }
0x13: {  	s10 =	sadd.s32 s10, s25;
	s11 =	sadd.s32 s25, s2;
	s24 =	sadd.s32 $0x180, s23  }
0x14: {  	s25 =	smax.u32 s14, $0x1;
	s26 =	sadd.s32 $0x100, s23;
	s14 =	simm.s32 $0x4200  }
0x15: {  	s10 =	sshrl.u32 s10, $0x3;
	[dreg:$0x9] =	wrdreg s11;
	s16 =	sshrl.u32 s15, $0x3  }
0x16: {  	s11 =	sor.u32 $0x1C05, s13;
	s21 =	sadd.s32 s8, s12;
	[dreg:$0x10] =	wrdreg s25  }
0x17: {  	[dreg:$0x12] =	wrdreg s26;
	s25 =	simm.s32 $0x5;
	s26 =	simm.s32 $0x1BEF8  }
0x18: {  	s15 =	simm.s32 $0x3;
	s10 =	sadd.s32 s10, s0;
	s13 =	sadd.s32 s6, s16  }
0x19: {  	s0 =	sadd.s32 $0x24000, s0;
	[dreg:$0xd] =	wrdreg s21;
	s16 =	sadd.s32 $0x10, s13  }
0x1a: {  	[dreg:$0xa] =	wrdreg s13;
	s13 =	sadd.s32 $0x4E0, s13;
	s3 =	smov.u32 @p0 s0  }
0x1b: {  	s10 =	sadd.s32 $0x24600, s10;
	s0 =	sadd.s32 s22, s9;
	[dreg:$0xb] =	wrdreg s16  }
0x1c: {  	s9 =	sshrl.u32 s24, $0x3;
	[dreg:$0xc] =	wrdreg s13;
	s13 =	sadd.s32 $0x20, s21  }
0x1d: {  	[dreg:$0xf] =	wrdreg s10;
	s0 =	sshll.u32 s0, $0x5;
	s3 =	sadd.s32 s3, s7  }
0x1e: {  	s21 =	sadd.s32 s9, s6;
	s9 =	simm.s32 $0x7D;
	[dreg:$0xe] =	wrdreg s13  }
0x1f: {  	s10 =	simm.s32 $0x200;
	s16 =	simm.s32 $0x0;
	[dreg:$0x11] =	wrdreg s3  }
0x20: {  	s0 =	sadd.s32 s0, s8;
	s3 =	simm.s32 $0x2;
	s8 =	simm.s32 $0x100  }
0x21: {  	s23 =	sadd.s32 $0x60, s0;
	s24 =	sadd.s32 $0x40, s0;
	s0 =	simm.s32 $0x80  }
.LBB2_1:
0x22: {  	s7 =	rddreg [dreg:$0x9]  }
0x23: {  	s22 =	rddreg [dreg:$0x6];
	s19 =	sshrl.u32 s7, $0x3  }
0x24: {  	[spmem:s19], [sflag:s11] =	dma.local [hbm:s22], $0x2780  }
0x25: {  	_ =	swait.ge [sflag:s25], $0x2780  }
0x26: {  	[sflag:s25] =	ssyncset.done $0x0  }
0x27: {  	s12 =	rddreg [dreg:$0x7];
	[sflag:s25] =	ssyncadd.s32 $0xFFFFD880  }
0x28: {  	[tilespmem:s26], [sflag:$0x5] =	stream.linear.gather [hbm4b:s12+s5], $0x280, $0x38;
	[tilespmem:$0x1C178] =	vst v63  }
0x29: {  	_ =	swait.ge [sflag:s25], $0x280  }
0x2a: {  	[sflag:s25] =	ssyncset.done $0x0  }
0x2b: {  	[sflag:s25] =	ssyncadd.s32 $0xFFFFFD80  }
0x2c: {  	[spmem:s20] =	stream.linear.scatter [tilespmem:s26], [sflag:$0x5], $0x278, $0x38;
	[tilespmem:$0x1C178] =	vst v63  }
0x2d: {  	_ =	swait.ge [sflag:s25], $0x278  }
0x2e: {  	[sflag:s25] =	ssyncset.done $0x0  }
0x2f: {  	s22 =	smov.u32 s20;
	s20 =	rddreg [dreg:$0x8];
	[sflag:s25] =	ssyncadd.s32 $0xFFFFFD88  }
0x30: {  	[tilespmem:s28], [sflag:$0x5] =	stream.linear.gather [hbm4b:s20+s5], $0x80, $0x38;
	[tilespmem:$0x1C178] =	vst v63  }
0x31: {  	_ =	swait.ge [sflag:s25], $0x80  }
0x32: {  	[sflag:s25] =	ssyncset.done $0x0  }
0x33: {  	[sflag:s25] =	ssyncadd.s32 $0xFFFFFF80  }
0x34: {  	[bflag:$0x0] =	sbarrier.arrive $0xFFFF  }
0x35: {  	s13 =	smov.u32 s11;
	s11 =	rddreg [dreg:$0xa]  }
0x36: {  	[tilespmem:s29], [sflag:$0x1] =	stream.linear.gather [hbm4b:s11+s5], $0x80, $0x38;
	[tilespmem:$0x1C178] =	vst v63  }
0x37: {  	s12 =	rddreg [dreg:$0xb]  }
0x38: {  	[tilespmem:s30], [sflag:$0x2] =	stream.linear.gather [hbm4b:s12+s5], $0x80, $0x38;
	[tilespmem:$0x1C178] =	vst v63  }
0x39: {  	_ =	swait.ge [sflag:s31], $0x80  }
0x3a: {  	[sflag:s31] =	ssyncset.done $0x0  }
0x3b: {  	[sflag:s31] =	ssyncadd.s32 $0xFFFFFF80  }
0x3c: {  	[spmem:s4] =	stream.indirect.scatter.add.f32 [tilespmem:s28], [sflag:$0x5], $0x1, s29, s0, $0xb8;
	[tilespmem:$0x1C178] =	vst v63  }
0x3d: {  	_ =	swait.ge [sflag:s25], $0x80  }
0x3e: {  	s11 =	rddreg [dreg:$0x12]  }
0x3f: {  	[sflag:s25] =	ssyncset.done $0x0;
	s20 =	sshrl.u32 s11, $0x3  }
0x40: {  	[sflag:s25] =	ssyncadd.s32 $0xFFFFFF80;
	s7 =	sadd.s32 s6, s20  }
0x41: {  	[tilespmem:s29], [sflag:$0x1] =	stream.linear.gather [hbm4b:s7+s5], $0x80, $0x38;
	[tilespmem:$0x1C178] =	vst v63  }
0x42: {  	_ =	swait.ge [sflag:s3], $0x80  }
0x43: {  	[sflag:s3] =	ssyncset.done $0x0  }
0x44: {  	[sflag:s3] =	ssyncadd.s32 $0xFFFFFF80  }
0x45: {  	[spmem:s4] =	stream.indirect.scatter.add.f32 [tilespmem:s28], [sflag:$0x5], $0x1, s30, s0, $0xb8;
	[tilespmem:$0x1C178] =	vst v63  }
0x46: {  	_ =	swait.ge [sflag:s25], $0x80  }
0x47: {  	s12 =	simm.s32 $0x20;
	[sflag:s25] =	ssyncset.done $0x0  }
0x48: {  	s20 =	sadd.s32 $0x100, s11;
	s7 =	sadd.s32 $0x0, s21;
	[sflag:s25] =	ssyncadd.s32 $0xFFFFFF80  }
.LBB2_2:
0x49: {  	[tilespmem:s30], [sflag:$0x2] =	stream.linear.gather [hbm4b:s7+s5], $0x80, $0x38;
	[tilespmem:$0x1C178] =	vst v63  }
0x4a: {  	s7 =	smov.u32 s12  }
0x4b: {  	p0 =	sne.s32 s12, $0x4A0;
	s12 =	sadd.s32 $0x20, s12;
	_ =	swait.ge [sflag:s31], $0x80  }
0x4c: {  	[sflag:s31] =	ssyncset.done $0x0  }
0x4d: {  	[sflag:s31] =	ssyncadd.s32 $0xFFFFFF80  }
0x4e: {  	[spmem:s4] =	stream.indirect.scatter.add.f32 [tilespmem:s28], [sflag:$0x5], $0x1, s29, s0, $0xb8;
	[tilespmem:$0x1C178] =	vst v63  }
0x4f: {  	_ =	swait.ge [sflag:s25], $0x80  }
0x50: {  	s11 =	sshrl.u32 s20, $0x3;
	[sflag:s25] =	ssyncset.done $0x0  }
0x51: {  	s11 =	sadd.s32 s6, s11;
	[sflag:s25] =	ssyncadd.s32 $0xFFFFFF80  }
0x52: {  	[tilespmem:s29], [sflag:$0x1] =	stream.linear.gather [hbm4b:s11+s5], $0x80, $0x38;
	[tilespmem:$0x1C178] =	vst v63  }
0x53: {  	_ =	swait.ge [sflag:s3], $0x80  }
0x54: {  	[sflag:s3] =	ssyncset.done $0x0  }
.Ltmp0:
0x55: {  	[sflag:s3] =	ssyncadd.s32 $0xFFFFFF80;
	(pc) =	sbr.rel @p0 .LBB2_2-.Ltmp0, $4  }
0x56: {  	[spmem:s4] =	stream.indirect.scatter.add.f32 [tilespmem:s28], [sflag:$0x5], $0x1, s30, s0, $0xb8;
	[tilespmem:$0x1C178] =	vst v63  }
0x57: {  	_ =	swait.ge [sflag:s25], $0x80  }
0x58: {  	[sflag:s25] =	ssyncset.done $0x0  }
0x59: {  	s20 =	sadd.s32 $0x100, s20;
	s7 =	sadd.s32 s7, s21;
	[sflag:s25] =	ssyncadd.s32 $0xFFFFFF80  }
0x5a: {  	[tilespmem:s30], [sflag:$0x2] =	stream.linear.gather [hbm4b:s7+s5], $0x80, $0x38;
	[tilespmem:$0x1C178] =	vst v63  }
0x5b: {  	_ =	swait.ge [sflag:s31], $0x80  }
0x5c: {  	[sflag:s31] =	ssyncset.done $0x0  }
0x5d: {  	[sflag:s31] =	ssyncadd.s32 $0xFFFFFF80  }
0x5e: {  	[spmem:s4] =	stream.indirect.scatter.add.f32 [tilespmem:s28], [sflag:$0x5], $0x1, s29, s0, $0xb8;
	[tilespmem:$0x1C178] =	vst v63  }
0x5f: {  	_ =	swait.ge [sflag:s25], $0x80  }
0x60: {  	[sflag:s25] =	ssyncset.done $0x0  }
0x61: {  	[sflag:s25] =	ssyncadd.s32 $0xFFFFFF80  }
0x62: {  	_ =	swait.ge [sflag:s3], $0x80  }
0x63: {  	[sflag:s3] =	ssyncset.done $0x0  }
0x64: {  	[sflag:s3] =	ssyncadd.s32 $0xFFFFFF80  }
0x65: {  	[spmem:s4] =	stream.indirect.scatter.add.f32 [tilespmem:s28], [sflag:$0x5], $0x1, s30, s0, $0xb8;
	[tilespmem:$0x1C178] =	vst v63  }
0x66: {  	_ =	swait.ge [sflag:s25], $0x80  }
0x67: {  	s7 =	simm.s32 $0x0;
	[sflag:s25] =	ssyncset.done $0x0  }
0x68: {  	s12 =	simm.s32 $0x1BE78;
	s11 =	rddreg [dreg:$0xc];
	[sflag:s25] =	ssyncadd.s32 $0xFFFFFF80  }
0x69: {  	[tilespmem:s12], [sflag:$0x5] =	stream.linear.gather [hbm4b:s11+s7], $0x10, $0x38;
	[tilespmem:$0x1C178] =	vst v63  }
0x6a: {  	_ =	swait.ge [sflag:s25], $0x10  }
0x6b: {  	[sflag:s25] =	ssyncset.done $0x0  }
0x6c: {  	s20 =	simm.s32 $0x10;
	[sflag:s25] =	ssyncadd.s32 $0xFFFFFFF0  }
0x6d: {  	[spmem:s4] =	stream.indirect.scatter.add.f32 [tilespmem:s28], [sflag:$0x5], $0x1, s12, s20, $0xb8;
	[tilespmem:$0x1C178] =	vst v63  }
0x6e: {  	_ =	swait.ge [sflag:s25], $0x10  }
0x6f: {  	[sflag:s25] =	ssyncset.done $0x0  }
0x70: {  	[sflag:s25] =	ssyncadd.s32 $0xFFFFFFF0  }
0x71: {  	[bflag:$0x0] =	sbarrier.arrive $0xFFFF  }
0x72: {  	[tilespmem:s26], [sflag:$0x5] =	stream.linear.gather [spmem:s22], $0x278, $0x38;
	[tilespmem:$0x1C178] =	vst v63  }
0x73: {  	_ =	swait.ge [sflag:s25], $0x278  }
0x74: {  	[sflag:s25] =	ssyncset.done $0x0  }
0x75: {  	s12 =	rddreg [dreg:$0x11];
	[sflag:s25] =	ssyncadd.s32 $0xFFFFFD88  }
0x76: {  	[hbm4b:s12+s7] =	stream.linear.scatter [tilespmem:s26], [sflag:$0x5], $0x278, $0x38;
	[tilespmem:$0x1C178] =	vst v63  }
0x77: {  	_ =	swait.ge [sflag:s25], $0x278  }
0x78: {  	[sflag:s25] =	ssyncset.done $0x0  }
0x79: {  	[sflag:s25] =	ssyncadd.s32 $0xFFFFFD88  }
0x7a: {  	[bflag:$0x0] =	sbarrier.arrive $0xFFFF  }
0x7b: {  	s20 =	smov.u32 s22;
	s22 =	rddreg [dreg:$0xd]  }
0x7c: {  	[tilespmem:s7], [sflag:$0x1] =	stream.linear.gather [hbm4b:s22+s7], $0x100, $0x38;
	[tilespmem:$0x1C178] =	vst v63  }
0x7d: {  	s12 =	rddreg [dreg:$0xe]  }
0x7e: {  	[tilespmem:s8], [sflag:$0x2] =	stream.linear.gather [hbm4b:s12+s7], $0x100, $0x38;
	[tilespmem:$0x1C178] =	vst v63  }
0x7f: {  	_ =	swait.ge [sflag:s31], $0x100  }
0x80: {  	[sflag:s31] =	ssyncset.done $0x0  }
0x81: {  	[sflag:s31] =	ssyncadd.s32 $0xFFFFFF00  }
0x82: {  	[tilespmem:s10], [sflag:$0x3] =	stream.indirect.gather [hbm4b:s1+s9], $0x80, s7, s9, $0xb8;
	[tilespmem:$0x1C178] =	vst v63  }
0x83: {  	_ =	swait.ge [sflag:s3], $0x100  }
0x84: {  	[sflag:s3] =	ssyncset.done $0x0  }
0x85: {  	[sflag:s3] =	ssyncadd.s32 $0xFFFFFF00  }
0x86: {  	[tilespmem:s14], [sflag:$0x4] =	stream.indirect.gather [hbm4b:s1+s9], $0x80, s8, s9, $0xb8;
	[tilespmem:$0x1C178] =	vst v63  }
0x87: {  	_ =	swait.ge [sflag:s15], $0x3E80  }
0x88: {  	[sflag:s15] =	ssyncset.done $0x0  }
0x89: {  	[sflag:s15] =	ssyncadd.s32 $0xFFFFC180  }
0x8a: {  	[spmem:s2] =	stream.indirect.scatter.add.f32 [tilespmem:s10], [sflag:$0x5], $0x80, s0, s9, $0xb8;
	[tilespmem:$0x1C178] =	vst v63  }
0x8b: {  	_ =	swait.ge [sflag:s25], $0x3E80  }
0x8c: {  	[sflag:s25] =	ssyncset.done $0x0  }
0x8d: {  	s22 =	sadd.s32 $0x0, s24;
	[sflag:s25] =	ssyncadd.s32 $0xFFFFC180  }
0x8e: {  	[tilespmem:s5], [sflag:$0x1] =	stream.linear.gather [hbm4b:s22+s5], $0x100, $0x38;
	[tilespmem:$0x1C178] =	vst v63  }
0x8f: {  	_ =	swait.ge [sflag:s31], $0x100  }
0x90: {  	[sflag:s31] =	ssyncset.done $0x0  }
0x91: {  	[sflag:s31] =	ssyncadd.s32 $0xFFFFFF00  }
0x92: {  	[tilespmem:s10], [sflag:$0x3] =	stream.indirect.gather [hbm4b:s1+s9], $0x80, s5, s9, $0xb8;
	[tilespmem:$0x1C178] =	vst v63  }
0x93: {  	_ =	swait.ge [sflag:s17], $0x3E80  }
0x94: {  	[sflag:s17] =	ssyncset.done $0x0  }
0x95: {  	[sflag:s17] =	ssyncadd.s32 $0xFFFFC180  }
0x96: {  	[spmem:s2] =	stream.indirect.scatter.add.f32 [tilespmem:s14], [sflag:$0x5], $0x80, s18, s9, $0xb8;
	[tilespmem:$0x1C178] =	vst v63  }
0x97: {  	_ =	swait.ge [sflag:s25], $0x3E80  }
0x98: {  	[sflag:s25] =	ssyncset.done $0x0  }
0x99: {  	s12 =	simm.s32 $0x40;
	s7 =	sadd.s32 $0x0, s23;
	[sflag:s25] =	ssyncadd.s32 $0xFFFFC180  }
.LBB2_4:
0x9a: {  	[tilespmem:s8], [sflag:$0x2] =	stream.linear.gather [hbm4b:s7+s5], $0x100, $0x38;
	[tilespmem:$0x1C178] =	vst v63  }
0x9b: {  	s7 =	smov.u32 s12  }
0x9c: {  	p0 =	sne.s32 s12, $0x980;
	s12 =	sadd.s32 $0x40, s12;
	_ =	swait.ge [sflag:s3], $0x100  }
0x9d: {  	[sflag:s3] =	ssyncset.done $0x0  }
0x9e: {  	[sflag:s3] =	ssyncadd.s32 $0xFFFFFF00  }
0x9f: {  	[tilespmem:s14], [sflag:$0x4] =	stream.indirect.gather [hbm4b:s1+s9], $0x80, s8, s9, $0xb8;
	[tilespmem:$0x1C178] =	vst v63  }
0xa0: {  	_ =	swait.ge [sflag:s15], $0x3E80  }
0xa1: {  	[sflag:s15] =	ssyncset.done $0x0  }
0xa2: {  	[sflag:s15] =	ssyncadd.s32 $0xFFFFC180  }
0xa3: {  	[spmem:s2] =	stream.indirect.scatter.add.f32 [tilespmem:s10], [sflag:$0x5], $0x80, s0, s9, $0xb8;
	[tilespmem:$0x1C178] =	vst v63  }
0xa4: {  	_ =	swait.ge [sflag:s25], $0x3E80  }
0xa5: {  	[sflag:s25] =	ssyncset.done $0x0  }
0xa6: {  	s11 =	sadd.s32 s7, s24;
	[sflag:s25] =	ssyncadd.s32 $0xFFFFC180  }
0xa7: {  	[tilespmem:s5], [sflag:$0x1] =	stream.linear.gather [hbm4b:s11+s5], $0x100, $0x38;
	[tilespmem:$0x1C178] =	vst v63  }
0xa8: {  	_ =	swait.ge [sflag:s31], $0x100  }
0xa9: {  	[sflag:s31] =	ssyncset.done $0x0  }
0xaa: {  	[sflag:s31] =	ssyncadd.s32 $0xFFFFFF00  }
0xab: {  	[tilespmem:s10], [sflag:$0x3] =	stream.indirect.gather [hbm4b:s1+s9], $0x80, s5, s9, $0xb8;
	[tilespmem:$0x1C178] =	vst v63  }
0xac: {  	_ =	swait.ge [sflag:s17], $0x3E80  }
0xad: {  	[sflag:s17] =	ssyncset.done $0x0  }
.Ltmp1:
0xae: {  	[sflag:s17] =	ssyncadd.s32 $0xFFFFC180;
	(pc) =	sbr.rel @p0 .LBB2_4-.Ltmp1, $4  }
0xaf: {  	[spmem:s2] =	stream.indirect.scatter.add.f32 [tilespmem:s14], [sflag:$0x5], $0x80, s18, s9, $0xb8;
	[tilespmem:$0x1C178] =	vst v63  }
0xb0: {  	_ =	swait.ge [sflag:s25], $0x3E80  }
0xb1: {  	[sflag:s25] =	ssyncset.done $0x0  }
0xb2: {  	s7 =	sadd.s32 s7, s23;
	[sflag:s25] =	ssyncadd.s32 $0xFFFFC180  }
0xb3: {  	[tilespmem:s8], [sflag:$0x2] =	stream.linear.gather [hbm4b:s7+s5], $0x100, $0x38;
	[tilespmem:$0x1C178] =	vst v63  }
0xb4: {  	_ =	swait.ge [sflag:s3], $0x100  }
0xb5: {  	[sflag:s3] =	ssyncset.done $0x0  }
0xb6: {  	[sflag:s3] =	ssyncadd.s32 $0xFFFFFF00  }
0xb7: {  	[tilespmem:s14], [sflag:$0x4] =	stream.indirect.gather [hbm4b:s1+s9], $0x80, s8, s9, $0xb8;
	[tilespmem:$0x1C178] =	vst v63  }
0xb8: {  	_ =	swait.ge [sflag:s15], $0x3E80  }
0xb9: {  	[sflag:s15] =	ssyncset.done $0x0  }
0xba: {  	[sflag:s15] =	ssyncadd.s32 $0xFFFFC180  }
0xbb: {  	[spmem:s2] =	stream.indirect.scatter.add.f32 [tilespmem:s10], [sflag:$0x5], $0x80, s0, s9, $0xb8;
	[tilespmem:$0x1C178] =	vst v63  }
0xbc: {  	_ =	swait.ge [sflag:s25], $0x3E80  }
0xbd: {  	[sflag:s25] =	ssyncset.done $0x0  }
0xbe: {  	[sflag:s25] =	ssyncadd.s32 $0xFFFFC180  }
0xbf: {  	_ =	swait.ge [sflag:s17], $0x3E80  }
0xc0: {  	[sflag:s17] =	ssyncset.done $0x0  }
0xc1: {  	[sflag:s17] =	ssyncadd.s32 $0xFFFFC180  }
0xc2: {  	[spmem:s2] =	stream.indirect.scatter.add.f32 [tilespmem:s14], [sflag:$0x5], $0x80, s18, s9, $0xb8;
	[tilespmem:$0x1C178] =	vst v63  }
0xc3: {  	_ =	swait.ge [sflag:s25], $0x3E80  }
0xc4: {  	[sflag:s25] =	ssyncset.done $0x0  }
0xc5: {  	[sflag:s25] =	ssyncadd.s32 $0xFFFFC180  }
0xc6: {  	[bflag:$0x0] =	sbarrier.arrive $0xFFFF  }
0xc7: {  	s12 =	rddreg [dreg:$0xf]  }
0xc8: {  	[hbm:s12], [sflag:s13] =	dma.local [spmem:s19], $0x2780  }
0xc9: {  	_ =	swait.ge [sflag:s25], $0x2780  }
0xca: {  	s16 =	sadd.s32 $0x1, s16;
	s22 =	rddreg [dreg:$0x10]  }
0xcb: {  	p0 =	sne.s32 s16, s22  }
.Ltmp2:
0xcc: {  	_ = 	snop;
	(pc) =	sbr.rel @p0 .LBB2_1-.Ltmp2, $3  }
0xcd: {  	_ =	sdelay $0x1  }
0xce: {  	[sflag:s25] =	ssyncset.done $0x0  }
0xcf: {  	s11 =	smov.u32 s13;
	[sflag:s25] =	ssyncadd.s32 $0xFFFFD880  }
0xd0: {  	_ =	sfence.sel $0x180000  }
0xd1: {  	[bflag:$0x0] =	sbarrier.arrive $0xFFFF  }
0xd2: {  	_ =	strace $0x90000047  }
0xd3: {  	s0 =	stileid.u32;
	[bflag:$0x2] =	sbarrier.arrive $0xFFFF  }
0xd4: {  	p0 =	sne.s32 s0, $0x0;
	s0 =	rddreg [dreg:$0x5]  }
0xd5: {  	s0 =	sadd.s32 @!p0 $0x100000, s0  }
0xd6: {  	[sflag:s0] =	ssyncadd.tile.s32 @!p0 $0x1;
	_ =	shalt  }
.Lfunc_end2:
_tile_overlayer_lowered:
.L_overlay_start_2:
0xd7: {  	(tag) =	ssettag $0x2  }
0xd8: {  	s0 =	rddreg [dreg:$0x0];
	s2 =	stileid.u32  }
0xd9: {  	s1 =	rddreg [dreg:$0x1];
	p0 =	sne.s32 s2, $0x0  }
0xda: {  	s3 =	rddreg [dreg:$0x2];
	[bflag:$0x3] =	sbarrier.arrive $0xFFFF;
	s2 =	simm.s32 @!p0 $0x1C05  }
0xdb: {  	[timem:s3], [sflag:s2] =	dma.local @!p0 [hbm:s0], s1  }
0xdc: {  	s0 =	simm.s32 @!p0 $0x5  }
0xdd: {  	_ =	swait.ge @!p0 [sflag:s0], s1  }
0xde: {  	s1 =	ssub.s32 @!p0 $0x0, s1;
	[sflag:s0] =	ssyncset.done @!p0 $0x0  }
0xdf: {  	[sflag:s0] =	ssyncadd.s32 @!p0 s1  }
0xe0: {  	[bflag:$0x3] =	sbarrier.arrive $0xFFFF  }
0xe1: {  	_ =	shalt  }

// kernel: kernel.13.cloned.1.call-start
scs
__scs_entry_jumppad:
0x0: {  	(pc) =	sbr.rel $0x88, $3  }
0x1: {  	(tag) =	ssettag $0x0;
	lr =	simm.s32 $0x1  }
0x2: {  	[smem:$0x3F9A] =	sst lr;
	_ =	strace $0xD0000000  }
0x3: {  	_ = 	snop  }
0x4: {  	_ = 	snop  }
0x5: {  	_ = 	snop  }
0x6: {  	_ = 	snop  }
0x7: {  	_ = 	snop  }
__scs_overlays_trampoline_lowered:
0x8: {  	[smem:$0x3FA9] =	sst s0  }
0x9: {  	[smem:$0x3FAA] =	sst s1  }
0xa: {  	[smem:$0x3FAB] =	sst s2  }
0xb: {  	[smem:$0x3FAC] =	sst s3  }
0xc: {  	[smem:$0x3FAD] =	sst s4  }
0xd: {  	[smem:$0x3FAE] =	sst s5  }
0xe: {  	[smem:$0x3FAF] =	sst s6  }
0xf: {  	[smem:$0x3FB0] =	sst s7  }
0x10: {  	[smem:$0x3FB1] =	sst s8  }
0x11: {  	[smem:$0x3FB2] =	sst s9;
	s0 =	simm.s32 @!p0 $0x0  }
0x12: {  	s1 =	sld [smem:$0x3F98];
	s0 =	simm.s32 @p0 $0x1  }
0x13: {  	[smem:$0x3FB3] =	sst s0;
	s0 =	simm.s32 @!p1 $0x0  }
0x14: {  	s2 =	sld [smem:$0x3F97];
	s0 =	simm.s32 @p1 $0x1  }
0x15: {  	[smem:$0x3FB4] =	sst s0;
	s0 =	simm.s32 @!p2 $0x0  }
0x16: {  	s3 =	sld [smem:$0x3FDB];
	s0 =	simm.s32 @p2 $0x1  }
0x17: {  	s4 =	simm.s32 $0x1BF5;
	[smem:$0x3FB6] =	sst s0  }
0x18: {  	s0 =	sld [smem:$0x3F99];
	_ =	swait.ge [sflag:s4], $0x0  }
0x19: {  	s7 =	sld [smem:$0x3F9A]  }
0x1a: {  	s8 =	sadd.s32 $0xFFFFE003, lr  }
0x1b: {  	s9 =	sadd.s32 $0xFFFFFEF7, lr;
	s5 =	simm.s32 $0xFFFFFFFF;
	p2 =	slt.u32 s8, $0xFFFFF086  }
0x1c: {  	p1 =	slt.u32 s9, $0xF7A;
	s5 =	simm.s32 @!p2 $0x0  }
0x1d: {  	s5 =	simm.s32 @p1 $0x1;
	p0 =	seq.s32 s7, s2  }
0x1e: {  	s7 =	smul.u32 @!p0 $0xF7A, s2;
	p2 =	seq.s32 @!p0 s5, $0x0  }
0x1f: {  	s9 =	smul.u32 $0xF7A, s1;
	s8 =	simm.s32 @!p0 $0x1BF5;
	p2 =	por !p2, p0  }
0x20: {  	[sflag:s8] =	ssyncset.s32 @!p0 $0xFFFFF086;
	s6 =	sadd.s32 @!p0 s3, s7;
	s7 =	simm.s32 @!p0 $0x108  }
0x21: {  	s3 =	sadd.s32 s3, s9;
	s6 =	sadd.s32 @!p0 $0x88, s6;
	s7 =	simm.s32 @p2 $0x1082  }
0x22: {  	[simem:s7], [sflag:s8] =	dma.local @!p0 [hbm:s6], $0xF7A  }
0x23: {  	s9 =	sor.u32 $0xD0000000, s2;
	s6 =	simm.s32 $0x108;
	_ =	swait.ge @!p0 [sflag:s8], $0x0  }
0x24: {  	s3 =	sadd.s32 $0x88, s3;
	s6 =	simm.s32 @!p1 $0x1082;
	[sflag:s4] =	ssyncset.s32 $0xFFFFF086  }
0x25: {  	[simem:s6], [sflag:s4] =	dma.local [hbm:s3], $0xF7A  }
0x26: {  	[smem:$0x3F9A] =	sst s1;
	(tag) =	ssettag s2;
	_ =	strace s9  }
0x27: {  	s1 =	sld [smem:$0x3FAA]  }
0x28: {  	s2 =	sld [smem:$0x3FAB]  }
0x29: {  	s4 =	sld [smem:$0x3FAD]  }
0x2a: {  	p0 =	seq.s32 s5, $0x0;
	s5 =	sld [smem:$0x3FAE]  }
0x2b: {  	s6 =	sld [smem:$0x3FAF]  }
0x2c: {  	s7 =	sld [smem:$0x3FB0]  }
0x2d: {  	s3 =	simm.s32 $0x108;
	s8 =	sld [smem:$0x3FB1]  }
0x2e: {  	s3 =	simm.s32 @!p0 $0x1082;
	s9 =	sld [smem:$0x3FB2]  }
0x2f: {  	lr =	sadd.s32 s0, s3;
	s0 =	sld [smem:$0x3FA9]  }
0x30: {  	s3 =	sld [smem:$0x3FAC]  }
0x31: {  	[smem:$0x3FB5] =	sst s10  }
0x32: {  	s10 =	sld [smem:$0x3FB3];
	_ =	sdelay $0x3  }
0x33: {  	p0 =	seq.s32 s10, $0x1;
	s10 =	sld [smem:$0x3FB5];
	_ =	sdelay $0x3  }
0x34: {  	[smem:$0x3FB5] =	sst s10  }
0x35: {  	s10 =	sld [smem:$0x3FB4];
	_ =	sdelay $0x3  }
0x36: {  	p1 =	seq.s32 s10, $0x1;
	s10 =	sld [smem:$0x3FB5];
	_ =	sdelay $0x3  }
0x37: {  	[smem:$0x3FB5] =	sst s10  }
0x38: {  	s10 =	sld [smem:$0x3FB6]  }
0x39: {  	_ = 	snop;
	(pc) =	sbr.ind lr, $3  }
0x3a: {  	_ = 	snop  }
0x3b: {  	_ = 	snop  }
0x3c: {  	p2 =	seq.s32 s10, $0x1;
	s10 =	sld [smem:$0x3FB5]  }
0x3d: {  	_ =	shalt  }
0x3e: {  	_ =	shalt  }
0x3f: {  	_ =	shalt  }
0x40: {  	_ =	shalt  }
0x41: {  	_ =	shalt  }
0x42: {  	_ =	shalt  }
0x43: {  	_ =	shalt  }
0x44: {  	_ =	shalt  }
0x45: {  	_ =	shalt  }
0x46: {  	_ =	shalt  }
0x47: {  	_ =	shalt  }
0x48: {  	_ =	shalt  }
0x49: {  	_ =	shalt  }
0x4a: {  	_ =	shalt  }
0x4b: {  	_ =	shalt  }
0x4c: {  	_ =	shalt  }
0x4d: {  	_ =	shalt  }
0x4e: {  	_ =	shalt  }
0x4f: {  	_ =	shalt  }
0x50: {  	_ =	shalt  }
0x51: {  	_ =	shalt  }
0x52: {  	_ =	shalt  }
0x53: {  	_ =	shalt  }
0x54: {  	_ =	shalt  }
0x55: {  	_ =	shalt  }
0x56: {  	_ =	shalt  }
0x57: {  	_ =	shalt  }
0x58: {  	_ =	shalt  }
0x59: {  	_ =	shalt  }
0x5a: {  	_ =	shalt  }
0x5b: {  	_ =	shalt  }
0x5c: {  	_ =	shalt  }
0x5d: {  	_ =	shalt  }
0x5e: {  	_ =	shalt  }
0x5f: {  	_ =	shalt  }
0x60: {  	_ =	shalt  }
0x61: {  	_ =	shalt  }
0x62: {  	_ =	shalt  }
0x63: {  	_ =	shalt  }
0x64: {  	_ =	shalt  }
0x65: {  	_ =	shalt  }
0x66: {  	_ =	shalt  }
0x67: {  	_ =	shalt  }
0x68: {  	_ =	shalt  }
0x69: {  	_ =	shalt  }
0x6a: {  	_ =	shalt  }
0x6b: {  	_ =	shalt  }
0x6c: {  	_ =	shalt  }
0x6d: {  	_ =	shalt  }
0x6e: {  	_ =	shalt  }
0x6f: {  	_ =	shalt  }
0x70: {  	_ =	shalt  }
0x71: {  	_ =	shalt  }
0x72: {  	_ =	shalt  }
0x73: {  	_ =	shalt  }
0x74: {  	_ =	shalt  }
0x75: {  	_ =	shalt  }
0x76: {  	_ =	shalt  }
0x77: {  	_ =	shalt  }
0x78: {  	_ =	shalt  }
0x79: {  	_ =	shalt  }
0x7a: {  	_ =	shalt  }
0x7b: {  	_ =	shalt  }
0x7c: {  	_ =	shalt  }
0x7d: {  	_ =	shalt  }
0x7e: {  	_ =	shalt  }
0x7f: {  	_ =	shalt  }
0x80: {  	_ =	shalt  }
0x81: {  	_ =	shalt  }
0x82: {  	_ =	shalt  }
0x83: {  	_ =	shalt  }
0x84: {  	_ =	shalt  }
0x85: {  	_ =	shalt  }
0x86: {  	_ =	shalt  }
0x87: {  	_ =	shalt  }
.Lfunc_end0:
.L_simem_size_0:
called_computation.1_lowered:
.L_overlay_start_0:
0x88: {  	s2 =	sld [smem:$0x3FD9]  }
0x89: {  	s3 =	sld [smem:$0x3FFE];
	_ =	sdelay $0x1  }
0x8a: {  	s1 =	srdreg.scid  }
0x8b: {  	s0 =	sand.u32 $0x1, s1  }
0x8c: {  	s17 =	sshll.u32 s0, $0xA;
	s2 =	sadd.s32 s3, s2  }
0x8d: {  	s2 =	sadd.s32 s2, s17  }
0x8e: {  	[smem:$0x3FC1] =	sst s2  }
0x8f: {  	_ = 	snop  }
0x90: {  	s2 =	sld [smem:$0x3FD0];
	(tm) =	ssettm $0x1  }
0x91: {  	s18 =	sld [smem:$0x3FFB];
	_ =	sdelay $0x3  }
0x92: {  	_ =	strace s18  }
0x93: {  	s3 =	sld [smem:$0x3FFC];
	_ =	sdelay $0x3  }
0x94: {  	_ =	strace s3  }
0x95: {  	s3 =	sld [smem:$0x3FFD];
	_ =	sdelay $0x3  }
0x96: {  	_ =	strace s3  }
0x97: {  	_ =	strace $0x8FFFFFFF  }
0x98: {  	s19 =	sld [smem:$0x3FDB];
	_ =	sdelay $0x1  }
0x99: {  	s4 =	simm.s32 $_scs_section_size  }
0x9a: {  	s5 =	simm.s32 $_size__tile_overlayer_lowered;
	s6 =	simm.s32 $_tile_overlayer_lowered  }
0x9b: {  	s22 =	simm.s32 $0x1BFF;
	s21 =	sshll.u32 s6, $0x1;
	s3 =	sadd.s32 s4, s19  }
0x9c: {  	s7 =	simm.s32 $0x0;
	s20 =	sshll.u32 s5, $0x1;
	s5 =	sadd.s32 s21, s3  }
0x9d: {  	[timem:s7], [sflag:s22] =	dma.local [hbm:s5], s20  }
0x9e: {  	_ =	swait.ge [sflag:s22], s20  }
0x9f: {  	s4 =	ssub.s32 $0x0, s20;
	[sflag:s22] =	ssyncset.done $0x0  }
0xa0: {  	[sflag:s22] =	ssyncadd.s32 s4;
	_ =	sdelay $0x1  }
0xa1: {  	s23 =	simm.s32 $0x1B8B  }
0xa2: {  	_ =	swait.ge [sflag:s23], $0x1  }
0xa3: {  	[sflag:s23] =	ssyncset.done $0x0  }
0xa4: {  	s25 =	simm.s32 $0x1B8E;
	s24 =	sld [smem:$0x3FFE];
	[sflag:s23] =	ssyncadd.s32 $0xFFFFFFFF  }
0xa5: {  	s26 =	simm.s32 $execute0_lowered;
	[smem:$0x3FD2] =	sst s25  }
0xa6: {  	s5 =	sshll.u32 s26, $0x1;
	_ =	strace $0x80000049;
	[dreg:$0x1] =	wrdreg $0xFFFFFFFF  }
0xa7: {  	s28 =	simm.s32 $_size_execute0_lowered;
	s3 =	sadd.s32 s3, s5;
	[dreg:$0x0] =	wrdreg $0x0  }
0xa8: {  	s5 =	sshll.u32 s28, $0x1;
	[dreg:$0x2] =	wrdreg s3  }
0xa9: {  	[dreg:$0x3] =	wrdreg s5  }
0xaa: {  	[dreg:$0x4] =	wrdreg $0xC0  }
0xab: {  	_ =	task [dreg:s7], $0x5FFFF  }
0xac: {  	[dreg:$0x1] =	wrdreg $0xFFFFFFFF  }
0xad: {  	[dreg:$0x0] =	wrdreg $0x60  }
0xae: {  	[dreg:$0x2] =	wrdreg s2  }
0xaf: {  	[dreg:$0x3] =	wrdreg s24  }
0xb0: {  	[dreg:$0x4] =	wrdreg $0x82000  }
0xb1: {  	[dreg:$0x5] =	wrdreg $0x9  }
0xb2: {  	_ =	task.clear_ibuf [dreg:s7], $0x6FFFF;
	_ =	strace $0x90000049  }
0xb3: {  	s29 =	simm.s32 $0x9;
	_ =	strace $0x8000004B  }
0xb4: {  	_ =	swait.ge [sflag:s29], $0x1  }
0xb5: {  	[sflag:s29] =	ssyncadd.s32 $0xFFFFFFFF  }
0xb6: {  	_ =	strace $0x9000004B  }
0xb7: {  	_ =	sfence  }
0xb8: {  	s30 =	sld [smem:$0x0];
	_ =	sdelay $0x2  }
0xb9: {  	s31 =	sshll.u32 s1, $0xD;
	s1 =	sshrl.u32 s1, $0x2  }
0xba: {  	s3 =	sand.u32 $0x4000, s31;
	s1 =	sadd.s32 s1, s30  }
0xbb: {  	s0 =	sor.u32 s3, s0;
	s1 =	sshll.u32 s1, $0x11  }
0xbc: {  	s0 =	sor.u32 s1, s0  }
0xbd: {  	s0 =	sadd.s32 $0x8F2B, s0  }
0xbe: {  	[sflag:s0] =	ssyncadd.remote.s32 $0x1  }
0xbf: {  	_ =	sfence.sel $0xFFFF  }
0xc0: {  	[dreg:$0x0] =	wrdreg $0xFFFFFFFF;
	(pc) =	sbr.abs _section_cstart, $3  }
0xc1: {  	[dreg:$0x1] =	wrdreg $0xFFFFFFFF  }
0xc2: {  	_ =	task.clear_ibuf [dreg:s7], $0x2FFFF;
	_ =	strace $0x9FFFFFFF  }
0xc3: {  	(tm) =	ssettm $0x7FFFFFFF  }
tec
execute0_lowered:
.L_overlay_start_1:
0x0: {  	(tag) =	ssettag $0x1  }
0x1: {  	s1 =	rddreg [dreg:$0x0]  }
0x2: {  	s6 =	rddreg [dreg:$0x1]  }
0x3: {  	s3 =	rddreg [dreg:$0x2]  }
0x4: {  	s0 =	rddreg [dreg:$0x3]  }
0x5: {  	s4 =	simm.s32 $0x0;
	s5 =	srdreg.scid;
	s2 =	stileid.u32  }
0x6: {  	s15 =	simm.s32 $0x100;
	s16 =	simm.s32 $0x1;
	s17 =	simm.s32 $0x7D  }
0x7: {  	s18 =	simm.s32 $0x200;
	s19 =	simm.s32 $0x2;
	s20 =	simm.s32 $0x4200  }
0x8: {  	s21 =	simm.s32 $0x3;
	s22 =	simm.s32 $0x80;
	s23 =	simm.s32 $0x4  }
0x9: {  	s24 =	simm.s32 $0x180;
	s25 =	simm.s32 $0x0;
	[smem:$0x7FF] =	sst s4  }
0xa: {  	s7 =	sand.u32 $0x1, s5;
	s28 =	smul.u32 $0x278, s2;
	s11 =	sadd.s32 $0xD400, s6  }
0xb: {  	s5 =	sadd.s32 $0x21800, s6;
	s14 =	smul.u32 $0x50, s2;
	s30 =	sshll.u32 s2, $0x6  }
0xc: {  	_ =	strace $0x8000004A;
	s8 =	sshll.u32 s7, $0x4;
	s10 =	smul.u32 $0x138800, s7  }
0xd: {  	s12 =	ssub.s32 $0x2, s7;
	s7 =	smul.u32 $0x500, s7;
	s9 =	smin.u32 s28, $0x2498  }
0xe: {  	s8 =	sor.u32 s2, s8;
	s13 =	sshrl.u32 s12, $0x1;
	s9 =	sshll.u32 s9, $0x7  }
0xf: {  	s8 =	smul.u32 $0xA00, s8;
	s12 =	ssub.s32 s12, s13;
	s14 =	sadd.s32 s14, s7  }
0x10: {  	s7 =	sor.u32 $0x1C05, s30;
	s10 =	sadd.s32 s10, s9;
	s14 =	sshll.u32 s14, $0x5  }
0x11: {  	s29 =	sadd.s32 s9, s3;
	s10 =	sshrl.u32 s10, $0x3;
	s31 =	sadd.s32 s14, s11  }
0x12: {  	s13 =	sshrl.u32 s29, $0x3;
	s10 =	sadd.s32 s10, s6;
	s6 =	sadd.s32 s11, s8  }
0x13: {  	s14 =	simm.s32 $0x5;
	s11 =	sadd.s32 $0x60, s31;
	s8 =	sadd.s32 $0x20, s6  }
0x14: {  	s9 =	sadd.s32 $0x24000, s10;
	s10 =	smax.u32 s12, $0x1;
	s12 =	sadd.s32 $0x40, s31  }
.LBB2_1:
0x15: {  	[spmem:s13], [sflag:s7] =	dma.local [hbm:s5], $0x2780  }
0x16: {  	_ =	swait.ge [sflag:s14], $0x2780  }
0x17: {  	[sflag:s14] =	ssyncset.done $0x0  }
0x18: {  	[sflag:s14] =	ssyncadd.s32 $0xFFFFD880  }
0x19: {  	[bflag:$0x0] =	sbarrier.arrive $0xFFFF  }
0x1a: {  	[tilespmem:s4], [sflag:$0x1] =	stream.linear.gather [hbm4b:s6+s4], $0x100, $0x38;
	[tilespmem:$0x1BA80] =	vst v63  }
0x1b: {  	_ = 	snop  }
0x1c: {  	[tilespmem:s15], [sflag:$0x2] =	stream.linear.gather [hbm4b:s8+s4], $0x100, $0x38;
	[tilespmem:$0x1BA80] =	vst v63  }
0x1d: {  	_ =	swait.ge [sflag:s16], $0x100  }
0x1e: {  	[sflag:s16] =	ssyncset.done $0x0  }
0x1f: {  	[sflag:s16] =	ssyncadd.s32 $0xFFFFFF00  }
0x20: {  	[tilespmem:s18], [sflag:$0x3] =	stream.indirect.gather [hbm4b:s1+s17], $0x80, s4, s17, $0xb8;
	[tilespmem:$0x1BA80] =	vst v63  }
0x21: {  	_ =	swait.ge [sflag:s19], $0x100  }
0x22: {  	[sflag:s19] =	ssyncset.done $0x0  }
0x23: {  	[sflag:s19] =	ssyncadd.s32 $0xFFFFFF00  }
0x24: {  	[tilespmem:s20], [sflag:$0x4] =	stream.indirect.gather [hbm4b:s1+s17], $0x80, s15, s17, $0xb8;
	[tilespmem:$0x1BA80] =	vst v63  }
0x25: {  	_ =	swait.ge [sflag:s21], $0x3E80  }
0x26: {  	[sflag:s21] =	ssyncset.done $0x0  }
0x27: {  	[sflag:s21] =	ssyncadd.s32 $0xFFFFC180  }
0x28: {  	[spmem:s3] =	stream.indirect.scatter.add.f32 [tilespmem:s18], [sflag:$0x5], $0x80, s22, s17, $0xb8;
	[tilespmem:$0x1BA80] =	vst v63  }
0x29: {  	_ =	swait.ge [sflag:s14], $0x3E80  }
0x2a: {  	[sflag:s14] =	ssyncset.done $0x0  }
0x2b: {  	s26 =	sadd.s32 $0x0, s12;
	[sflag:s14] =	ssyncadd.s32 $0xFFFFC180  }
0x2c: {  	[tilespmem:s4], [sflag:$0x1] =	stream.linear.gather [hbm4b:s26+s4], $0x100, $0x38;
	[tilespmem:$0x1BA80] =	vst v63  }
0x2d: {  	_ =	swait.ge [sflag:s16], $0x100  }
0x2e: {  	[sflag:s16] =	ssyncset.done $0x0  }
0x2f: {  	[sflag:s16] =	ssyncadd.s32 $0xFFFFFF00  }
0x30: {  	[tilespmem:s18], [sflag:$0x3] =	stream.indirect.gather [hbm4b:s1+s17], $0x80, s4, s17, $0xb8;
	[tilespmem:$0x1BA80] =	vst v63  }
0x31: {  	_ =	swait.ge [sflag:s23], $0x3E80  }
0x32: {  	[sflag:s23] =	ssyncset.done $0x0  }
0x33: {  	[sflag:s23] =	ssyncadd.s32 $0xFFFFC180  }
0x34: {  	[spmem:s3] =	stream.indirect.scatter.add.f32 [tilespmem:s20], [sflag:$0x5], $0x80, s24, s17, $0xb8;
	[tilespmem:$0x1BA80] =	vst v63  }
0x35: {  	_ =	swait.ge [sflag:s14], $0x3E80  }
0x36: {  	[sflag:s14] =	ssyncset.done $0x0  }
0x37: {  	s28 =	sadd.s32 $0x0, s11;
	s26 =	simm.s32 $0x40;
	[sflag:s14] =	ssyncadd.s32 $0xFFFFC180  }
.LBB2_2:
0x38: {  	[tilespmem:s15], [sflag:$0x2] =	stream.linear.gather [hbm4b:s28+s4], $0x100, $0x38;
	[tilespmem:$0x1BA80] =	vst v63  }
0x39: {  	s28 =	smov.u32 s26  }
0x3a: {  	p0 =	sne.s32 s26, $0x980;
	s26 =	sadd.s32 $0x40, s26;
	_ =	swait.ge [sflag:s19], $0x100  }
0x3b: {  	[sflag:s19] =	ssyncset.done $0x0  }
0x3c: {  	[sflag:s19] =	ssyncadd.s32 $0xFFFFFF00  }
0x3d: {  	[tilespmem:s20], [sflag:$0x4] =	stream.indirect.gather [hbm4b:s1+s17], $0x80, s15, s17, $0xb8;
	[tilespmem:$0x1BA80] =	vst v63  }
0x3e: {  	_ =	swait.ge [sflag:s21], $0x3E80  }
0x3f: {  	[sflag:s21] =	ssyncset.done $0x0  }
0x40: {  	[sflag:s21] =	ssyncadd.s32 $0xFFFFC180  }
0x41: {  	[spmem:s3] =	stream.indirect.scatter.add.f32 [tilespmem:s18], [sflag:$0x5], $0x80, s22, s17, $0xb8;
	[tilespmem:$0x1BA80] =	vst v63  }
0x42: {  	_ =	swait.ge [sflag:s14], $0x3E80  }
0x43: {  	[sflag:s14] =	ssyncset.done $0x0  }
0x44: {  	s29 =	sadd.s32 s28, s12;
	[sflag:s14] =	ssyncadd.s32 $0xFFFFC180  }
0x45: {  	[tilespmem:s4], [sflag:$0x1] =	stream.linear.gather [hbm4b:s29+s4], $0x100, $0x38;
	[tilespmem:$0x1BA80] =	vst v63  }
0x46: {  	_ =	swait.ge [sflag:s16], $0x100  }
0x47: {  	[sflag:s16] =	ssyncset.done $0x0  }
0x48: {  	[sflag:s16] =	ssyncadd.s32 $0xFFFFFF00  }
0x49: {  	[tilespmem:s18], [sflag:$0x3] =	stream.indirect.gather [hbm4b:s1+s17], $0x80, s4, s17, $0xb8;
	[tilespmem:$0x1BA80] =	vst v63  }
0x4a: {  	_ =	swait.ge [sflag:s23], $0x3E80  }
0x4b: {  	[sflag:s23] =	ssyncset.done $0x0  }
.Ltmp0:
0x4c: {  	[sflag:s23] =	ssyncadd.s32 $0xFFFFC180;
	(pc) =	sbr.rel @p0 .LBB2_2-.Ltmp0, $4  }
0x4d: {  	[spmem:s3] =	stream.indirect.scatter.add.f32 [tilespmem:s20], [sflag:$0x5], $0x80, s24, s17, $0xb8;
	[tilespmem:$0x1BA80] =	vst v63  }
0x4e: {  	_ =	swait.ge [sflag:s14], $0x3E80  }
0x4f: {  	[sflag:s14] =	ssyncset.done $0x0  }
0x50: {  	s28 =	sadd.s32 s28, s11;
	[sflag:s14] =	ssyncadd.s32 $0xFFFFC180  }
0x51: {  	[tilespmem:s15], [sflag:$0x2] =	stream.linear.gather [hbm4b:s28+s4], $0x100, $0x38;
	[tilespmem:$0x1BA80] =	vst v63  }
0x52: {  	_ =	swait.ge [sflag:s19], $0x100  }
0x53: {  	[sflag:s19] =	ssyncset.done $0x0  }
0x54: {  	[sflag:s19] =	ssyncadd.s32 $0xFFFFFF00  }
0x55: {  	[tilespmem:s20], [sflag:$0x4] =	stream.indirect.gather [hbm4b:s1+s17], $0x80, s15, s17, $0xb8;
	[tilespmem:$0x1BA80] =	vst v63  }
0x56: {  	_ =	swait.ge [sflag:s21], $0x3E80  }
0x57: {  	[sflag:s21] =	ssyncset.done $0x0  }
0x58: {  	[sflag:s21] =	ssyncadd.s32 $0xFFFFC180  }
0x59: {  	[spmem:s3] =	stream.indirect.scatter.add.f32 [tilespmem:s18], [sflag:$0x5], $0x80, s22, s17, $0xb8;
	[tilespmem:$0x1BA80] =	vst v63  }
0x5a: {  	_ =	swait.ge [sflag:s14], $0x3E80  }
0x5b: {  	[sflag:s14] =	ssyncset.done $0x0  }
0x5c: {  	[sflag:s14] =	ssyncadd.s32 $0xFFFFC180  }
0x5d: {  	_ =	swait.ge [sflag:s23], $0x3E80  }
0x5e: {  	[sflag:s23] =	ssyncset.done $0x0  }
0x5f: {  	[sflag:s23] =	ssyncadd.s32 $0xFFFFC180  }
0x60: {  	[spmem:s3] =	stream.indirect.scatter.add.f32 [tilespmem:s20], [sflag:$0x5], $0x80, s24, s17, $0xb8;
	[tilespmem:$0x1BA80] =	vst v63  }
0x61: {  	_ =	swait.ge [sflag:s14], $0x3E80  }
0x62: {  	s25 =	sadd.s32 $0x1, s25;
	[sflag:s14] =	ssyncset.done $0x0  }
0x63: {  	p0 =	sne.s32 s25, s10;
	[sflag:s14] =	ssyncadd.s32 $0xFFFFC180  }
.Ltmp1:
0x64: {  	[bflag:$0x0] =	sbarrier.arrive $0xFFFF;
	(pc) =	sbr.rel @p0 .LBB2_1-.Ltmp1, $4  }
0x65: {  	[hbm:s9], [sflag:s7] =	dma.local [spmem:s13], $0x2780  }
0x66: {  	_ =	swait.ge [sflag:s14], $0x2780  }
0x67: {  	[sflag:s14] =	ssyncset.done $0x0  }
0x68: {  	[sflag:s14] =	ssyncadd.s32 $0xFFFFD880  }
0x69: {  	_ =	sfence.sel $0x180000  }
0x6a: {  	[bflag:$0x0] =	sbarrier.arrive $0xFFFF  }
0x6b: {  	p0 =	sne.s32 s2, $0x0;
	_ =	strace $0x9000004A  }
0x6c: {  	s0 =	sadd.s32 @!p0 $0x100000, s0;
	[bflag:$0x2] =	sbarrier.arrive $0xFFFF  }
0x6d: {  	[sflag:s0] =	ssyncadd.tile.s32 @!p0 $0x1;
	_ =	shalt  }
.Lfunc_end2:
_tile_overlayer_lowered:
.L_overlay_start_2:
0x6e: {  	(tag) =	ssettag $0x2  }
0x6f: {  	s0 =	rddreg [dreg:$0x0];
	s2 =	stileid.u32  }
0x70: {  	s1 =	rddreg [dreg:$0x1];
	p0 =	sne.s32 s2, $0x0  }
0x71: {  	s3 =	rddreg [dreg:$0x2];
	[bflag:$0x3] =	sbarrier.arrive $0xFFFF;
	s2 =	simm.s32 @!p0 $0x1C05  }
0x72: {  	[timem:s3], [sflag:s2] =	dma.local @!p0 [hbm:s0], s1  }
0x73: {  	s0 =	simm.s32 @!p0 $0x5  }
0x74: {  	_ =	swait.ge @!p0 [sflag:s0], s1  }
0x75: {  	s1 =	ssub.s32 @!p0 $0x0, s1;
	[sflag:s0] =	ssyncset.done @!p0 $0x0  }
0x76: {  	[sflag:s0] =	ssyncadd.s32 @!p0 s1  }
0x77: {  	[bflag:$0x3] =	sbarrier.arrive $0xFFFF  }
0x78: {  	_ =	shalt  }

// kernel: kernel.16.cloned.1.call-start
scs
__scs_entry_jumppad:
0x0: {  	(pc) =	sbr.rel $0x88, $3  }
0x1: {  	(tag) =	ssettag $0x0;
	lr =	simm.s32 $0x1  }
0x2: {  	[smem:$0x3F9A] =	sst lr;
	_ =	strace $0xD0000000  }
0x3: {  	_ = 	snop  }
0x4: {  	_ = 	snop  }
0x5: {  	_ = 	snop  }
0x6: {  	_ = 	snop  }
0x7: {  	_ = 	snop  }
__scs_overlays_trampoline_lowered:
0x8: {  	[smem:$0x3FA9] =	sst s0  }
0x9: {  	[smem:$0x3FAA] =	sst s1  }
0xa: {  	[smem:$0x3FAB] =	sst s2  }
0xb: {  	[smem:$0x3FAC] =	sst s3  }
0xc: {  	[smem:$0x3FAD] =	sst s4  }
0xd: {  	[smem:$0x3FAE] =	sst s5  }
0xe: {  	[smem:$0x3FAF] =	sst s6  }
0xf: {  	[smem:$0x3FB0] =	sst s7  }
0x10: {  	[smem:$0x3FB1] =	sst s8  }
0x11: {  	[smem:$0x3FB2] =	sst s9;
	s0 =	simm.s32 @!p0 $0x0  }
0x12: {  	s1 =	sld [smem:$0x3F98];
	s0 =	simm.s32 @p0 $0x1  }
0x13: {  	[smem:$0x3FB3] =	sst s0;
	s0 =	simm.s32 @!p1 $0x0  }
0x14: {  	s2 =	sld [smem:$0x3F97];
	s0 =	simm.s32 @p1 $0x1  }
0x15: {  	[smem:$0x3FB4] =	sst s0;
	s0 =	simm.s32 @!p2 $0x0  }
0x16: {  	s3 =	sld [smem:$0x3FDB];
	s0 =	simm.s32 @p2 $0x1  }
0x17: {  	s4 =	simm.s32 $0x1BF5;
	[smem:$0x3FB6] =	sst s0  }
0x18: {  	s0 =	sld [smem:$0x3F99];
	_ =	swait.ge [sflag:s4], $0x0  }
0x19: {  	s7 =	sld [smem:$0x3F9A]  }
0x1a: {  	s8 =	sadd.s32 $0xFFFFE003, lr  }
0x1b: {  	s9 =	sadd.s32 $0xFFFFFEF7, lr;
	s5 =	simm.s32 $0xFFFFFFFF;
	p2 =	slt.u32 s8, $0xFFFFF086  }
0x1c: {  	p1 =	slt.u32 s9, $0xF7A;
	s5 =	simm.s32 @!p2 $0x0  }
0x1d: {  	s5 =	simm.s32 @p1 $0x1;
	p0 =	seq.s32 s7, s2  }
0x1e: {  	s7 =	smul.u32 @!p0 $0xF7A, s2;
	p2 =	seq.s32 @!p0 s5, $0x0  }
0x1f: {  	s9 =	smul.u32 $0xF7A, s1;
	s8 =	simm.s32 @!p0 $0x1BF5;
	p2 =	por !p2, p0  }
0x20: {  	[sflag:s8] =	ssyncset.s32 @!p0 $0xFFFFF086;
	s6 =	sadd.s32 @!p0 s3, s7;
	s7 =	simm.s32 @!p0 $0x108  }
0x21: {  	s3 =	sadd.s32 s3, s9;
	s6 =	sadd.s32 @!p0 $0x88, s6;
	s7 =	simm.s32 @p2 $0x1082  }
0x22: {  	[simem:s7], [sflag:s8] =	dma.local @!p0 [hbm:s6], $0xF7A  }
0x23: {  	s9 =	sor.u32 $0xD0000000, s2;
	s6 =	simm.s32 $0x108;
	_ =	swait.ge @!p0 [sflag:s8], $0x0  }
0x24: {  	s3 =	sadd.s32 $0x88, s3;
	s6 =	simm.s32 @!p1 $0x1082;
	[sflag:s4] =	ssyncset.s32 $0xFFFFF086  }
0x25: {  	[simem:s6], [sflag:s4] =	dma.local [hbm:s3], $0xF7A  }
0x26: {  	[smem:$0x3F9A] =	sst s1;
	(tag) =	ssettag s2;
	_ =	strace s9  }
0x27: {  	s1 =	sld [smem:$0x3FAA]  }
0x28: {  	s2 =	sld [smem:$0x3FAB]  }
0x29: {  	s4 =	sld [smem:$0x3FAD]  }
0x2a: {  	p0 =	seq.s32 s5, $0x0;
	s5 =	sld [smem:$0x3FAE]  }
0x2b: {  	s6 =	sld [smem:$0x3FAF]  }
0x2c: {  	s7 =	sld [smem:$0x3FB0]  }
0x2d: {  	s3 =	simm.s32 $0x108;
	s8 =	sld [smem:$0x3FB1]  }
0x2e: {  	s3 =	simm.s32 @!p0 $0x1082;
	s9 =	sld [smem:$0x3FB2]  }
0x2f: {  	lr =	sadd.s32 s0, s3;
	s0 =	sld [smem:$0x3FA9]  }
0x30: {  	s3 =	sld [smem:$0x3FAC]  }
0x31: {  	[smem:$0x3FB5] =	sst s10  }
0x32: {  	s10 =	sld [smem:$0x3FB3];
	_ =	sdelay $0x3  }
0x33: {  	p0 =	seq.s32 s10, $0x1;
	s10 =	sld [smem:$0x3FB5];
	_ =	sdelay $0x3  }
0x34: {  	[smem:$0x3FB5] =	sst s10  }
0x35: {  	s10 =	sld [smem:$0x3FB4];
	_ =	sdelay $0x3  }
0x36: {  	p1 =	seq.s32 s10, $0x1;
	s10 =	sld [smem:$0x3FB5];
	_ =	sdelay $0x3  }
0x37: {  	[smem:$0x3FB5] =	sst s10  }
0x38: {  	s10 =	sld [smem:$0x3FB6]  }
0x39: {  	_ = 	snop;
	(pc) =	sbr.ind lr, $3  }
0x3a: {  	_ = 	snop  }
0x3b: {  	_ = 	snop  }
0x3c: {  	p2 =	seq.s32 s10, $0x1;
	s10 =	sld [smem:$0x3FB5]  }
0x3d: {  	_ =	shalt  }
0x3e: {  	_ =	shalt  }
0x3f: {  	_ =	shalt  }
0x40: {  	_ =	shalt  }
0x41: {  	_ =	shalt  }
0x42: {  	_ =	shalt  }
0x43: {  	_ =	shalt  }
0x44: {  	_ =	shalt  }
0x45: {  	_ =	shalt  }
0x46: {  	_ =	shalt  }
0x47: {  	_ =	shalt  }
0x48: {  	_ =	shalt  }
0x49: {  	_ =	shalt  }
0x4a: {  	_ =	shalt  }
0x4b: {  	_ =	shalt  }
0x4c: {  	_ =	shalt  }
0x4d: {  	_ =	shalt  }
0x4e: {  	_ =	shalt  }
0x4f: {  	_ =	shalt  }
0x50: {  	_ =	shalt  }
0x51: {  	_ =	shalt  }
0x52: {  	_ =	shalt  }
0x53: {  	_ =	shalt  }
0x54: {  	_ =	shalt  }
0x55: {  	_ =	shalt  }
0x56: {  	_ =	shalt  }
0x57: {  	_ =	shalt  }
0x58: {  	_ =	shalt  }
0x59: {  	_ =	shalt  }
0x5a: {  	_ =	shalt  }
0x5b: {  	_ =	shalt  }
0x5c: {  	_ =	shalt  }
0x5d: {  	_ =	shalt  }
0x5e: {  	_ =	shalt  }
0x5f: {  	_ =	shalt  }
0x60: {  	_ =	shalt  }
0x61: {  	_ =	shalt  }
0x62: {  	_ =	shalt  }
0x63: {  	_ =	shalt  }
0x64: {  	_ =	shalt  }
0x65: {  	_ =	shalt  }
0x66: {  	_ =	shalt  }
0x67: {  	_ =	shalt  }
0x68: {  	_ =	shalt  }
0x69: {  	_ =	shalt  }
0x6a: {  	_ =	shalt  }
0x6b: {  	_ =	shalt  }
0x6c: {  	_ =	shalt  }
0x6d: {  	_ =	shalt  }
0x6e: {  	_ =	shalt  }
0x6f: {  	_ =	shalt  }
0x70: {  	_ =	shalt  }
0x71: {  	_ =	shalt  }
0x72: {  	_ =	shalt  }
0x73: {  	_ =	shalt  }
0x74: {  	_ =	shalt  }
0x75: {  	_ =	shalt  }
0x76: {  	_ =	shalt  }
0x77: {  	_ =	shalt  }
0x78: {  	_ =	shalt  }
0x79: {  	_ =	shalt  }
0x7a: {  	_ =	shalt  }
0x7b: {  	_ =	shalt  }
0x7c: {  	_ =	shalt  }
0x7d: {  	_ =	shalt  }
0x7e: {  	_ =	shalt  }
0x7f: {  	_ =	shalt  }
0x80: {  	_ =	shalt  }
0x81: {  	_ =	shalt  }
0x82: {  	_ =	shalt  }
0x83: {  	_ =	shalt  }
0x84: {  	_ =	shalt  }
0x85: {  	_ =	shalt  }
0x86: {  	_ =	shalt  }
0x87: {  	_ =	shalt  }
.Lfunc_end0:
.L_simem_size_0:
called_computation.2_lowered:
.L_overlay_start_0:
0x88: {  	s2 =	sld [smem:$0x3FD9]  }
0x89: {  	s3 =	sld [smem:$0x3FFE];
	_ =	sdelay $0x1  }
0x8a: {  	s1 =	srdreg.scid  }
0x8b: {  	s0 =	sand.u32 $0x1, s1  }
0x8c: {  	s17 =	sshll.u32 s0, $0xA;
	s2 =	sadd.s32 s3, s2  }
0x8d: {  	s2 =	sadd.s32 s2, s17  }
0x8e: {  	[smem:$0x3FC1] =	sst s2  }
0x8f: {  	_ = 	snop  }
0x90: {  	s2 =	sld [smem:$0x3FD0];
	(tm) =	ssettm $0x1  }
0x91: {  	s18 =	sld [smem:$0x3FFB];
	_ =	sdelay $0x3  }
0x92: {  	_ =	strace s18  }
0x93: {  	s3 =	sld [smem:$0x3FFC];
	_ =	sdelay $0x3  }
0x94: {  	_ =	strace s3  }
0x95: {  	s3 =	sld [smem:$0x3FFD];
	_ =	sdelay $0x3  }
0x96: {  	_ =	strace s3  }
0x97: {  	_ =	strace $0x8FFFFFFF  }
0x98: {  	s19 =	sld [smem:$0x3FDB];
	_ =	sdelay $0x1  }
0x99: {  	s4 =	simm.s32 $_scs_section_size  }
0x9a: {  	s5 =	simm.s32 $_size__tile_overlayer_lowered;
	s6 =	simm.s32 $_tile_overlayer_lowered  }
0x9b: {  	s22 =	simm.s32 $0x1BFF;
	s21 =	sshll.u32 s6, $0x1;
	s3 =	sadd.s32 s4, s19  }
0x9c: {  	s7 =	simm.s32 $0x0;
	s20 =	sshll.u32 s5, $0x1;
	s5 =	sadd.s32 s21, s3  }
0x9d: {  	[timem:s7], [sflag:s22] =	dma.local [hbm:s5], s20  }
0x9e: {  	_ =	swait.ge [sflag:s22], s20  }
0x9f: {  	s4 =	ssub.s32 $0x0, s20;
	[sflag:s22] =	ssyncset.done $0x0  }
0xa0: {  	[sflag:s22] =	ssyncadd.s32 s4;
	_ =	sdelay $0x1  }
0xa1: {  	s23 =	simm.s32 $0x1B8B  }
0xa2: {  	_ =	swait.ge [sflag:s23], $0x1  }
0xa3: {  	[sflag:s23] =	ssyncset.done $0x0  }
0xa4: {  	s25 =	simm.s32 $0x1B8E;
	s24 =	sld [smem:$0x3FFE];
	[sflag:s23] =	ssyncadd.s32 $0xFFFFFFFF  }
0xa5: {  	s26 =	simm.s32 $execute0_lowered;
	[smem:$0x3FD2] =	sst s25  }
0xa6: {  	s5 =	sshll.u32 s26, $0x1;
	_ =	strace $0x8000004C;
	[dreg:$0x1] =	wrdreg $0xFFFFFFFF  }
0xa7: {  	s28 =	simm.s32 $_size_execute0_lowered;
	s3 =	sadd.s32 s3, s5;
	[dreg:$0x0] =	wrdreg $0x0  }
0xa8: {  	s5 =	sshll.u32 s28, $0x1;
	[dreg:$0x2] =	wrdreg s3  }
0xa9: {  	[dreg:$0x3] =	wrdreg s5  }
0xaa: {  	[dreg:$0x4] =	wrdreg $0xC0  }
0xab: {  	_ =	task [dreg:s7], $0x5FFFF  }
0xac: {  	[dreg:$0x1] =	wrdreg $0xFFFFFFFF  }
0xad: {  	[dreg:$0x0] =	wrdreg $0x60  }
0xae: {  	[dreg:$0x2] =	wrdreg s2  }
0xaf: {  	[dreg:$0x3] =	wrdreg s24  }
0xb0: {  	[dreg:$0x4] =	wrdreg $0x82000  }
0xb1: {  	[dreg:$0x5] =	wrdreg $0x9  }
0xb2: {  	_ =	task.clear_ibuf [dreg:s7], $0x6FFFF;
	_ =	strace $0x9000004C  }
0xb3: {  	s29 =	simm.s32 $0x9;
	_ =	strace $0x8000004E  }
0xb4: {  	_ =	swait.ge [sflag:s29], $0x1  }
0xb5: {  	[sflag:s29] =	ssyncadd.s32 $0xFFFFFFFF  }
0xb6: {  	_ =	strace $0x9000004E  }
0xb7: {  	_ =	sfence  }
0xb8: {  	s30 =	sld [smem:$0x0];
	_ =	sdelay $0x2  }
0xb9: {  	s31 =	sshll.u32 s1, $0xD;
	s1 =	sshrl.u32 s1, $0x2  }
0xba: {  	s3 =	sand.u32 $0x4000, s31;
	s1 =	sadd.s32 s1, s30  }
0xbb: {  	s0 =	sor.u32 s3, s0;
	s1 =	sshll.u32 s1, $0x11  }
0xbc: {  	s0 =	sor.u32 s1, s0  }
0xbd: {  	s0 =	sadd.s32 $0x8F2B, s0  }
0xbe: {  	[sflag:s0] =	ssyncadd.remote.s32 $0x1  }
0xbf: {  	_ =	sfence.sel $0xFFFF  }
0xc0: {  	[dreg:$0x0] =	wrdreg $0xFFFFFFFF;
	(pc) =	sbr.abs _section_cstart, $3  }
0xc1: {  	[dreg:$0x1] =	wrdreg $0xFFFFFFFF  }
0xc2: {  	_ =	task.clear_ibuf [dreg:s7], $0x2FFFF;
	_ =	strace $0x9FFFFFFF  }
0xc3: {  	(tm) =	ssettm $0x7FFFFFFF  }
tec
execute0_lowered:
.L_overlay_start_1:
0x0: {  	(tag) =	ssettag $0x1  }
0x1: {  	s1 =	rddreg [dreg:$0x0]  }
0x2: {  	s6 =	rddreg [dreg:$0x1]  }
0x3: {  	s3 =	rddreg [dreg:$0x2]  }
0x4: {  	s0 =	rddreg [dreg:$0x3]  }
0x5: {  	s4 =	simm.s32 $0x0;
	s5 =	srdreg.scid;
	s2 =	stileid.u32  }
0x6: {  	s15 =	simm.s32 $0x100;
	s16 =	simm.s32 $0x1;
	s17 =	simm.s32 $0x7D  }
0x7: {  	s18 =	simm.s32 $0x200;
	s19 =	simm.s32 $0x2;
	s20 =	simm.s32 $0x4200  }
0x8: {  	s21 =	simm.s32 $0x3;
	s22 =	simm.s32 $0x80;
	s23 =	simm.s32 $0x4  }
0x9: {  	s24 =	simm.s32 $0x180;
	s25 =	simm.s32 $0x0;
	[smem:$0x7FF] =	sst s4  }
0xa: {  	s7 =	sand.u32 $0x1, s5;
	s28 =	smul.u32 $0x278, s2;
	s11 =	sadd.s32 $0xD400, s6  }
0xb: {  	s5 =	sadd.s32 $0x21800, s6;
	s14 =	smul.u32 $0x50, s2;
	s30 =	sshll.u32 s2, $0x6  }
0xc: {  	_ =	strace $0x8000004D;
	s8 =	sshll.u32 s7, $0x4;
	s10 =	smul.u32 $0x138800, s7  }
0xd: {  	s12 =	ssub.s32 $0x2, s7;
	s7 =	smul.u32 $0x500, s7;
	s9 =	smin.u32 s28, $0x2498  }
0xe: {  	s8 =	sor.u32 s2, s8;
	s13 =	sshrl.u32 s12, $0x1;
	s9 =	sshll.u32 s9, $0x7  }
0xf: {  	s8 =	smul.u32 $0xA00, s8;
	s12 =	ssub.s32 s12, s13;
	s14 =	sadd.s32 s14, s7  }
0x10: {  	s7 =	sor.u32 $0x1C05, s30;
	s10 =	sadd.s32 s10, s9;
	s14 =	sshll.u32 s14, $0x5  }
0x11: {  	s29 =	sadd.s32 s9, s3;
	s10 =	sshrl.u32 s10, $0x3;
	s31 =	sadd.s32 s14, s11  }
0x12: {  	s13 =	sshrl.u32 s29, $0x3;
	s10 =	sadd.s32 s10, s6;
	s6 =	sadd.s32 s11, s8  }
0x13: {  	s14 =	simm.s32 $0x5;
	s11 =	sadd.s32 $0x60, s31;
	s8 =	sadd.s32 $0x20, s6  }
0x14: {  	s9 =	sadd.s32 $0x24000, s10;
	s10 =	smax.u32 s12, $0x1;
	s12 =	sadd.s32 $0x40, s31  }
.LBB2_1:
0x15: {  	[spmem:s13], [sflag:s7] =	dma.local [hbm:s5], $0x2780  }
0x16: {  	_ =	swait.ge [sflag:s14], $0x2780  }
0x17: {  	[sflag:s14] =	ssyncset.done $0x0  }
0x18: {  	[sflag:s14] =	ssyncadd.s32 $0xFFFFD880  }
0x19: {  	[bflag:$0x0] =	sbarrier.arrive $0xFFFF  }
0x1a: {  	[tilespmem:s4], [sflag:$0x1] =	stream.linear.gather [hbm4b:s6+s4], $0x100, $0x38;
	[tilespmem:$0x1BA80] =	vst v63  }
0x1b: {  	_ = 	snop  }
0x1c: {  	[tilespmem:s15], [sflag:$0x2] =	stream.linear.gather [hbm4b:s8+s4], $0x100, $0x38;
	[tilespmem:$0x1BA80] =	vst v63  }
0x1d: {  	_ =	swait.ge [sflag:s16], $0x100  }
0x1e: {  	[sflag:s16] =	ssyncset.done $0x0  }
0x1f: {  	[sflag:s16] =	ssyncadd.s32 $0xFFFFFF00  }
0x20: {  	[tilespmem:s18], [sflag:$0x3] =	stream.indirect.gather [hbm4b:s1+s17], $0x80, s4, s17, $0xb8;
	[tilespmem:$0x1BA80] =	vst v63  }
0x21: {  	_ =	swait.ge [sflag:s19], $0x100  }
0x22: {  	[sflag:s19] =	ssyncset.done $0x0  }
0x23: {  	[sflag:s19] =	ssyncadd.s32 $0xFFFFFF00  }
0x24: {  	[tilespmem:s20], [sflag:$0x4] =	stream.indirect.gather [hbm4b:s1+s17], $0x80, s15, s17, $0xb8;
	[tilespmem:$0x1BA80] =	vst v63  }
0x25: {  	_ =	swait.ge [sflag:s21], $0x3E80  }
0x26: {  	[sflag:s21] =	ssyncset.done $0x0  }
0x27: {  	[sflag:s21] =	ssyncadd.s32 $0xFFFFC180  }
0x28: {  	[spmem:s3] =	stream.indirect.scatter.add.f32 [tilespmem:s18], [sflag:$0x5], $0x80, s22, s17, $0xb8;
	[tilespmem:$0x1BA80] =	vst v63  }
0x29: {  	_ =	swait.ge [sflag:s14], $0x3E80  }
0x2a: {  	[sflag:s14] =	ssyncset.done $0x0  }
0x2b: {  	s26 =	sadd.s32 $0x0, s12;
	[sflag:s14] =	ssyncadd.s32 $0xFFFFC180  }
0x2c: {  	[tilespmem:s4], [sflag:$0x1] =	stream.linear.gather [hbm4b:s26+s4], $0x100, $0x38;
	[tilespmem:$0x1BA80] =	vst v63  }
0x2d: {  	_ =	swait.ge [sflag:s16], $0x100  }
0x2e: {  	[sflag:s16] =	ssyncset.done $0x0  }
0x2f: {  	[sflag:s16] =	ssyncadd.s32 $0xFFFFFF00  }
0x30: {  	[tilespmem:s18], [sflag:$0x3] =	stream.indirect.gather [hbm4b:s1+s17], $0x80, s4, s17, $0xb8;
	[tilespmem:$0x1BA80] =	vst v63  }
0x31: {  	_ =	swait.ge [sflag:s23], $0x3E80  }
0x32: {  	[sflag:s23] =	ssyncset.done $0x0  }
0x33: {  	[sflag:s23] =	ssyncadd.s32 $0xFFFFC180  }
0x34: {  	[spmem:s3] =	stream.indirect.scatter.add.f32 [tilespmem:s20], [sflag:$0x5], $0x80, s24, s17, $0xb8;
	[tilespmem:$0x1BA80] =	vst v63  }
0x35: {  	_ =	swait.ge [sflag:s14], $0x3E80  }
0x36: {  	[sflag:s14] =	ssyncset.done $0x0  }
0x37: {  	s28 =	sadd.s32 $0x0, s11;
	s26 =	simm.s32 $0x40;
	[sflag:s14] =	ssyncadd.s32 $0xFFFFC180  }
.LBB2_2:
0x38: {  	[tilespmem:s15], [sflag:$0x2] =	stream.linear.gather [hbm4b:s28+s4], $0x100, $0x38;
	[tilespmem:$0x1BA80] =	vst v63  }
0x39: {  	s28 =	smov.u32 s26  }
0x3a: {  	p0 =	sne.s32 s26, $0x980;
	s26 =	sadd.s32 $0x40, s26;
	_ =	swait.ge [sflag:s19], $0x100  }
0x3b: {  	[sflag:s19] =	ssyncset.done $0x0  }
0x3c: {  	[sflag:s19] =	ssyncadd.s32 $0xFFFFFF00  }
0x3d: {  	[tilespmem:s20], [sflag:$0x4] =	stream.indirect.gather [hbm4b:s1+s17], $0x80, s15, s17, $0xb8;
	[tilespmem:$0x1BA80] =	vst v63  }
0x3e: {  	_ =	swait.ge [sflag:s21], $0x3E80  }
0x3f: {  	[sflag:s21] =	ssyncset.done $0x0  }
0x40: {  	[sflag:s21] =	ssyncadd.s32 $0xFFFFC180  }
0x41: {  	[spmem:s3] =	stream.indirect.scatter.add.f32 [tilespmem:s18], [sflag:$0x5], $0x80, s22, s17, $0xb8;
	[tilespmem:$0x1BA80] =	vst v63  }
0x42: {  	_ =	swait.ge [sflag:s14], $0x3E80  }
0x43: {  	[sflag:s14] =	ssyncset.done $0x0  }
0x44: {  	s29 =	sadd.s32 s28, s12;
	[sflag:s14] =	ssyncadd.s32 $0xFFFFC180  }
0x45: {  	[tilespmem:s4], [sflag:$0x1] =	stream.linear.gather [hbm4b:s29+s4], $0x100, $0x38;
	[tilespmem:$0x1BA80] =	vst v63  }
0x46: {  	_ =	swait.ge [sflag:s16], $0x100  }
0x47: {  	[sflag:s16] =	ssyncset.done $0x0  }
0x48: {  	[sflag:s16] =	ssyncadd.s32 $0xFFFFFF00  }
0x49: {  	[tilespmem:s18], [sflag:$0x3] =	stream.indirect.gather [hbm4b:s1+s17], $0x80, s4, s17, $0xb8;
	[tilespmem:$0x1BA80] =	vst v63  }
0x4a: {  	_ =	swait.ge [sflag:s23], $0x3E80  }
0x4b: {  	[sflag:s23] =	ssyncset.done $0x0  }
.Ltmp0:
0x4c: {  	[sflag:s23] =	ssyncadd.s32 $0xFFFFC180;
	(pc) =	sbr.rel @p0 .LBB2_2-.Ltmp0, $4  }
0x4d: {  	[spmem:s3] =	stream.indirect.scatter.add.f32 [tilespmem:s20], [sflag:$0x5], $0x80, s24, s17, $0xb8;
	[tilespmem:$0x1BA80] =	vst v63  }
0x4e: {  	_ =	swait.ge [sflag:s14], $0x3E80  }
0x4f: {  	[sflag:s14] =	ssyncset.done $0x0  }
0x50: {  	s28 =	sadd.s32 s28, s11;
	[sflag:s14] =	ssyncadd.s32 $0xFFFFC180  }
0x51: {  	[tilespmem:s15], [sflag:$0x2] =	stream.linear.gather [hbm4b:s28+s4], $0x100, $0x38;
	[tilespmem:$0x1BA80] =	vst v63  }
0x52: {  	_ =	swait.ge [sflag:s19], $0x100  }
0x53: {  	[sflag:s19] =	ssyncset.done $0x0  }
0x54: {  	[sflag:s19] =	ssyncadd.s32 $0xFFFFFF00  }
0x55: {  	[tilespmem:s20], [sflag:$0x4] =	stream.indirect.gather [hbm4b:s1+s17], $0x80, s15, s17, $0xb8;
	[tilespmem:$0x1BA80] =	vst v63  }
0x56: {  	_ =	swait.ge [sflag:s21], $0x3E80  }
0x57: {  	[sflag:s21] =	ssyncset.done $0x0  }
0x58: {  	[sflag:s21] =	ssyncadd.s32 $0xFFFFC180  }
0x59: {  	[spmem:s3] =	stream.indirect.scatter.add.f32 [tilespmem:s18], [sflag:$0x5], $0x80, s22, s17, $0xb8;
	[tilespmem:$0x1BA80] =	vst v63  }
0x5a: {  	_ =	swait.ge [sflag:s14], $0x3E80  }
0x5b: {  	[sflag:s14] =	ssyncset.done $0x0  }
0x5c: {  	[sflag:s14] =	ssyncadd.s32 $0xFFFFC180  }
0x5d: {  	_ =	swait.ge [sflag:s23], $0x3E80  }
0x5e: {  	[sflag:s23] =	ssyncset.done $0x0  }
0x5f: {  	[sflag:s23] =	ssyncadd.s32 $0xFFFFC180  }
0x60: {  	[spmem:s3] =	stream.indirect.scatter.add.f32 [tilespmem:s20], [sflag:$0x5], $0x80, s24, s17, $0xb8;
	[tilespmem:$0x1BA80] =	vst v63  }
0x61: {  	_ =	swait.ge [sflag:s14], $0x3E80  }
0x62: {  	s25 =	sadd.s32 $0x1, s25;
	[sflag:s14] =	ssyncset.done $0x0  }
0x63: {  	p0 =	sne.s32 s25, s10;
	[sflag:s14] =	ssyncadd.s32 $0xFFFFC180  }
.Ltmp1:
0x64: {  	[bflag:$0x0] =	sbarrier.arrive $0xFFFF;
	(pc) =	sbr.rel @p0 .LBB2_1-.Ltmp1, $4  }
0x65: {  	[hbm:s9], [sflag:s7] =	dma.local [spmem:s13], $0x2780  }
0x66: {  	_ =	swait.ge [sflag:s14], $0x2780  }
0x67: {  	[sflag:s14] =	ssyncset.done $0x0  }
0x68: {  	[sflag:s14] =	ssyncadd.s32 $0xFFFFD880  }
0x69: {  	_ =	sfence.sel $0x180000  }
0x6a: {  	[bflag:$0x0] =	sbarrier.arrive $0xFFFF  }
0x6b: {  	p0 =	sne.s32 s2, $0x0;
	_ =	strace $0x9000004D  }
0x6c: {  	s0 =	sadd.s32 @!p0 $0x100000, s0;
	[bflag:$0x2] =	sbarrier.arrive $0xFFFF  }
0x6d: {  	[sflag:s0] =	ssyncadd.tile.s32 @!p0 $0x1;
	_ =	shalt  }
.Lfunc_end2:
_tile_overlayer_lowered:
.L_overlay_start_2:
0x6e: {  	(tag) =	ssettag $0x2  }
0x6f: {  	s0 =	rddreg [dreg:$0x0];
	s2 =	stileid.u32  }
0x70: {  	s1 =	rddreg [dreg:$0x1];
	p0 =	sne.s32 s2, $0x0  }
0x71: {  	s3 =	rddreg [dreg:$0x2];
	[bflag:$0x3] =	sbarrier.arrive $0xFFFF;
	s2 =	simm.s32 @!p0 $0x1C05  }
0x72: {  	[timem:s3], [sflag:s2] =	dma.local @!p0 [hbm:s0], s1  }
0x73: {  	s0 =	simm.s32 @!p0 $0x5  }
0x74: {  	_ =	swait.ge @!p0 [sflag:s0], s1  }
0x75: {  	s1 =	ssub.s32 @!p0 $0x0, s1;
	[sflag:s0] =	ssyncset.done @!p0 $0x0  }
0x76: {  	[sflag:s0] =	ssyncadd.s32 @!p0 s1  }
0x77: {  	[bflag:$0x3] =	sbarrier.arrive $0xFFFF  }
0x78: {  	_ =	shalt  }

// kernel: kernel.19.cloned.1.call-start
scs
__scs_entry_jumppad:
0x0: {  	(pc) =	sbr.rel $0x88, $3  }
0x1: {  	(tag) =	ssettag $0x0;
	lr =	simm.s32 $0x1  }
0x2: {  	[smem:$0x3F9A] =	sst lr;
	_ =	strace $0xD0000000  }
0x3: {  	_ = 	snop  }
0x4: {  	_ = 	snop  }
0x5: {  	_ = 	snop  }
0x6: {  	_ = 	snop  }
0x7: {  	_ = 	snop  }
__scs_overlays_trampoline_lowered:
0x8: {  	[smem:$0x3FA9] =	sst s0  }
0x9: {  	[smem:$0x3FAA] =	sst s1  }
0xa: {  	[smem:$0x3FAB] =	sst s2  }
0xb: {  	[smem:$0x3FAC] =	sst s3  }
0xc: {  	[smem:$0x3FAD] =	sst s4  }
0xd: {  	[smem:$0x3FAE] =	sst s5  }
0xe: {  	[smem:$0x3FAF] =	sst s6  }
0xf: {  	[smem:$0x3FB0] =	sst s7  }
0x10: {  	[smem:$0x3FB1] =	sst s8  }
0x11: {  	[smem:$0x3FB2] =	sst s9;
	s0 =	simm.s32 @!p0 $0x0  }
0x12: {  	s1 =	sld [smem:$0x3F98];
	s0 =	simm.s32 @p0 $0x1  }
0x13: {  	[smem:$0x3FB3] =	sst s0;
	s0 =	simm.s32 @!p1 $0x0  }
0x14: {  	s2 =	sld [smem:$0x3F97];
	s0 =	simm.s32 @p1 $0x1  }
0x15: {  	[smem:$0x3FB4] =	sst s0;
	s0 =	simm.s32 @!p2 $0x0  }
0x16: {  	s3 =	sld [smem:$0x3FDB];
	s0 =	simm.s32 @p2 $0x1  }
0x17: {  	s4 =	simm.s32 $0x1BF5;
	[smem:$0x3FB6] =	sst s0  }
0x18: {  	s0 =	sld [smem:$0x3F99];
	_ =	swait.ge [sflag:s4], $0x0  }
0x19: {  	s7 =	sld [smem:$0x3F9A]  }
0x1a: {  	s8 =	sadd.s32 $0xFFFFE003, lr  }
0x1b: {  	s9 =	sadd.s32 $0xFFFFFEF7, lr;
	s5 =	simm.s32 $0xFFFFFFFF;
	p2 =	slt.u32 s8, $0xFFFFF086  }
0x1c: {  	p1 =	slt.u32 s9, $0xF7A;
	s5 =	simm.s32 @!p2 $0x0  }
0x1d: {  	s5 =	simm.s32 @p1 $0x1;
	p0 =	seq.s32 s7, s2  }
0x1e: {  	s7 =	smul.u32 @!p0 $0xF7A, s2;
	p2 =	seq.s32 @!p0 s5, $0x0  }
0x1f: {  	s9 =	smul.u32 $0xF7A, s1;
	s8 =	simm.s32 @!p0 $0x1BF5;
	p2 =	por !p2, p0  }
0x20: {  	[sflag:s8] =	ssyncset.s32 @!p0 $0xFFFFF086;
	s6 =	sadd.s32 @!p0 s3, s7;
	s7 =	simm.s32 @!p0 $0x108  }
0x21: {  	s3 =	sadd.s32 s3, s9;
	s6 =	sadd.s32 @!p0 $0x88, s6;
	s7 =	simm.s32 @p2 $0x1082  }
0x22: {  	[simem:s7], [sflag:s8] =	dma.local @!p0 [hbm:s6], $0xF7A  }
0x23: {  	s9 =	sor.u32 $0xD0000000, s2;
	s6 =	simm.s32 $0x108;
	_ =	swait.ge @!p0 [sflag:s8], $0x0  }
0x24: {  	s3 =	sadd.s32 $0x88, s3;
	s6 =	simm.s32 @!p1 $0x1082;
	[sflag:s4] =	ssyncset.s32 $0xFFFFF086  }
0x25: {  	[simem:s6], [sflag:s4] =	dma.local [hbm:s3], $0xF7A  }
0x26: {  	[smem:$0x3F9A] =	sst s1;
	(tag) =	ssettag s2;
	_ =	strace s9  }
0x27: {  	s1 =	sld [smem:$0x3FAA]  }
0x28: {  	s2 =	sld [smem:$0x3FAB]  }
0x29: {  	s4 =	sld [smem:$0x3FAD]  }
0x2a: {  	p0 =	seq.s32 s5, $0x0;
	s5 =	sld [smem:$0x3FAE]  }
0x2b: {  	s6 =	sld [smem:$0x3FAF]  }
0x2c: {  	s7 =	sld [smem:$0x3FB0]  }
0x2d: {  	s3 =	simm.s32 $0x108;
	s8 =	sld [smem:$0x3FB1]  }
0x2e: {  	s3 =	simm.s32 @!p0 $0x1082;
	s9 =	sld [smem:$0x3FB2]  }
0x2f: {  	lr =	sadd.s32 s0, s3;
	s0 =	sld [smem:$0x3FA9]  }
0x30: {  	s3 =	sld [smem:$0x3FAC]  }
0x31: {  	[smem:$0x3FB5] =	sst s10  }
0x32: {  	s10 =	sld [smem:$0x3FB3];
	_ =	sdelay $0x3  }
0x33: {  	p0 =	seq.s32 s10, $0x1;
	s10 =	sld [smem:$0x3FB5];
	_ =	sdelay $0x3  }
0x34: {  	[smem:$0x3FB5] =	sst s10  }
0x35: {  	s10 =	sld [smem:$0x3FB4];
	_ =	sdelay $0x3  }
0x36: {  	p1 =	seq.s32 s10, $0x1;
	s10 =	sld [smem:$0x3FB5];
	_ =	sdelay $0x3  }
0x37: {  	[smem:$0x3FB5] =	sst s10  }
0x38: {  	s10 =	sld [smem:$0x3FB6]  }
0x39: {  	_ = 	snop;
	(pc) =	sbr.ind lr, $3  }
0x3a: {  	_ = 	snop  }
0x3b: {  	_ = 	snop  }
0x3c: {  	p2 =	seq.s32 s10, $0x1;
	s10 =	sld [smem:$0x3FB5]  }
0x3d: {  	_ =	shalt  }
0x3e: {  	_ =	shalt  }
0x3f: {  	_ =	shalt  }
0x40: {  	_ =	shalt  }
0x41: {  	_ =	shalt  }
0x42: {  	_ =	shalt  }
0x43: {  	_ =	shalt  }
0x44: {  	_ =	shalt  }
0x45: {  	_ =	shalt  }
0x46: {  	_ =	shalt  }
0x47: {  	_ =	shalt  }
0x48: {  	_ =	shalt  }
0x49: {  	_ =	shalt  }
0x4a: {  	_ =	shalt  }
0x4b: {  	_ =	shalt  }
0x4c: {  	_ =	shalt  }
0x4d: {  	_ =	shalt  }
0x4e: {  	_ =	shalt  }
0x4f: {  	_ =	shalt  }
0x50: {  	_ =	shalt  }
0x51: {  	_ =	shalt  }
0x52: {  	_ =	shalt  }
0x53: {  	_ =	shalt  }
0x54: {  	_ =	shalt  }
0x55: {  	_ =	shalt  }
0x56: {  	_ =	shalt  }
0x57: {  	_ =	shalt  }
0x58: {  	_ =	shalt  }
0x59: {  	_ =	shalt  }
0x5a: {  	_ =	shalt  }
0x5b: {  	_ =	shalt  }
0x5c: {  	_ =	shalt  }
0x5d: {  	_ =	shalt  }
0x5e: {  	_ =	shalt  }
0x5f: {  	_ =	shalt  }
0x60: {  	_ =	shalt  }
0x61: {  	_ =	shalt  }
0x62: {  	_ =	shalt  }
0x63: {  	_ =	shalt  }
0x64: {  	_ =	shalt  }
0x65: {  	_ =	shalt  }
0x66: {  	_ =	shalt  }
0x67: {  	_ =	shalt  }
0x68: {  	_ =	shalt  }
0x69: {  	_ =	shalt  }
0x6a: {  	_ =	shalt  }
0x6b: {  	_ =	shalt  }
0x6c: {  	_ =	shalt  }
0x6d: {  	_ =	shalt  }
0x6e: {  	_ =	shalt  }
0x6f: {  	_ =	shalt  }
0x70: {  	_ =	shalt  }
0x71: {  	_ =	shalt  }
0x72: {  	_ =	shalt  }
0x73: {  	_ =	shalt  }
0x74: {  	_ =	shalt  }
0x75: {  	_ =	shalt  }
0x76: {  	_ =	shalt  }
0x77: {  	_ =	shalt  }
0x78: {  	_ =	shalt  }
0x79: {  	_ =	shalt  }
0x7a: {  	_ =	shalt  }
0x7b: {  	_ =	shalt  }
0x7c: {  	_ =	shalt  }
0x7d: {  	_ =	shalt  }
0x7e: {  	_ =	shalt  }
0x7f: {  	_ =	shalt  }
0x80: {  	_ =	shalt  }
0x81: {  	_ =	shalt  }
0x82: {  	_ =	shalt  }
0x83: {  	_ =	shalt  }
0x84: {  	_ =	shalt  }
0x85: {  	_ =	shalt  }
0x86: {  	_ =	shalt  }
0x87: {  	_ =	shalt  }
.Lfunc_end0:
.L_simem_size_0:
called_computation.3_lowered:
.L_overlay_start_0:
0x88: {  	s2 =	sld [smem:$0x3FD9]  }
0x89: {  	s3 =	sld [smem:$0x3FFE];
	_ =	sdelay $0x1  }
0x8a: {  	s1 =	srdreg.scid  }
0x8b: {  	s0 =	sand.u32 $0x1, s1  }
0x8c: {  	s17 =	sshll.u32 s0, $0xA;
	s2 =	sadd.s32 s3, s2  }
0x8d: {  	s2 =	sadd.s32 s2, s17  }
0x8e: {  	[smem:$0x3FC1] =	sst s2  }
0x8f: {  	_ = 	snop  }
0x90: {  	s2 =	sld [smem:$0x3FD0];
	(tm) =	ssettm $0x1  }
0x91: {  	s18 =	sld [smem:$0x3FFB];
	_ =	sdelay $0x3  }
0x92: {  	_ =	strace s18  }
0x93: {  	s3 =	sld [smem:$0x3FFC];
	_ =	sdelay $0x3  }
0x94: {  	_ =	strace s3  }
0x95: {  	s3 =	sld [smem:$0x3FFD];
	_ =	sdelay $0x3  }
0x96: {  	_ =	strace s3  }
0x97: {  	_ =	strace $0x8FFFFFFF  }
0x98: {  	s19 =	sld [smem:$0x3FDB];
	_ =	sdelay $0x1  }
0x99: {  	s4 =	simm.s32 $_scs_section_size  }
0x9a: {  	s5 =	simm.s32 $_size__tile_overlayer_lowered;
	s6 =	simm.s32 $_tile_overlayer_lowered  }
0x9b: {  	s22 =	simm.s32 $0x1BFF;
	s21 =	sshll.u32 s6, $0x1;
	s3 =	sadd.s32 s4, s19  }
0x9c: {  	s7 =	simm.s32 $0x0;
	s20 =	sshll.u32 s5, $0x1;
	s5 =	sadd.s32 s21, s3  }
0x9d: {  	[timem:s7], [sflag:s22] =	dma.local [hbm:s5], s20  }
0x9e: {  	_ =	swait.ge [sflag:s22], s20  }
0x9f: {  	s4 =	ssub.s32 $0x0, s20;
	[sflag:s22] =	ssyncset.done $0x0  }
0xa0: {  	[sflag:s22] =	ssyncadd.s32 s4;
	_ =	sdelay $0x1  }
0xa1: {  	s23 =	simm.s32 $0x1B8B  }
0xa2: {  	_ =	swait.ge [sflag:s23], $0x1  }
0xa3: {  	[sflag:s23] =	ssyncset.done $0x0  }
0xa4: {  	s25 =	simm.s32 $0x1B8E;
	s24 =	sld [smem:$0x3FFE];
	[sflag:s23] =	ssyncadd.s32 $0xFFFFFFFF  }
0xa5: {  	s26 =	simm.s32 $execute0_lowered;
	[smem:$0x3FD2] =	sst s25  }
0xa6: {  	s5 =	sshll.u32 s26, $0x1;
	_ =	strace $0x8000004F;
	[dreg:$0x1] =	wrdreg $0xFFFFFFFF  }
0xa7: {  	s28 =	simm.s32 $_size_execute0_lowered;
	s3 =	sadd.s32 s3, s5;
	[dreg:$0x0] =	wrdreg $0x0  }
0xa8: {  	s5 =	sshll.u32 s28, $0x1;
	[dreg:$0x2] =	wrdreg s3  }
0xa9: {  	[dreg:$0x3] =	wrdreg s5  }
0xaa: {  	[dreg:$0x4] =	wrdreg $0xC0  }
0xab: {  	_ =	task [dreg:s7], $0x5FFFF  }
0xac: {  	[dreg:$0x1] =	wrdreg $0xFFFFFFFF  }
0xad: {  	[dreg:$0x0] =	wrdreg $0x60  }
0xae: {  	[dreg:$0x2] =	wrdreg s2  }
0xaf: {  	[dreg:$0x3] =	wrdreg s24  }
0xb0: {  	[dreg:$0x4] =	wrdreg $0x82000  }
0xb1: {  	[dreg:$0x5] =	wrdreg $0x9  }
0xb2: {  	_ =	task.clear_ibuf [dreg:s7], $0x6FFFF;
	_ =	strace $0x9000004F  }
0xb3: {  	s29 =	simm.s32 $0x9;
	_ =	strace $0x80000051  }
0xb4: {  	_ =	swait.ge [sflag:s29], $0x1  }
0xb5: {  	[sflag:s29] =	ssyncadd.s32 $0xFFFFFFFF  }
0xb6: {  	_ =	strace $0x90000051  }
0xb7: {  	_ =	sfence  }
0xb8: {  	s30 =	sld [smem:$0x0];
	_ =	sdelay $0x2  }
0xb9: {  	s31 =	sshll.u32 s1, $0xD;
	s1 =	sshrl.u32 s1, $0x2  }
0xba: {  	s3 =	sand.u32 $0x4000, s31;
	s1 =	sadd.s32 s1, s30  }
0xbb: {  	s0 =	sor.u32 s3, s0;
	s1 =	sshll.u32 s1, $0x11  }
0xbc: {  	s0 =	sor.u32 s1, s0  }
0xbd: {  	s0 =	sadd.s32 $0x8F2B, s0  }
0xbe: {  	[sflag:s0] =	ssyncadd.remote.s32 $0x1  }
0xbf: {  	_ =	sfence.sel $0xFFFF  }
0xc0: {  	[dreg:$0x0] =	wrdreg $0xFFFFFFFF;
	(pc) =	sbr.abs _section_cstart, $3  }
0xc1: {  	[dreg:$0x1] =	wrdreg $0xFFFFFFFF  }
0xc2: {  	_ =	task.clear_ibuf [dreg:s7], $0x2FFFF;
	_ =	strace $0x9FFFFFFF  }
0xc3: {  	(tm) =	ssettm $0x7FFFFFFF  }
tec
execute0_lowered:
.L_overlay_start_1:
0x0: {  	(tag) =	ssettag $0x1  }
0x1: {  	s1 =	rddreg [dreg:$0x0]  }
0x2: {  	s6 =	rddreg [dreg:$0x1]  }
0x3: {  	s3 =	rddreg [dreg:$0x2]  }
0x4: {  	s0 =	rddreg [dreg:$0x3]  }
0x5: {  	s4 =	simm.s32 $0x0;
	s5 =	srdreg.scid;
	s2 =	stileid.u32  }
0x6: {  	s15 =	simm.s32 $0x100;
	s16 =	simm.s32 $0x1;
	s17 =	simm.s32 $0x7D  }
0x7: {  	s18 =	simm.s32 $0x200;
	s19 =	simm.s32 $0x2;
	s20 =	simm.s32 $0x4200  }
0x8: {  	s21 =	simm.s32 $0x3;
	s22 =	simm.s32 $0x80;
	s23 =	simm.s32 $0x4  }
0x9: {  	s24 =	simm.s32 $0x180;
	s25 =	simm.s32 $0x0;
	[smem:$0x7FF] =	sst s4  }
0xa: {  	s7 =	sand.u32 $0x1, s5;
	s28 =	smul.u32 $0x278, s2;
	s11 =	sadd.s32 $0xD400, s6  }
0xb: {  	s5 =	sadd.s32 $0x21800, s6;
	s14 =	smul.u32 $0x50, s2;
	s30 =	sshll.u32 s2, $0x6  }
0xc: {  	_ =	strace $0x80000050;
	s8 =	sshll.u32 s7, $0x4;
	s10 =	smul.u32 $0x138800, s7  }
0xd: {  	s12 =	ssub.s32 $0x2, s7;
	s7 =	smul.u32 $0x500, s7;
	s9 =	smin.u32 s28, $0x2498  }
0xe: {  	s8 =	sor.u32 s2, s8;
	s13 =	sshrl.u32 s12, $0x1;
	s9 =	sshll.u32 s9, $0x7  }
0xf: {  	s8 =	smul.u32 $0xA00, s8;
	s12 =	ssub.s32 s12, s13;
	s14 =	sadd.s32 s14, s7  }
0x10: {  	s7 =	sor.u32 $0x1C05, s30;
	s10 =	sadd.s32 s10, s9;
	s14 =	sshll.u32 s14, $0x5  }
0x11: {  	s29 =	sadd.s32 s9, s3;
	s10 =	sshrl.u32 s10, $0x3;
	s31 =	sadd.s32 s14, s11  }
0x12: {  	s13 =	sshrl.u32 s29, $0x3;
	s10 =	sadd.s32 s10, s6;
	s6 =	sadd.s32 s11, s8  }
0x13: {  	s14 =	simm.s32 $0x5;
	s11 =	sadd.s32 $0x60, s31;
	s8 =	sadd.s32 $0x20, s6  }
0x14: {  	s9 =	sadd.s32 $0x24000, s10;
	s10 =	smax.u32 s12, $0x1;
	s12 =	sadd.s32 $0x40, s31  }
.LBB2_1:
0x15: {  	[spmem:s13], [sflag:s7] =	dma.local [hbm:s5], $0x2780  }
0x16: {  	_ =	swait.ge [sflag:s14], $0x2780  }
0x17: {  	[sflag:s14] =	ssyncset.done $0x0  }
0x18: {  	[sflag:s14] =	ssyncadd.s32 $0xFFFFD880  }
0x19: {  	[bflag:$0x0] =	sbarrier.arrive $0xFFFF  }
0x1a: {  	[tilespmem:s4], [sflag:$0x1] =	stream.linear.gather [hbm4b:s6+s4], $0x100, $0x38;
	[tilespmem:$0x1BA80] =	vst v63  }
0x1b: {  	_ = 	snop  }
0x1c: {  	[tilespmem:s15], [sflag:$0x2] =	stream.linear.gather [hbm4b:s8+s4], $0x100, $0x38;
	[tilespmem:$0x1BA80] =	vst v63  }
0x1d: {  	_ =	swait.ge [sflag:s16], $0x100  }
0x1e: {  	[sflag:s16] =	ssyncset.done $0x0  }
0x1f: {  	[sflag:s16] =	ssyncadd.s32 $0xFFFFFF00  }
0x20: {  	[tilespmem:s18], [sflag:$0x3] =	stream.indirect.gather [hbm4b:s1+s17], $0x80, s4, s17, $0xb8;
	[tilespmem:$0x1BA80] =	vst v63  }
0x21: {  	_ =	swait.ge [sflag:s19], $0x100  }
0x22: {  	[sflag:s19] =	ssyncset.done $0x0  }
0x23: {  	[sflag:s19] =	ssyncadd.s32 $0xFFFFFF00  }
0x24: {  	[tilespmem:s20], [sflag:$0x4] =	stream.indirect.gather [hbm4b:s1+s17], $0x80, s15, s17, $0xb8;
	[tilespmem:$0x1BA80] =	vst v63  }
0x25: {  	_ =	swait.ge [sflag:s21], $0x3E80  }
0x26: {  	[sflag:s21] =	ssyncset.done $0x0  }
0x27: {  	[sflag:s21] =	ssyncadd.s32 $0xFFFFC180  }
0x28: {  	[spmem:s3] =	stream.indirect.scatter.add.f32 [tilespmem:s18], [sflag:$0x5], $0x80, s22, s17, $0xb8;
	[tilespmem:$0x1BA80] =	vst v63  }
0x29: {  	_ =	swait.ge [sflag:s14], $0x3E80  }
0x2a: {  	[sflag:s14] =	ssyncset.done $0x0  }
0x2b: {  	s26 =	sadd.s32 $0x0, s12;
	[sflag:s14] =	ssyncadd.s32 $0xFFFFC180  }
0x2c: {  	[tilespmem:s4], [sflag:$0x1] =	stream.linear.gather [hbm4b:s26+s4], $0x100, $0x38;
	[tilespmem:$0x1BA80] =	vst v63  }
0x2d: {  	_ =	swait.ge [sflag:s16], $0x100  }
0x2e: {  	[sflag:s16] =	ssyncset.done $0x0  }
0x2f: {  	[sflag:s16] =	ssyncadd.s32 $0xFFFFFF00  }
0x30: {  	[tilespmem:s18], [sflag:$0x3] =	stream.indirect.gather [hbm4b:s1+s17], $0x80, s4, s17, $0xb8;
	[tilespmem:$0x1BA80] =	vst v63  }
0x31: {  	_ =	swait.ge [sflag:s23], $0x3E80  }
0x32: {  	[sflag:s23] =	ssyncset.done $0x0  }
0x33: {  	[sflag:s23] =	ssyncadd.s32 $0xFFFFC180  }
0x34: {  	[spmem:s3] =	stream.indirect.scatter.add.f32 [tilespmem:s20], [sflag:$0x5], $0x80, s24, s17, $0xb8;
	[tilespmem:$0x1BA80] =	vst v63  }
0x35: {  	_ =	swait.ge [sflag:s14], $0x3E80  }
0x36: {  	[sflag:s14] =	ssyncset.done $0x0  }
0x37: {  	s28 =	sadd.s32 $0x0, s11;
	s26 =	simm.s32 $0x40;
	[sflag:s14] =	ssyncadd.s32 $0xFFFFC180  }
.LBB2_2:
0x38: {  	[tilespmem:s15], [sflag:$0x2] =	stream.linear.gather [hbm4b:s28+s4], $0x100, $0x38;
	[tilespmem:$0x1BA80] =	vst v63  }
0x39: {  	s28 =	smov.u32 s26  }
0x3a: {  	p0 =	sne.s32 s26, $0x980;
	s26 =	sadd.s32 $0x40, s26;
	_ =	swait.ge [sflag:s19], $0x100  }
0x3b: {  	[sflag:s19] =	ssyncset.done $0x0  }
0x3c: {  	[sflag:s19] =	ssyncadd.s32 $0xFFFFFF00  }
0x3d: {  	[tilespmem:s20], [sflag:$0x4] =	stream.indirect.gather [hbm4b:s1+s17], $0x80, s15, s17, $0xb8;
	[tilespmem:$0x1BA80] =	vst v63  }
0x3e: {  	_ =	swait.ge [sflag:s21], $0x3E80  }
0x3f: {  	[sflag:s21] =	ssyncset.done $0x0  }
0x40: {  	[sflag:s21] =	ssyncadd.s32 $0xFFFFC180  }
0x41: {  	[spmem:s3] =	stream.indirect.scatter.add.f32 [tilespmem:s18], [sflag:$0x5], $0x80, s22, s17, $0xb8;
	[tilespmem:$0x1BA80] =	vst v63  }
0x42: {  	_ =	swait.ge [sflag:s14], $0x3E80  }
0x43: {  	[sflag:s14] =	ssyncset.done $0x0  }
0x44: {  	s29 =	sadd.s32 s28, s12;
	[sflag:s14] =	ssyncadd.s32 $0xFFFFC180  }
0x45: {  	[tilespmem:s4], [sflag:$0x1] =	stream.linear.gather [hbm4b:s29+s4], $0x100, $0x38;
	[tilespmem:$0x1BA80] =	vst v63  }
0x46: {  	_ =	swait.ge [sflag:s16], $0x100  }
0x47: {  	[sflag:s16] =	ssyncset.done $0x0  }
0x48: {  	[sflag:s16] =	ssyncadd.s32 $0xFFFFFF00  }
0x49: {  	[tilespmem:s18], [sflag:$0x3] =	stream.indirect.gather [hbm4b:s1+s17], $0x80, s4, s17, $0xb8;
	[tilespmem:$0x1BA80] =	vst v63  }
0x4a: {  	_ =	swait.ge [sflag:s23], $0x3E80  }
0x4b: {  	[sflag:s23] =	ssyncset.done $0x0  }
.Ltmp0:
0x4c: {  	[sflag:s23] =	ssyncadd.s32 $0xFFFFC180;
	(pc) =	sbr.rel @p0 .LBB2_2-.Ltmp0, $4  }
0x4d: {  	[spmem:s3] =	stream.indirect.scatter.add.f32 [tilespmem:s20], [sflag:$0x5], $0x80, s24, s17, $0xb8;
	[tilespmem:$0x1BA80] =	vst v63  }
0x4e: {  	_ =	swait.ge [sflag:s14], $0x3E80  }
0x4f: {  	[sflag:s14] =	ssyncset.done $0x0  }
0x50: {  	s28 =	sadd.s32 s28, s11;
	[sflag:s14] =	ssyncadd.s32 $0xFFFFC180  }
0x51: {  	[tilespmem:s15], [sflag:$0x2] =	stream.linear.gather [hbm4b:s28+s4], $0x100, $0x38;
	[tilespmem:$0x1BA80] =	vst v63  }
0x52: {  	_ =	swait.ge [sflag:s19], $0x100  }
0x53: {  	[sflag:s19] =	ssyncset.done $0x0  }
0x54: {  	[sflag:s19] =	ssyncadd.s32 $0xFFFFFF00  }
0x55: {  	[tilespmem:s20], [sflag:$0x4] =	stream.indirect.gather [hbm4b:s1+s17], $0x80, s15, s17, $0xb8;
	[tilespmem:$0x1BA80] =	vst v63  }
0x56: {  	_ =	swait.ge [sflag:s21], $0x3E80  }
0x57: {  	[sflag:s21] =	ssyncset.done $0x0  }
0x58: {  	[sflag:s21] =	ssyncadd.s32 $0xFFFFC180  }
0x59: {  	[spmem:s3] =	stream.indirect.scatter.add.f32 [tilespmem:s18], [sflag:$0x5], $0x80, s22, s17, $0xb8;
	[tilespmem:$0x1BA80] =	vst v63  }
0x5a: {  	_ =	swait.ge [sflag:s14], $0x3E80  }
0x5b: {  	[sflag:s14] =	ssyncset.done $0x0  }
0x5c: {  	[sflag:s14] =	ssyncadd.s32 $0xFFFFC180  }
0x5d: {  	_ =	swait.ge [sflag:s23], $0x3E80  }
0x5e: {  	[sflag:s23] =	ssyncset.done $0x0  }
0x5f: {  	[sflag:s23] =	ssyncadd.s32 $0xFFFFC180  }
0x60: {  	[spmem:s3] =	stream.indirect.scatter.add.f32 [tilespmem:s20], [sflag:$0x5], $0x80, s24, s17, $0xb8;
	[tilespmem:$0x1BA80] =	vst v63  }
0x61: {  	_ =	swait.ge [sflag:s14], $0x3E80  }
0x62: {  	s25 =	sadd.s32 $0x1, s25;
	[sflag:s14] =	ssyncset.done $0x0  }
0x63: {  	p0 =	sne.s32 s25, s10;
	[sflag:s14] =	ssyncadd.s32 $0xFFFFC180  }
.Ltmp1:
0x64: {  	[bflag:$0x0] =	sbarrier.arrive $0xFFFF;
	(pc) =	sbr.rel @p0 .LBB2_1-.Ltmp1, $4  }
0x65: {  	[hbm:s9], [sflag:s7] =	dma.local [spmem:s13], $0x2780  }
0x66: {  	_ =	swait.ge [sflag:s14], $0x2780  }
0x67: {  	[sflag:s14] =	ssyncset.done $0x0  }
0x68: {  	[sflag:s14] =	ssyncadd.s32 $0xFFFFD880  }
0x69: {  	_ =	sfence.sel $0x180000  }
0x6a: {  	[bflag:$0x0] =	sbarrier.arrive $0xFFFF  }
0x6b: {  	p0 =	sne.s32 s2, $0x0;
	_ =	strace $0x90000050  }
0x6c: {  	s0 =	sadd.s32 @!p0 $0x100000, s0;
	[bflag:$0x2] =	sbarrier.arrive $0xFFFF  }
0x6d: {  	[sflag:s0] =	ssyncadd.tile.s32 @!p0 $0x1;
	_ =	shalt  }
.Lfunc_end2:
_tile_overlayer_lowered:
.L_overlay_start_2:
0x6e: {  	(tag) =	ssettag $0x2  }
0x6f: {  	s0 =	rddreg [dreg:$0x0];
	s2 =	stileid.u32  }
0x70: {  	s1 =	rddreg [dreg:$0x1];
	p0 =	sne.s32 s2, $0x0  }
0x71: {  	s3 =	rddreg [dreg:$0x2];
	[bflag:$0x3] =	sbarrier.arrive $0xFFFF;
	s2 =	simm.s32 @!p0 $0x1C05  }
0x72: {  	[timem:s3], [sflag:s2] =	dma.local @!p0 [hbm:s0], s1  }
0x73: {  	s0 =	simm.s32 @!p0 $0x5  }
0x74: {  	_ =	swait.ge @!p0 [sflag:s0], s1  }
0x75: {  	s1 =	ssub.s32 @!p0 $0x0, s1;
	[sflag:s0] =	ssyncset.done @!p0 $0x0  }
0x76: {  	[sflag:s0] =	ssyncadd.s32 @!p0 s1  }
0x77: {  	[bflag:$0x3] =	sbarrier.arrive $0xFFFF  }
0x78: {  	_ =	shalt  }

</sc_bundles>
